<compile_context>
chip_gen: v7x
topology: tpu7x:2x2x1
jax: 0.10.2.dev20260603
libtpu: 0.0.44.dev20260713+nightly
codegen_flags: <defaults>
</compile_context>

<pallas_src>
import jax
import jax.numpy as jnp
from jax import lax
from jax.experimental import pallas as pl
from jax.experimental.pallas import tpu as pltpu
from jax.experimental.pallas import tpu_sc as plsc

N = 10000
E = 320000
D = 128
H = 8
HD = D // H

NC = 2
NS = 16
NW = NC * NS
NPAD = 10240
NROWS = NPAD // 128
EP = E // NW
BB = 128
NBB = EP // BB
TAIL = EP - NBB * BB
SROWS = N // NS
DH = D // 2
RPT = NPAD // NS
ZR = 8

_mesh = plsc.VectorSubcoreMesh(core_axis_name="c", subcore_axis_name="s")


def _deg_body(e0s, e0d, e1s, e1d, z1d, out, idx_v, acc_v):
    c = lax.axis_index("c")
    s = lax.axis_index("s")
    wid = c * NS + s
    ones = jnp.full((16,), 1.0, dtype=jnp.float32)
    for a, arr in enumerate([e0s, e0d, e1s, e1d]):
        pltpu.sync_copy(z1d, acc_v)
        pltpu.sync_copy(arr.at[pl.ds(wid * EP, EP)], idx_v)

        @pl.loop(0, EP // 16)
        def _(i):
            idx16 = idx_v[pl.ds(i * 16, 16)]
            plsc.addupdate_scatter(acc_v, [idx16], ones)

        pltpu.sync_copy(acc_v, out.at[a, c, s])


_deg_call = pl.kernel(
    _deg_body,
    out_type=jax.ShapeDtypeStruct((4, NC, NS, NPAD), jnp.float32),
    mesh=_mesh,
    scratch_types=[
        pltpu.VMEM((EP,), jnp.int32),
        pltpu.VMEM((NPAD,), jnp.float32),
    ],
    compiler_params=pltpu.CompilerParams(needs_layout_passes=False),
)


def _degsum_body(p_ref, o_ref):
    o_ref[...] = jnp.sum(p_ref[...], axis=1, keepdims=True)


_DC = 1280

_degsum_call = pl.pallas_call(
    _degsum_body,
    grid=(4, NPAD // _DC),
    in_specs=[pl.BlockSpec((1, NW, _DC), lambda a, i: (a, 0, i))],
    out_specs=pl.BlockSpec((1, 1, _DC), lambda a, i: (a, 0, i)),
    out_shape=jax.ShapeDtypeStruct((4, 1, NPAD), jnp.float32),
)


def _edge_body(h_lo, h_hi, srcb, dstb, zhalf, out,
               src_v, dst_v, buf0, buf1, tbuf, sem, shared, hstage):
    c = lax.axis_index("c")
    s = lax.axis_index("s")
    wid = c * NS + s
    pltpu.sync_copy(srcb.at[wid], src_v)
    pltpu.sync_copy(dstb.at[wid], dst_v)
    bufs = [buf0, buf1]
    for half, hh in enumerate([h_lo, h_hi]):
        pltpu.sync_copy(hh.at[pl.ds(s * SROWS, SROWS)],
                        hstage.at[pl.ds(s * SROWS, SROWS)])
        pltpu.sync_copy(zhalf.at[pl.ds(s * RPT, RPT)],
                        shared.at[pl.ds(s * RPT, RPT)])
        plsc.subcore_barrier()
        pltpu.async_copy(hstage.at[src_v.at[pl.ds(0, BB)]], buf0, sem)

        @pl.loop(0, NBB, step=2)
        def _(j):
            for b in range(2):
                jj = j + b
                buf = bufs[b]
                other = bufs[1 - b]
                pltpu.make_async_copy(
                    hstage.at[src_v.at[pl.ds(jj * BB, BB)]], buf, sem).wait()

                @pl.when(jj + 1 < NBB)
                def _():
                    pltpu.async_copy(
                        hstage.at[src_v.at[pl.ds((jj + 1) * BB, BB)]],
                        other, sem)

                pltpu.sync_copy(buf, shared.at[dst_v.at[pl.ds(jj * BB, BB)]],
                                add=True)

        pltpu.async_copy(
            hstage.at[src_v.at[pl.ds(NBB * BB, TAIL)]], tbuf, sem).wait()
        pltpu.sync_copy(tbuf, shared.at[dst_v.at[pl.ds(NBB * BB, TAIL)]],
                        add=True)

        plsc.subcore_barrier()
        pltpu.sync_copy(shared.at[pl.ds(s * RPT, RPT)],
                        out.at[c, half, pl.ds(s * RPT, RPT)])
        plsc.subcore_barrier()


_edge_call = pl.kernel(
    _edge_body,
    out_type=jax.ShapeDtypeStruct((NC, 2, NPAD, DH), jnp.float32),
    mesh=_mesh,
    scratch_types=[
        pltpu.VMEM((EP,), jnp.int32),
        pltpu.VMEM((EP,), jnp.int32),
        pltpu.VMEM((BB, DH), jnp.float32),
        pltpu.VMEM((BB, DH), jnp.float32),
        pltpu.VMEM((TAIL, DH), jnp.float32),
        pltpu.SemaphoreType.DMA,
        pltpu.VMEM_SHARED((NPAD, DH), jnp.float32),
        pltpu.VMEM_SHARED((N, DH), jnp.float32),
    ],
    compiler_params=pltpu.CompilerParams(use_tc_tiling_on_sc=False,
                                         needs_layout_passes=False),
)


_RB = 1000
_GRID = N // _RB


def _prescale_body(x_ref, dd, olo, ohi):
    deg = jnp.maximum(dd[...], 1.0)
    v = x_ref[...] * lax.rsqrt(deg)
    olo[...] = v[:, :DH]
    ohi[...] = v[:, DH:]


def _attn_body(pal, pah, pbl, pbh, di, do_, w1, bb1, mh, olo, ohi):
    sin = lax.rsqrt(jnp.maximum(di[...], 1.0))
    aggl = (pal[...] + pbl[...]) * sin
    aggh = (pah[...] + pbh[...]) * sin
    w = w1[...]
    u = jnp.maximum(
        jnp.dot(aggl, w[:DH], preferred_element_type=jnp.float32)
        + jnp.dot(aggh, w[DH:], preferred_element_type=jnp.float32)
        + bb1[...], 0.0)
    t = jnp.dot(u * u, mh[...], preferred_element_type=jnp.float32) * 0.25
    m = jnp.max(t, axis=1, keepdims=True)
    e = jnp.exp(t - m)
    den = jnp.sum(e, axis=1, keepdims=True) * (1.0 / HD)
    att = u * (e / den)
    sout = lax.rsqrt(jnp.maximum(do_[...], 1.0))
    h2 = att * sout
    olo[...] = h2[:, :DH]
    ohi[...] = h2[:, DH:]


def _out_body(pal, pah, pbl, pbh, di, w2, bb2, g, bt, o_ref):
    sin = lax.rsqrt(jnp.maximum(di[...], 1.0))
    aggl = (pal[...] + pbl[...]) * sin
    aggh = (pah[...] + pbh[...]) * sin
    w = w2[...]
    o = jnp.maximum(
        jnp.dot(aggl, w[:DH], preferred_element_type=jnp.float32)
        + jnp.dot(aggh, w[DH:], preferred_element_type=jnp.float32)
        + bb2[...], 0.0)
    mu = jnp.mean(o, axis=1, keepdims=True)
    xc = o - mu
    var = jnp.mean(xc * xc, axis=1, keepdims=True)
    o_ref[...] = xc * lax.rsqrt(var + 1e-5) * g[...] + bt[...]


def _row_spec(w):
    return pl.BlockSpec((_RB, w), lambda i: (i, 0))


def _full_spec(r, w):
    return pl.BlockSpec((r, w), lambda i: (0, 0))


_prescale_call = pl.pallas_call(
    _prescale_body,
    grid=(_GRID,),
    in_specs=[_row_spec(D), _row_spec(1)],
    out_specs=(_row_spec(DH), _row_spec(DH)),
    out_shape=(jax.ShapeDtypeStruct((N, DH), jnp.float32),
               jax.ShapeDtypeStruct((N, DH), jnp.float32)),
)

_attn_call = pl.pallas_call(
    _attn_body,
    grid=(_GRID,),
    in_specs=[_row_spec(DH), _row_spec(DH), _row_spec(DH), _row_spec(DH),
              _row_spec(1), _row_spec(1),
              _full_spec(D, D), _full_spec(1, D), _full_spec(D, D)],
    out_specs=(_row_spec(DH), _row_spec(DH)),
    out_shape=(jax.ShapeDtypeStruct((N, DH), jnp.float32),
               jax.ShapeDtypeStruct((N, DH), jnp.float32)),
)

_out_call = pl.pallas_call(
    _out_body,
    grid=(_GRID,),
    in_specs=[_row_spec(DH), _row_spec(DH), _row_spec(DH), _row_spec(DH),
              _row_spec(1),
              _full_spec(D, D), _full_spec(1, D),
              _full_spec(1, D), _full_spec(1, D)],
    out_specs=_row_spec(D),
    out_shape=jax.ShapeDtypeStruct((N, D), jnp.float32),
)


def _shape_edges(a):
    return a.reshape(NW, EP)


def kernel(x, edge_index0, edge_index1, W1, b1, W2, b2, gamma, beta):
    src0 = edge_index0[0].astype(jnp.int32)
    dst0 = edge_index0[1].astype(jnp.int32)
    src1 = edge_index1[0].astype(jnp.int32)
    dst1 = edge_index1[1].astype(jnp.int32)

    zeros_1d = jnp.zeros((NPAD,), jnp.float32)
    zhalf = jnp.zeros((NPAD, DH), jnp.float32)

    deg_parts = _deg_call(src0, dst0, src1, dst1, zeros_1d)
    degs = _degsum_call(deg_parts.reshape(4, NW, NPAD)).reshape(4, NPAD)
    od0 = degs[0, :N].reshape(N, 1)
    id0 = degs[1, :N].reshape(N, 1)
    od1 = degs[2, :N].reshape(N, 1)
    id1 = degs[3, :N].reshape(N, 1)

    h1lo, h1hi = _prescale_call(x, od0)

    sb0 = _shape_edges(src0)
    db0 = _shape_edges(dst0)
    sb1 = _shape_edges(src1)
    db1 = _shape_edges(dst1)

    p0 = _edge_call(h1lo, h1hi, sb0, db0, zhalf)

    hid = jnp.arange(D, dtype=jnp.int32) // HD
    mh = (hid[:, None] == hid[None, :]).astype(jnp.float32)

    h2lo, h2hi = _attn_call(p0[0, 0, :N], p0[0, 1, :N],
                            p0[1, 0, :N], p0[1, 1, :N],
                            id0, od1, W1, b1.reshape(1, D), mh)

    p1 = _edge_call(h2lo, h2hi, sb1, db1, zhalf)

    return _out_call(p1[0, 0, :N], p1[0, 1, :N],
                     p1[1, 0, :N], p1[1, 1, :N], id1,
                     W2, b2.reshape(1, D),
                     gamma.reshape(1, D), beta.reshape(1, D))

# --- scband reference (transcript-rebuilt; emitter-appended) ---
"""Pipeline reference for scband-gmsa-56667798503670 (READ-ONLY COPY).

The authoritative reference and input builder live on the scoring server;
editing this copy changes nothing except your own understanding.
"""

import jax, jax.numpy as jnp
import numpy as np

N = 10000
E = 320000
D = 128
H = 8
HD = D // H


def graph_conv(x, src, dst, W, b, n_nodes):
    # DGL GraphConv with norm='both', weight=True, bias=True, allow_zero_in_degree=True
    out_deg = jnp.clip(jnp.zeros((n_nodes,), dtype=x.dtype).at[src].add(1.0), 1.0, None)
    in_deg = jnp.clip(jnp.zeros((n_nodes,), dtype=x.dtype).at[dst].add(1.0), 1.0, None)
    h = x * (out_deg ** -0.5)[:, None]
    msg = h[src]
    agg = jnp.zeros((n_nodes, h.shape[1]), dtype=x.dtype).at[dst].add(msg)
    agg = agg * (in_deg ** -0.5)[:, None]
    out = agg @ W + b
    return jax.nn.relu(out)


def layer_norm(x, gamma, beta, eps=1e-5):
    mu = jnp.mean(x, axis=-1, keepdims=True)
    var = jnp.var(x, axis=-1, keepdims=True)
    return (x - mu) / jnp.sqrt(var + eps) * gamma + beta


def setup_inputs(seed: int = 0):
    key = jax.random.key(seed)
    ks = jax.random.split(key, 10)
    x = jax.random.normal(ks[0], (N, D), dtype=jnp.float32)
    edge_index0 = jax.random.randint(ks[1], (2, E), 0, N)
    edge_index1 = jax.random.randint(ks[2], (2, E), 0, N)
    s = 1.0 / np.sqrt(D)
    W1 = jax.random.uniform(ks[3], (D, D), dtype=jnp.float32, minval=-s, maxval=s)
    b1 = jnp.zeros((D,), dtype=jnp.float32)
    W2 = jax.random.uniform(ks[4], (D, D), dtype=jnp.float32, minval=-s, maxval=s)
    b2 = jnp.zeros((D,), dtype=jnp.float32)
    gamma = jnp.ones((D,), dtype=jnp.float32)
    beta = jnp.zeros((D,), dtype=jnp.float32)
    return {"x": x, "edge_index0": edge_index0, "edge_index1": edge_index1,
            "W1": W1, "b1": b1, "W2": W2, "b2": b2, "gamma": gamma, "beta": beta}


def reference(x, edge_index0, edge_index1, W1, b1, W2, b2, gamma, beta):
    src0, dst0 = edge_index0[0], edge_index0[1]
    # feat_drop=0 and att_drop=0 -> dropout is identity; Q, K, V are identical
    q = graph_conv(x, src0, dst0, W1, b1, N)
    Q = q.reshape(N, H, HD)
    K = Q
    V = Q
    scores = jnp.einsum('bhd,bhd->bh', Q, K)
    scores = jax.nn.softmax(scores / (HD ** 0.5), axis=-1)
    attended = scores[:, :, None] * V
    attended = attended.reshape(N, H * HD)
    src1, dst1 = edge_index1[0], edge_index1[1]
    out = graph_conv(attended, src1, dst1, W2, b2, N)
    return layer_norm(out, gamma, beta)

if __name__ == "__main__":
    import jax
    _d = setup_inputs()
    print(jax.jit(kernel)(*tuple(_d.values())))

</pallas_src>

<mosaic_0001>
#map = affine_map<(d0, d1) -> (0)>
#map1 = affine_map<(d0, d1) -> (0, 0, 0, 0)>
module attributes {stable_mosaic.version = 14 : i64} {
  func.func @_deg_body(%arg0: i32, %arg1: i32, %arg2: memref<320000xi32, #tpu.memory_space<hbm>>, %arg3: memref<320000xi32, #tpu.memory_space<hbm>>, %arg4: memref<320000xi32, #tpu.memory_space<hbm>>, %arg5: memref<320000xi32, #tpu.memory_space<hbm>>, %arg6: memref<10240xf32, #tpu.memory_space<hbm>>, %arg7: memref<4x2x16x10240xf32, #tpu.memory_space<hbm>>, %arg8: memref<10000xi32, #tpu.memory_space<vmem>>, %arg9: memref<10240xf32, #tpu.memory_space<vmem>>) attributes {dimension_semantics = [#tpu.dimension_semantics<core_parallel>, #tpu.dimension_semantics<subcore_parallel>], iteration_bounds = array<i64: 2, 16>, scalar_prefetch = 0 : i64, scratch_operands = 2 : i64, tpu.core_type = #tpu.core_type<sc_vector_subcore>, window_params = [{transform_indices = #map}, {transform_indices = #map}, {transform_indices = #map}, {transform_indices = #map}, {transform_indices = #map}, {transform_indices = #map1}]} {
    %mul3A = arith.constant 16 : i32
    %mul3A_0 = arith.muli %arg0, %mul3A : i32
    %add3A = arith.addi %mul3A_0, %arg1 : i32
    %broadcast_in_dim3A = arith.constant 1.000000e+00 : f32
    %broadcast_in_dim3A_1 = vector.broadcast %broadcast_in_dim3A : f32 to vector<16xf32>
    "tpu.region"() ({
      %run_scoped3A_32 = tpu.sem_alloc : memref<!tpu.dma_semaphore, #tpu.memory_space<semaphore_mem>>
      tpu.enqueue_dma source(%arg6 : memref<10240xf32, #tpu.memory_space<hbm>>) target(%arg9 : memref<10240xf32, #tpu.memory_space<vmem>>) target_semaphore(%run_scoped3A_32 : memref<!tpu.dma_semaphore, #tpu.memory_space<semaphore_mem>>)
      tpu.wait_dma2 semaphore(%run_scoped3A_32 : memref<!tpu.dma_semaphore, #tpu.memory_space<semaphore_mem>>) src(%arg6 : memref<10240xf32, #tpu.memory_space<hbm>>) dst(%arg9 : memref<10240xf32, #tpu.memory_space<vmem>>)
      tpu.yield
    }) : () -> ()
    %mul3A_2 = arith.constant 10000 : i32
    %mul3A_3 = arith.muli %add3A, %mul3A_2 : i32
    "tpu.region"() ({
      %run_scoped3A_32 = tpu.sem_alloc : memref<!tpu.dma_semaphore, #tpu.memory_space<semaphore_mem>>
      %dma_start3A = tpu.memref_slice %arg2[%mul3A_3] : memref<320000xi32, #tpu.memory_space<hbm>> -> memref<10000xi32, #tpu.memory_space<hbm>>
      %dma_start3A_33 = tpu.memref_slice %arg2[%mul3A_3] : memref<320000xi32, #tpu.memory_space<hbm>> -> memref<10000xi32, #tpu.memory_space<hbm>>
      tpu.enqueue_dma source(%dma_start3A_33 : memref<10000xi32, #tpu.memory_space<hbm>>) target(%arg8 : memref<10000xi32, #tpu.memory_space<vmem>>) target_semaphore(%run_scoped3A_32 : memref<!tpu.dma_semaphore, #tpu.memory_space<semaphore_mem>>)
      %dma_wait3A = tpu.memref_slice %arg2[%mul3A_3] : memref<320000xi32, #tpu.memory_space<hbm>> -> memref<10000xi32, #tpu.memory_space<hbm>>
      %dma_wait3A_34 = tpu.memref_slice %arg2[%mul3A_3] : memref<320000xi32, #tpu.memory_space<hbm>> -> memref<10000xi32, #tpu.memory_space<hbm>>
      tpu.wait_dma2 semaphore(%run_scoped3A_32 : memref<!tpu.dma_semaphore, #tpu.memory_space<semaphore_mem>>) src(%dma_wait3A_34 : memref<10000xi32, #tpu.memory_space<hbm>>) dst(%arg8 : memref<10000xi32, #tpu.memory_space<vmem>>)
      tpu.yield
    }) : () -> ()
    %scan3A = arith.constant 0 : i32
    %scan3A_4 = arith.constant 625 : i32
    %scan3A_5 = arith.addi %scan3A, %scan3A_4 : i32
    %scan3A_6 = arith.constant 1 : i32
    scf.for %scan3A_32 = %scan3A to %scan3A_5 step %scan3A_6  : i32 {
      %mul3A_33 = arith.constant 1 : i32
      %mul3A_34 = arith.muli %scan3A_32, %mul3A_33 : i32
      %add3A_35 = arith.constant 0 : i32
      %add3A_36 = arith.addi %add3A_35, %mul3A_34 : i32
      %mul3A_37 = arith.constant 16 : i32
      %mul3A_38 = arith.muli %add3A_36, %mul3A_37 : i32
      %get3A = arith.index_cast %mul3A_38 : i32 to index
      %get3A_39 = tpu.vector_load %arg8[%get3A] {strides = array<i32>} : memref<10000xi32, #tpu.memory_space<vmem>>, vector<16xi32>,
      tpu.vector_store_idx %arg9[%get3A_39], %broadcast_in_dim3A_1 {add = true} : memref<10240xf32, #tpu.memory_space<vmem>>[vector<16xi32>], vector<16xf32>,
    }
    %scan3A_7 = arith.constant 625 : i32
    %run_scoped3A = arith.constant 0 : i32
    "tpu.region"() ({
      %run_scoped3A_32 = tpu.sem_alloc : memref<!tpu.dma_semaphore, #tpu.memory_space<semaphore_mem>>
      %dma_start3A = arith.constant 0 : i32
      %dma_start3A_33 = tpu.memref_slice %arg7[%run_scoped3A, %arg0, %arg1, %dma_start3A] : memref<4x2x16x10240xf32, #tpu.memory_space<hbm>> -> memref<1x1x1x10240xf32, #tpu.memory_space<hbm>>
      %dma_start3A_34 = tpu.memref_squeeze %dma_start3A_33 : memref<1x1x1x10240xf32, #tpu.memory_space<hbm>> -> memref<10240xf32, #tpu.memory_space<hbm>>
      %dma_start3A_35 = arith.constant 0 : i32
      %dma_start3A_36 = tpu.memref_slice %arg7[%run_scoped3A, %arg0, %arg1, %dma_start3A_35] : memref<4x2x16x10240xf32, #tpu.memory_space<hbm>> -> memref<1x1x1x10240xf32, #tpu.memory_space<hbm>>
      %dma_start3A_37 = tpu.memref_squeeze %dma_start3A_36 : memref<1x1x1x10240xf32, #tpu.memory_space<hbm>> -> memref<10240xf32, #tpu.memory_space<hbm>>
      tpu.enqueue_dma source(%arg9 : memref<10240xf32, #tpu.memory_space<vmem>>) target(%dma_start3A_37 : memref<10240xf32, #tpu.memory_space<hbm>>) target_semaphore(%run_scoped3A_32 : memref<!tpu.dma_semaphore, #tpu.memory_space<semaphore_mem>>)
      %dma_wait3A = arith.constant 0 : i32
      %dma_wait3A_38 = tpu.memref_slice %arg7[%run_scoped3A, %arg0, %arg1, %dma_wait3A] : memref<4x2x16x10240xf32, #tpu.memory_space<hbm>> -> memref<1x1x1x10240xf32, #tpu.memory_space<hbm>>
      %dma_wait3A_39 = tpu.memref_squeeze %dma_wait3A_38 : memref<1x1x1x10240xf32, #tpu.memory_space<hbm>> -> memref<10240xf32, #tpu.memory_space<hbm>>
      %dma_wait3A_40 = arith.constant 0 : i32
      %dma_wait3A_41 = tpu.memref_slice %arg7[%run_scoped3A, %arg0, %arg1, %dma_wait3A_40] : memref<4x2x16x10240xf32, #tpu.memory_space<hbm>> -> memref<1x1x1x10240xf32, #tpu.memory_space<hbm>>
      %dma_wait3A_42 = tpu.memref_squeeze %dma_wait3A_41 : memref<1x1x1x10240xf32, #tpu.memory_space<hbm>> -> memref<10240xf32, #tpu.memory_space<hbm>>
      tpu.wait_dma2 semaphore(%run_scoped3A_32 : memref<!tpu.dma_semaphore, #tpu.memory_space<semaphore_mem>>) src(%arg9 : memref<10240xf32, #tpu.memory_space<vmem>>) dst(%dma_wait3A_42 : memref<10240xf32, #tpu.memory_space<hbm>>)
      tpu.yield
    }) : () -> ()
    "tpu.region"() ({
      %run_scoped3A_32 = tpu.sem_alloc : memref<!tpu.dma_semaphore, #tpu.memory_space<semaphore_mem>>
      tpu.enqueue_dma source(%arg6 : memref<10240xf32, #tpu.memory_space<hbm>>) target(%arg9 : memref<10240xf32, #tpu.memory_space<vmem>>) target_semaphore(%run_scoped3A_32 : memref<!tpu.dma_semaphore, #tpu.memory_space<semaphore_mem>>)
      tpu.wait_dma2 semaphore(%run_scoped3A_32 : memref<!tpu.dma_semaphore, #tpu.memory_space<semaphore_mem>>) src(%arg6 : memref<10240xf32, #tpu.memory_space<hbm>>) dst(%arg9 : memref<10240xf32, #tpu.memory_space<vmem>>)
      tpu.yield
    }) : () -> ()
    %mul3A_8 = arith.constant 10000 : i32
    %mul3A_9 = arith.muli %add3A, %mul3A_8 : i32
    "tpu.region"() ({
      %run_scoped3A_32 = tpu.sem_alloc : memref<!tpu.dma_semaphore, #tpu.memory_space<semaphore_mem>>
      %dma_start3A = tpu.memref_slice %arg3[%mul3A_9] : memref<320000xi32, #tpu.memory_space<hbm>> -> memref<10000xi32, #tpu.memory_space<hbm>>
      %dma_start3A_33 = tpu.memref_slice %arg3[%mul3A_9] : memref<320000xi32, #tpu.memory_space<hbm>> -> memref<10000xi32, #tpu.memory_space<hbm>>
      tpu.enqueue_dma source(%dma_start3A_33 : memref<10000xi32, #tpu.memory_space<hbm>>) target(%arg8 : memref<10000xi32, #tpu.memory_space<vmem>>) target_semaphore(%run_scoped3A_32 : memref<!tpu.dma_semaphore, #tpu.memory_space<semaphore_mem>>)
      %dma_wait3A = tpu.memref_slice %arg3[%mul3A_9] : memref<320000xi32, #tpu.memory_space<hbm>> -> memref<10000xi32, #tpu.memory_space<hbm>>
      %dma_wait3A_34 = tpu.memref_slice %arg3[%mul3A_9] : memref<320000xi32, #tpu.memory_space<hbm>> -> memref<10000xi32, #tpu.memory_space<hbm>>
      tpu.wait_dma2 semaphore(%run_scoped3A_32 : memref<!tpu.dma_semaphore, #tpu.memory_space<semaphore_mem>>) src(%dma_wait3A_34 : memref<10000xi32, #tpu.memory_space<hbm>>) dst(%arg8 : memref<10000xi32, #tpu.memory_space<vmem>>)
      tpu.yield
    }) : () -> ()
    %scan3A_10 = arith.constant 0 : i32
    %scan3A_11 = arith.constant 625 : i32
    %scan3A_12 = arith.addi %scan3A_10, %scan3A_11 : i32
    %scan3A_13 = arith.constant 1 : i32
    scf.for %scan3A_32 = %scan3A_10 to %scan3A_12 step %scan3A_13  : i32 {
      %mul3A_33 = arith.constant 1 : i32
      %mul3A_34 = arith.muli %scan3A_32, %mul3A_33 : i32
      %add3A_35 = arith.constant 0 : i32
      %add3A_36 = arith.addi %add3A_35, %mul3A_34 : i32
      %mul3A_37 = arith.constant 16 : i32
      %mul3A_38 = arith.muli %add3A_36, %mul3A_37 : i32
      %get3A = arith.index_cast %mul3A_38 : i32 to index
      %get3A_39 = tpu.vector_load %arg8[%get3A] {strides = array<i32>} : memref<10000xi32, #tpu.memory_space<vmem>>, vector<16xi32>,
      tpu.vector_store_idx %arg9[%get3A_39], %broadcast_in_dim3A_1 {add = true} : memref<10240xf32, #tpu.memory_space<vmem>>[vector<16xi32>], vector<16xf32>,
    }
    %scan3A_14 = arith.constant 625 : i32
    %run_scoped3A_15 = arith.constant 1 : i32
    "tpu.region"() ({
      %run_scoped3A_32 = tpu.sem_alloc : memref<!tpu.dma_semaphore, #tpu.memory_space<semaphore_mem>>
      %dma_start3A = arith.constant 0 : i32
      %dma_start3A_33 = tpu.memref_slice %arg7[%run_scoped3A_15, %arg0, %arg1, %dma_start3A] : memref<4x2x16x10240xf32, #tpu.memory_space<hbm>> -> memref<1x1x1x10240xf32, #tpu.memory_space<hbm>>
      %dma_start3A_34 = tpu.memref_squeeze %dma_start3A_33 : memref<1x1x1x10240xf32, #tpu.memory_space<hbm>> -> memref<10240xf32, #tpu.memory_space<hbm>>
      %dma_start3A_35 = arith.constant 0 : i32
      %dma_start3A_36 = tpu.memref_slice %arg7[%run_scoped3A_15, %arg0, %arg1, %dma_start3A_35] : memref<4x2x16x10240xf32, #tpu.memory_space<hbm>> -> memref<1x1x1x10240xf32, #tpu.memory_space<hbm>>
      %dma_start3A_37 = tpu.memref_squeeze %dma_start3A_36 : memref<1x1x1x10240xf32, #tpu.memory_space<hbm>> -> memref<10240xf32, #tpu.memory_space<hbm>>
      tpu.enqueue_dma source(%arg9 : memref<10240xf32, #tpu.memory_space<vmem>>) target(%dma_start3A_37 : memref<10240xf32, #tpu.memory_space<hbm>>) target_semaphore(%run_scoped3A_32 : memref<!tpu.dma_semaphore, #tpu.memory_space<semaphore_mem>>)
      %dma_wait3A = arith.constant 0 : i32
      %dma_wait3A_38 = tpu.memref_slice %arg7[%run_scoped3A_15, %arg0, %arg1, %dma_wait3A] : memref<4x2x16x10240xf32, #tpu.memory_space<hbm>> -> memref<1x1x1x10240xf32, #tpu.memory_space<hbm>>
      %dma_wait3A_39 = tpu.memref_squeeze %dma_wait3A_38 : memref<1x1x1x10240xf32, #tpu.memory_space<hbm>> -> memref<10240xf32, #tpu.memory_space<hbm>>
      %dma_wait3A_40 = arith.constant 0 : i32
      %dma_wait3A_41 = tpu.memref_slice %arg7[%run_scoped3A_15, %arg0, %arg1, %dma_wait3A_40] : memref<4x2x16x10240xf32, #tpu.memory_space<hbm>> -> memref<1x1x1x10240xf32, #tpu.memory_space<hbm>>
      %dma_wait3A_42 = tpu.memref_squeeze %dma_wait3A_41 : memref<1x1x1x10240xf32, #tpu.memory_space<hbm>> -> memref<10240xf32, #tpu.memory_space<hbm>>
      tpu.wait_dma2 semaphore(%run_scoped3A_32 : memref<!tpu.dma_semaphore, #tpu.memory_space<semaphore_mem>>) src(%arg9 : memref<10240xf32, #tpu.memory_space<vmem>>) dst(%dma_wait3A_42 : memref<10240xf32, #tpu.memory_space<hbm>>)
      tpu.yield
    }) : () -> ()
    "tpu.region"() ({
      %run_scoped3A_32 = tpu.sem_alloc : memref<!tpu.dma_semaphore, #tpu.memory_space<semaphore_mem>>
      tpu.enqueue_dma source(%arg6 : memref<10240xf32, #tpu.memory_space<hbm>>) target(%arg9 : memref<10240xf32, #tpu.memory_space<vmem>>) target_semaphore(%run_scoped3A_32 : memref<!tpu.dma_semaphore, #tpu.memory_space<semaphore_mem>>)
      tpu.wait_dma2 semaphore(%run_scoped3A_32 : memref<!tpu.dma_semaphore, #tpu.memory_space<semaphore_mem>>) src(%arg6 : memref<10240xf32, #tpu.memory_space<hbm>>) dst(%arg9 : memref<10240xf32, #tpu.memory_space<vmem>>)
      tpu.yield
    }) : () -> ()
    %mul3A_16 = arith.constant 10000 : i32
    %mul3A_17 = arith.muli %add3A, %mul3A_16 : i32
    "tpu.region"() ({
      %run_scoped3A_32 = tpu.sem_alloc : memref<!tpu.dma_semaphore, #tpu.memory_space<semaphore_mem>>
      %dma_start3A = tpu.memref_slice %arg4[%mul3A_17] : memref<320000xi32, #tpu.memory_space<hbm>> -> memref<10000xi32, #tpu.memory_space<hbm>>
      %dma_start3A_33 = tpu.memref_slice %arg4[%mul3A_17] : memref<320000xi32, #tpu.memory_space<hbm>> -> memref<10000xi32, #tpu.memory_space<hbm>>
      tpu.enqueue_dma source(%dma_start3A_33 : memref<10000xi32, #tpu.memory_space<hbm>>) target(%arg8 : memref<10000xi32, #tpu.memory_space<vmem>>) target_semaphore(%run_scoped3A_32 : memref<!tpu.dma_semaphore, #tpu.memory_space<semaphore_mem>>)
      %dma_wait3A = tpu.memref_slice %arg4[%mul3A_17] : memref<320000xi32, #tpu.memory_space<hbm>> -> memref<10000xi32, #tpu.memory_space<hbm>>
      %dma_wait3A_34 = tpu.memref_slice %arg4[%mul3A_17] : memref<320000xi32, #tpu.memory_space<hbm>> -> memref<10000xi32, #tpu.memory_space<hbm>>
      tpu.wait_dma2 semaphore(%run_scoped3A_32 : memref<!tpu.dma_semaphore, #tpu.memory_space<semaphore_mem>>) src(%dma_wait3A_34 : memref<10000xi32, #tpu.memory_space<hbm>>) dst(%arg8 : memref<10000xi32, #tpu.memory_space<vmem>>)
      tpu.yield
    }) : () -> ()
    %scan3A_18 = arith.constant 0 : i32
    %scan3A_19 = arith.constant 625 : i32
    %scan3A_20 = arith.addi %scan3A_18, %scan3A_19 : i32
    %scan3A_21 = arith.constant 1 : i32
    scf.for %scan3A_32 = %scan3A_18 to %scan3A_20 step %scan3A_21  : i32 {
      %mul3A_33 = arith.constant 1 : i32
      %mul3A_34 = arith.muli %scan3A_32, %mul3A_33 : i32
      %add3A_35 = arith.constant 0 : i32
      %add3A_36 = arith.addi %add3A_35, %mul3A_34 : i32
      %mul3A_37 = arith.constant 16 : i32
      %mul3A_38 = arith.muli %add3A_36, %mul3A_37 : i32
      %get3A = arith.index_cast %mul3A_38 : i32 to index
      %get3A_39 = tpu.vector_load %arg8[%get3A] {strides = array<i32>} : memref<10000xi32, #tpu.memory_space<vmem>>, vector<16xi32>,
      tpu.vector_store_idx %arg9[%get3A_39], %broadcast_in_dim3A_1 {add = true} : memref<10240xf32, #tpu.memory_space<vmem>>[vector<16xi32>], vector<16xf32>,
    }
    %scan3A_22 = arith.constant 625 : i32
    %run_scoped3A_23 = arith.constant 2 : i32
    "tpu.region"() ({
      %run_scoped3A_32 = tpu.sem_alloc : memref<!tpu.dma_semaphore, #tpu.memory_space<semaphore_mem>>
      %dma_start3A = arith.constant 0 : i32
      %dma_start3A_33 = tpu.memref_slice %arg7[%run_scoped3A_23, %arg0, %arg1, %dma_start3A] : memref<4x2x16x10240xf32, #tpu.memory_space<hbm>> -> memref<1x1x1x10240xf32, #tpu.memory_space<hbm>>
      %dma_start3A_34 = tpu.memref_squeeze %dma_start3A_33 : memref<1x1x1x10240xf32, #tpu.memory_space<hbm>> -> memref<10240xf32, #tpu.memory_space<hbm>>
      %dma_start3A_35 = arith.constant 0 : i32
      %dma_start3A_36 = tpu.memref_slice %arg7[%run_scoped3A_23, %arg0, %arg1, %dma_start3A_35] : memref<4x2x16x10240xf32, #tpu.memory_space<hbm>> -> memref<1x1x1x10240xf32, #tpu.memory_space<hbm>>
      %dma_start3A_37 = tpu.memref_squeeze %dma_start3A_36 : memref<1x1x1x10240xf32, #tpu.memory_space<hbm>> -> memref<10240xf32, #tpu.memory_space<hbm>>
      tpu.enqueue_dma source(%arg9 : memref<10240xf32, #tpu.memory_space<vmem>>) target(%dma_start3A_37 : memref<10240xf32, #tpu.memory_space<hbm>>) target_semaphore(%run_scoped3A_32 : memref<!tpu.dma_semaphore, #tpu.memory_space<semaphore_mem>>)
      %dma_wait3A = arith.constant 0 : i32
      %dma_wait3A_38 = tpu.memref_slice %arg7[%run_scoped3A_23, %arg0, %arg1, %dma_wait3A] : memref<4x2x16x10240xf32, #tpu.memory_space<hbm>> -> memref<1x1x1x10240xf32, #tpu.memory_space<hbm>>
      %dma_wait3A_39 = tpu.memref_squeeze %dma_wait3A_38 : memref<1x1x1x10240xf32, #tpu.memory_space<hbm>> -> memref<10240xf32, #tpu.memory_space<hbm>>
      %dma_wait3A_40 = arith.constant 0 : i32
      %dma_wait3A_41 = tpu.memref_slice %arg7[%run_scoped3A_23, %arg0, %arg1, %dma_wait3A_40] : memref<4x2x16x10240xf32, #tpu.memory_space<hbm>> -> memref<1x1x1x10240xf32, #tpu.memory_space<hbm>>
      %dma_wait3A_42 = tpu.memref_squeeze %dma_wait3A_41 : memref<1x1x1x10240xf32, #tpu.memory_space<hbm>> -> memref<10240xf32, #tpu.memory_space<hbm>>
      tpu.wait_dma2 semaphore(%run_scoped3A_32 : memref<!tpu.dma_semaphore, #tpu.memory_space<semaphore_mem>>) src(%arg9 : memref<10240xf32, #tpu.memory_space<vmem>>) dst(%dma_wait3A_42 : memref<10240xf32, #tpu.memory_space<hbm>>)
      tpu.yield
    }) : () -> ()
    "tpu.region"() ({
      %run_scoped3A_32 = tpu.sem_alloc : memref<!tpu.dma_semaphore, #tpu.memory_space<semaphore_mem>>
      tpu.enqueue_dma source(%arg6 : memref<10240xf32, #tpu.memory_space<hbm>>) target(%arg9 : memref<10240xf32, #tpu.memory_space<vmem>>) target_semaphore(%run_scoped3A_32 : memref<!tpu.dma_semaphore, #tpu.memory_space<semaphore_mem>>)
      tpu.wait_dma2 semaphore(%run_scoped3A_32 : memref<!tpu.dma_semaphore, #tpu.memory_space<semaphore_mem>>) src(%arg6 : memref<10240xf32, #tpu.memory_space<hbm>>) dst(%arg9 : memref<10240xf32, #tpu.memory_space<vmem>>)
      tpu.yield
    }) : () -> ()
    %mul3A_24 = arith.constant 10000 : i32
    %mul3A_25 = arith.muli %add3A, %mul3A_24 : i32
    "tpu.region"() ({
      %run_scoped3A_32 = tpu.sem_alloc : memref<!tpu.dma_semaphore, #tpu.memory_space<semaphore_mem>>
      %dma_start3A = tpu.memref_slice %arg5[%mul3A_25] : memref<320000xi32, #tpu.memory_space<hbm>> -> memref<10000xi32, #tpu.memory_space<hbm>>
      %dma_start3A_33 = tpu.memref_slice %arg5[%mul3A_25] : memref<320000xi32, #tpu.memory_space<hbm>> -> memref<10000xi32, #tpu.memory_space<hbm>>
      tpu.enqueue_dma source(%dma_start3A_33 : memref<10000xi32, #tpu.memory_space<hbm>>) target(%arg8 : memref<10000xi32, #tpu.memory_space<vmem>>) target_semaphore(%run_scoped3A_32 : memref<!tpu.dma_semaphore, #tpu.memory_space<semaphore_mem>>)
      %dma_wait3A = tpu.memref_slice %arg5[%mul3A_25] : memref<320000xi32, #tpu.memory_space<hbm>> -> memref<10000xi32, #tpu.memory_space<hbm>>
      %dma_wait3A_34 = tpu.memref_slice %arg5[%mul3A_25] : memref<320000xi32, #tpu.memory_space<hbm>> -> memref<10000xi32, #tpu.memory_space<hbm>>
      tpu.wait_dma2 semaphore(%run_scoped3A_32 : memref<!tpu.dma_semaphore, #tpu.memory_space<semaphore_mem>>) src(%dma_wait3A_34 : memref<10000xi32, #tpu.memory_space<hbm>>) dst(%arg8 : memref<10000xi32, #tpu.memory_space<vmem>>)
      tpu.yield
    }) : () -> ()
    %scan3A_26 = arith.constant 0 : i32
    %scan3A_27 = arith.constant 625 : i32
    %scan3A_28 = arith.addi %scan3A_26, %scan3A_27 : i32
    %scan3A_29 = arith.constant 1 : i32
    scf.for %scan3A_32 = %scan3A_26 to %scan3A_28 step %scan3A_29  : i32 {
      %mul3A_33 = arith.constant 1 : i32
      %mul3A_34 = arith.muli %scan3A_32, %mul3A_33 : i32
      %add3A_35 = arith.constant 0 : i32
      %add3A_36 = arith.addi %add3A_35, %mul3A_34 : i32
      %mul3A_37 = arith.constant 16 : i32
      %mul3A_38 = arith.muli %add3A_36, %mul3A_37 : i32
      %get3A = arith.index_cast %mul3A_38 : i32 to index
      %get3A_39 = tpu.vector_load %arg8[%get3A] {strides = array<i32>} : memref<10000xi32, #tpu.memory_space<vmem>>, vector<16xi32>,
      tpu.vector_store_idx %arg9[%get3A_39], %broadcast_in_dim3A_1 {add = true} : memref<10240xf32, #tpu.memory_space<vmem>>[vector<16xi32>], vector<16xf32>,
    }
    %scan3A_30 = arith.constant 625 : i32
    %run_scoped3A_31 = arith.constant 3 : i32
    "tpu.region"() ({
      %run_scoped3A_32 = tpu.sem_alloc : memref<!tpu.dma_semaphore, #tpu.memory_space<semaphore_mem>>
      %dma_start3A = arith.constant 0 : i32
      %dma_start3A_33 = tpu.memref_slice %arg7[%run_scoped3A_31, %arg0, %arg1, %dma_start3A] : memref<4x2x16x10240xf32, #tpu.memory_space<hbm>> -> memref<1x1x1x10240xf32, #tpu.memory_space<hbm>>
      %dma_start3A_34 = tpu.memref_squeeze %dma_start3A_33 : memref<1x1x1x10240xf32, #tpu.memory_space<hbm>> -> memref<10240xf32, #tpu.memory_space<hbm>>
      %dma_start3A_35 = arith.constant 0 : i32
      %dma_start3A_36 = tpu.memref_slice %arg7[%run_scoped3A_31, %arg0, %arg1, %dma_start3A_35] : memref<4x2x16x10240xf32, #tpu.memory_space<hbm>> -> memref<1x1x1x10240xf32, #tpu.memory_space<hbm>>
      %dma_start3A_37 = tpu.memref_squeeze %dma_start3A_36 : memref<1x1x1x10240xf32, #tpu.memory_space<hbm>> -> memref<10240xf32, #tpu.memory_space<hbm>>
      tpu.enqueue_dma source(%arg9 : memref<10240xf32, #tpu.memory_space<vmem>>) target(%dma_start3A_37 : memref<10240xf32, #tpu.memory_space<hbm>>) target_semaphore(%run_scoped3A_32 : memref<!tpu.dma_semaphore, #tpu.memory_space<semaphore_mem>>)
      %dma_wait3A = arith.constant 0 : i32
      %dma_wait3A_38 = tpu.memref_slice %arg7[%run_scoped3A_31, %arg0, %arg1, %dma_wait3A] : memref<4x2x16x10240xf32, #tpu.memory_space<hbm>> -> memref<1x1x1x10240xf32, #tpu.memory_space<hbm>>
      %dma_wait3A_39 = tpu.memref_squeeze %dma_wait3A_38 : memref<1x1x1x10240xf32, #tpu.memory_space<hbm>> -> memref<10240xf32, #tpu.memory_space<hbm>>
      %dma_wait3A_40 = arith.constant 0 : i32
      %dma_wait3A_41 = tpu.memref_slice %arg7[%run_scoped3A_31, %arg0, %arg1, %dma_wait3A_40] : memref<4x2x16x10240xf32, #tpu.memory_space<hbm>> -> memref<1x1x1x10240xf32, #tpu.memory_space<hbm>>
      %dma_wait3A_42 = tpu.memref_squeeze %dma_wait3A_41 : memref<1x1x1x10240xf32, #tpu.memory_space<hbm>> -> memref<10240xf32, #tpu.memory_space<hbm>>
      tpu.wait_dma2 semaphore(%run_scoped3A_32 : memref<!tpu.dma_semaphore, #tpu.memory_space<semaphore_mem>>) src(%arg9 : memref<10240xf32, #tpu.memory_space<vmem>>) dst(%dma_wait3A_42 : memref<10240xf32, #tpu.memory_space<hbm>>)
      tpu.yield
    }) : () -> ()
    return
  }
}

#map = affine_map<(d0, d1) -> (0, 0)>
#map1 = affine_map<(d0, d1) -> (0, 0, 0, 0)>
module attributes {stable_mosaic.version = 14 : i64} {
  func.func @_edge_body(%arg0: i32, %arg1: i32, %arg2: memref<10000x64xf32, #tpu.memory_space<hbm>>, %arg3: memref<10000x64xf32, #tpu.memory_space<hbm>>, %arg4: memref<32x10000xi32, #tpu.memory_space<hbm>>, %arg5: memref<32x10000xi32, #tpu.memory_space<hbm>>, %arg6: memref<10240x64xf32, #tpu.memory_space<hbm>>, %arg7: memref<2x2x10240x64xf32, #tpu.memory_space<hbm>>, %arg8: memref<10000xi32, #tpu.memory_space<vmem>>, %arg9: memref<10000xi32, #tpu.memory_space<vmem>>, %arg10: memref<128x64xf32, #tpu.memory_space<vmem>>, %arg11: memref<128x64xf32, #tpu.memory_space<vmem>>, %arg12: memref<16x64xf32, #tpu.memory_space<vmem>>, %arg13: memref<!tpu.dma_semaphore, #tpu.memory_space<semaphore_mem>>, %arg14: memref<10240x64xf32, #tpu.memory_space<vmem_shared>>, %arg15: memref<10000x64xf32, #tpu.memory_space<vmem_shared>>) attributes {dimension_semantics = [#tpu.dimension_semantics<core_parallel>, #tpu.dimension_semantics<subcore_parallel>], iteration_bounds = array<i64: 2, 16>, scalar_prefetch = 0 : i64, scratch_operands = 8 : i64, tpu.core_type = #tpu.core_type<sc_vector_subcore>, window_params = [{transform_indices = #map}, {transform_indices = #map}, {transform_indices = #map}, {transform_indices = #map}, {transform_indices = #map}, {transform_indices = #map1}]} {
    %mul3A = arith.constant 16 : i32
    %mul3A_0 = arith.muli %arg0, %mul3A : i32
    %add3A = arith.addi %mul3A_0, %arg1 : i32
    "tpu.region"() ({
      %run_scoped3A_68 = tpu.sem_alloc : memref<!tpu.dma_semaphore, #tpu.memory_space<semaphore_mem>>
      %dma_start3A_69 = arith.constant 0 : i32
      %dma_start3A_70 = tpu.memref_slice %arg4[%add3A, %dma_start3A_69] : memref<32x10000xi32, #tpu.memory_space<hbm>> -> memref<1x10000xi32, #tpu.memory_space<hbm>>
      %dma_start3A_71 = tpu.memref_squeeze %dma_start3A_70 : memref<1x10000xi32, #tpu.memory_space<hbm>> -> memref<10000xi32, #tpu.memory_space<hbm>>
      %dma_start3A_72 = arith.constant 0 : i32
      %dma_start3A_73 = tpu.memref_slice %arg4[%add3A, %dma_start3A_72] : memref<32x10000xi32, #tpu.memory_space<hbm>> -> memref<1x10000xi32, #tpu.memory_space<hbm>>
      %dma_start3A_74 = tpu.memref_squeeze %dma_start3A_73 : memref<1x10000xi32, #tpu.memory_space<hbm>> -> memref<10000xi32, #tpu.memory_space<hbm>>
      tpu.enqueue_dma source(%dma_start3A_74 : memref<10000xi32, #tpu.memory_space<hbm>>) target(%arg8 : memref<10000xi32, #tpu.memory_space<vmem>>) target_semaphore(%run_scoped3A_68 : memref<!tpu.dma_semaphore, #tpu.memory_space<semaphore_mem>>)
      %dma_wait3A_75 = arith.constant 0 : i32
      %dma_wait3A_76 = tpu.memref_slice %arg4[%add3A, %dma_wait3A_75] : memref<32x10000xi32, #tpu.memory_space<hbm>> -> memref<1x10000xi32, #tpu.memory_space<hbm>>
      %dma_wait3A_77 = tpu.memref_squeeze %dma_wait3A_76 : memref<1x10000xi32, #tpu.memory_space<hbm>> -> memref<10000xi32, #tpu.memory_space<hbm>>
      %dma_wait3A_78 = arith.constant 0 : i32
      %dma_wait3A_79 = tpu.memref_slice %arg4[%add3A, %dma_wait3A_78] : memref<32x10000xi32, #tpu.memory_space<hbm>> -> memref<1x10000xi32, #tpu.memory_space<hbm>>
      %dma_wait3A_80 = tpu.memref_squeeze %dma_wait3A_79 : memref<1x10000xi32, #tpu.memory_space<hbm>> -> memref<10000xi32, #tpu.memory_space<hbm>>
      tpu.wait_dma2 semaphore(%run_scoped3A_68 : memref<!tpu.dma_semaphore, #tpu.memory_space<semaphore_mem>>) src(%dma_wait3A_80 : memref<10000xi32, #tpu.memory_space<hbm>>) dst(%arg8 : memref<10000xi32, #tpu.memory_space<vmem>>)
      tpu.yield
    }) : () -> ()
    "tpu.region"() ({
      %run_scoped3A_68 = tpu.sem_alloc : memref<!tpu.dma_semaphore, #tpu.memory_space<semaphore_mem>>
      %dma_start3A_69 = arith.constant 0 : i32
      %dma_start3A_70 = tpu.memref_slice %arg5[%add3A, %dma_start3A_69] : memref<32x10000xi32, #tpu.memory_space<hbm>> -> memref<1x10000xi32, #tpu.memory_space<hbm>>
      %dma_start3A_71 = tpu.memref_squeeze %dma_start3A_70 : memref<1x10000xi32, #tpu.memory_space<hbm>> -> memref<10000xi32, #tpu.memory_space<hbm>>
      %dma_start3A_72 = arith.constant 0 : i32
      %dma_start3A_73 = tpu.memref_slice %arg5[%add3A, %dma_start3A_72] : memref<32x10000xi32, #tpu.memory_space<hbm>> -> memref<1x10000xi32, #tpu.memory_space<hbm>>
      %dma_start3A_74 = tpu.memref_squeeze %dma_start3A_73 : memref<1x10000xi32, #tpu.memory_space<hbm>> -> memref<10000xi32, #tpu.memory_space<hbm>>
      tpu.enqueue_dma source(%dma_start3A_74 : memref<10000xi32, #tpu.memory_space<hbm>>) target(%arg9 : memref<10000xi32, #tpu.memory_space<vmem>>) target_semaphore(%run_scoped3A_68 : memref<!tpu.dma_semaphore, #tpu.memory_space<semaphore_mem>>)
      %dma_wait3A_75 = arith.constant 0 : i32
      %dma_wait3A_76 = tpu.memref_slice %arg5[%add3A, %dma_wait3A_75] : memref<32x10000xi32, #tpu.memory_space<hbm>> -> memref<1x10000xi32, #tpu.memory_space<hbm>>
      %dma_wait3A_77 = tpu.memref_squeeze %dma_wait3A_76 : memref<1x10000xi32, #tpu.memory_space<hbm>> -> memref<10000xi32, #tpu.memory_space<hbm>>
      %dma_wait3A_78 = arith.constant 0 : i32
      %dma_wait3A_79 = tpu.memref_slice %arg5[%add3A, %dma_wait3A_78] : memref<32x10000xi32, #tpu.memory_space<hbm>> -> memref<1x10000xi32, #tpu.memory_space<hbm>>
      %dma_wait3A_80 = tpu.memref_squeeze %dma_wait3A_79 : memref<1x10000xi32, #tpu.memory_space<hbm>> -> memref<10000xi32, #tpu.memory_space<hbm>>
      tpu.wait_dma2 semaphore(%run_scoped3A_68 : memref<!tpu.dma_semaphore, #tpu.memory_space<semaphore_mem>>) src(%dma_wait3A_80 : memref<10000xi32, #tpu.memory_space<hbm>>) dst(%arg9 : memref<10000xi32, #tpu.memory_space<vmem>>)
      tpu.yield
    }) : () -> ()
    %mul3A_1 = arith.constant 625 : i32
    %mul3A_2 = arith.muli %arg1, %mul3A_1 : i32
    %mul3A_3 = arith.constant 625 : i32
    %mul3A_4 = arith.muli %arg1, %mul3A_3 : i32
    "tpu.region"() ({
      %run_scoped3A_68 = tpu.sem_alloc : memref<!tpu.dma_semaphore, #tpu.memory_space<semaphore_mem>>
      %dma_start3A_69 = arith.constant 0 : i32
      %dma_start3A_70 = tpu.memref_slice %arg15[%mul3A_4, %dma_start3A_69] : memref<10000x64xf32, #tpu.memory_space<vmem_shared>> -> memref<625x64xf32, #tpu.memory_space<vmem_shared>>
      %dma_start3A_71 = arith.constant 0 : i32
      %dma_start3A_72 = tpu.memref_slice %arg2[%mul3A_2, %dma_start3A_71] : memref<10000x64xf32, #tpu.memory_space<hbm>> -> memref<625x64xf32, #tpu.memory_space<hbm>>
      tpu.enqueue_dma source(%dma_start3A_72 : memref<625x64xf32, #tpu.memory_space<hbm>>) target(%dma_start3A_70 : memref<625x64xf32, #tpu.memory_space<vmem_shared>>) target_semaphore(%run_scoped3A_68 : memref<!tpu.dma_semaphore, #tpu.memory_space<semaphore_mem>>)
      %dma_wait3A_73 = arith.constant 0 : i32
      %dma_wait3A_74 = tpu.memref_slice %arg15[%mul3A_4, %dma_wait3A_73] : memref<10000x64xf32, #tpu.memory_space<vmem_shared>> -> memref<625x64xf32, #tpu.memory_space<vmem_shared>>
      %dma_wait3A_75 = arith.constant 0 : i32
      %dma_wait3A_76 = tpu.memref_slice %arg2[%mul3A_2, %dma_wait3A_75] : memref<10000x64xf32, #tpu.memory_space<hbm>> -> memref<625x64xf32, #tpu.memory_space<hbm>>
      tpu.wait_dma2 semaphore(%run_scoped3A_68 : memref<!tpu.dma_semaphore, #tpu.memory_space<semaphore_mem>>) src(%dma_wait3A_76 : memref<625x64xf32, #tpu.memory_space<hbm>>) dst(%dma_wait3A_74 : memref<625x64xf32, #tpu.memory_space<vmem_shared>>)
      tpu.yield
    }) : () -> ()
    %mul3A_5 = arith.constant 640 : i32
    %mul3A_6 = arith.muli %arg1, %mul3A_5 : i32
    %mul3A_7 = arith.constant 640 : i32
    %mul3A_8 = arith.muli %arg1, %mul3A_7 : i32
    "tpu.region"() ({
      %run_scoped3A_68 = tpu.sem_alloc : memref<!tpu.dma_semaphore, #tpu.memory_space<semaphore_mem>>
      %dma_start3A_69 = arith.constant 0 : i32
      %dma_start3A_70 = tpu.memref_slice %arg14[%mul3A_8, %dma_start3A_69] : memref<10240x64xf32, #tpu.memory_space<vmem_shared>> -> memref<640x64xf32, #tpu.memory_space<vmem_shared>>
      %dma_start3A_71 = arith.constant 0 : i32
      %dma_start3A_72 = tpu.memref_slice %arg6[%mul3A_6, %dma_start3A_71] : memref<10240x64xf32, #tpu.memory_space<hbm>> -> memref<640x64xf32, #tpu.memory_space<hbm>>
      tpu.enqueue_dma source(%dma_start3A_72 : memref<640x64xf32, #tpu.memory_space<hbm>>) target(%dma_start3A_70 : memref<640x64xf32, #tpu.memory_space<vmem_shared>>) target_semaphore(%run_scoped3A_68 : memref<!tpu.dma_semaphore, #tpu.memory_space<semaphore_mem>>)
      %dma_wait3A_73 = arith.constant 0 : i32
      %dma_wait3A_74 = tpu.memref_slice %arg14[%mul3A_8, %dma_wait3A_73] : memref<10240x64xf32, #tpu.memory_space<vmem_shared>> -> memref<640x64xf32, #tpu.memory_space<vmem_shared>>
      %dma_wait3A_75 = arith.constant 0 : i32
      %dma_wait3A_76 = tpu.memref_slice %arg6[%mul3A_6, %dma_wait3A_75] : memref<10240x64xf32, #tpu.memory_space<hbm>> -> memref<640x64xf32, #tpu.memory_space<hbm>>
      tpu.wait_dma2 semaphore(%run_scoped3A_68 : memref<!tpu.dma_semaphore, #tpu.memory_space<semaphore_mem>>) src(%dma_wait3A_76 : memref<640x64xf32, #tpu.memory_space<hbm>>) dst(%dma_wait3A_74 : memref<640x64xf32, #tpu.memory_space<vmem_shared>>)
      tpu.yield
    }) : () -> ()
    %barrier3A = arith.constant 0 : index
    tpu.barrier barrier_id(%barrier3A)
    %dma_start3A = arith.constant 0 : i32
    %dma_start3A_9 = tpu.memref_slice %arg8[%dma_start3A] : memref<10000xi32, #tpu.memory_space<vmem>> -> memref<128xi32, #tpu.memory_space<vmem>>
    %dma_start3A_10 = arith.constant 0 : i32
    %dma_start3A_11 = arith.constant 0 : i32
    %dma_start3A_12 = tpu.memref_slice %arg15[%dma_start3A_10, %dma_start3A_11] : memref<10000x64xf32, #tpu.memory_space<vmem_shared>> -> memref<10000x64xf32, #tpu.memory_space<vmem_shared>>
    tpu.enqueue_indirect_dma source(%dma_start3A_12 : memref<10000x64xf32, #tpu.memory_space<vmem_shared>>) target(%arg10 : memref<128x64xf32, #tpu.memory_space<vmem>>) offsets(%dma_start3A_9 : memref<128xi32, #tpu.memory_space<vmem>>) semaphore(%arg13 : memref<!tpu.dma_semaphore, #tpu.memory_space<semaphore_mem>>)
    %scan3A = arith.constant 0 : i32
    %scan3A_13 = arith.constant 39 : i32
    %scan3A_14 = arith.addi %scan3A, %scan3A_13 : i32
    %scan3A_15 = arith.constant 1 : i32
    scf.for %scan3A_68 = %scan3A to %scan3A_14 step %scan3A_15  : i32 {
      %mul3A_69 = arith.constant 2 : i32
      %mul3A_70 = arith.muli %scan3A_68, %mul3A_69 : i32
      %add3A_71 = arith.constant 0 : i32
      %add3A_72 = arith.addi %add3A_71, %mul3A_70 : i32
      %add3A_73 = arith.constant 0 : i32
      %add3A_74 = arith.addi %add3A_72, %add3A_73 : i32
      %mul3A_75 = arith.constant 128 : i32
      %mul3A_76 = arith.muli %add3A_74, %mul3A_75 : i32
      %dma_wait3A_77 = tpu.memref_slice %arg8[%mul3A_76] : memref<10000xi32, #tpu.memory_space<vmem>> -> memref<128xi32, #tpu.memory_space<vmem>>
      %dma_wait3A_78 = arith.constant 0 : i32
      %dma_wait3A_79 = arith.constant 0 : i32
      %dma_wait3A_80 = tpu.memref_slice %arg15[%dma_wait3A_78, %dma_wait3A_79] : memref<10000x64xf32, #tpu.memory_space<vmem_shared>> -> memref<10000x64xf32, #tpu.memory_space<vmem_shared>>
      tpu.wait_indirect_dma semaphore(%arg13 : memref<!tpu.dma_semaphore, #tpu.memory_space<semaphore_mem>>) src(%dma_wait3A_80 : memref<10000x64xf32, #tpu.memory_space<vmem_shared>>) dst(%arg10 : memref<128x64xf32, #tpu.memory_space<vmem>>)
      %add3A_81 = arith.constant 1 : i32
      %add3A_82 = arith.addi %add3A_74, %add3A_81 : i32
      %lt3A = arith.constant 78 : i32
      %lt3A_83 = arith.cmpi slt, %add3A_82, %lt3A : i32
      %convert_element_type3A = arith.extui %lt3A_83 : i1 to i32
      %cond3A = arith.constant 0 : i32
      %cond3A_84 = arith.cmpi ne, %convert_element_type3A, %cond3A : i32
      scf.if %cond3A_84 {
        %add3A_104 = arith.constant 1 : i32
        %add3A_105 = arith.addi %add3A_74, %add3A_104 : i32
        %mul3A_106 = arith.constant 128 : i32
        %mul3A_107 = arith.muli %add3A_105, %mul3A_106 : i32
        %dma_start3A_108 = tpu.memref_slice %arg8[%mul3A_107] : memref<10000xi32, #tpu.memory_space<vmem>> -> memref<128xi32, #tpu.memory_space<vmem>>
        %dma_start3A_109 = arith.constant 0 : i32
        %dma_start3A_110 = arith.constant 0 : i32
        %dma_start3A_111 = tpu.memref_slice %arg15[%dma_start3A_109, %dma_start3A_110] : memref<10000x64xf32, #tpu.memory_space<vmem_shared>> -> memref<10000x64xf32, #tpu.memory_space<vmem_shared>>
        tpu.enqueue_indirect_dma source(%dma_start3A_111 : memref<10000x64xf32, #tpu.memory_space<vmem_shared>>) target(%arg11 : memref<128x64xf32, #tpu.memory_space<vmem>>) offsets(%dma_start3A_108 : memref<128xi32, #tpu.memory_space<vmem>>) semaphore(%arg13 : memref<!tpu.dma_semaphore, #tpu.memory_space<semaphore_mem>>)
      } else {
      }
      %mul3A_85 = arith.constant 128 : i32
      %mul3A_86 = arith.muli %add3A_74, %mul3A_85 : i32
      "tpu.region"() ({
        %run_scoped3A_104 = tpu.sem_alloc : memref<!tpu.dma_semaphore, #tpu.memory_space<semaphore_mem>>
        %dma_start3A_105 = tpu.memref_slice %arg9[%mul3A_86] : memref<10000xi32, #tpu.memory_space<vmem>> -> memref<128xi32, #tpu.memory_space<vmem>>
        %dma_start3A_106 = arith.constant 0 : i32
        %dma_start3A_107 = arith.constant 0 : i32
        %dma_start3A_108 = tpu.memref_slice %arg14[%dma_start3A_106, %dma_start3A_107] : memref<10240x64xf32, #tpu.memory_space<vmem_shared>> -> memref<10240x64xf32, #tpu.memory_space<vmem_shared>>
        tpu.enqueue_indirect_dma source(%arg10 : memref<128x64xf32, #tpu.memory_space<vmem>>) target(%dma_start3A_108 : memref<10240x64xf32, #tpu.memory_space<vmem_shared>>) offsets(%dma_start3A_105 : memref<128xi32, #tpu.memory_space<vmem>>) semaphore(%run_scoped3A_104 : memref<!tpu.dma_semaphore, #tpu.memory_space<semaphore_mem>>) {add = true}
        %dma_wait3A_109 = tpu.memref_slice %arg9[%mul3A_86] : memref<10000xi32, #tpu.memory_space<vmem>> -> memref<128xi32, #tpu.memory_space<vmem>>
        %dma_wait3A_110 = arith.constant 0 : i32
        %dma_wait3A_111 = arith.constant 0 : i32
        %dma_wait3A_112 = tpu.memref_slice %arg14[%dma_wait3A_110, %dma_wait3A_111] : memref<10240x64xf32, #tpu.memory_space<vmem_shared>> -> memref<10240x64xf32, #tpu.memory_space<vmem_shared>>
        tpu.wait_indirect_dma semaphore(%run_scoped3A_104 : memref<!tpu.dma_semaphore, #tpu.memory_space<semaphore_mem>>) src(%arg10 : memref<128x64xf32, #tpu.memory_space<vmem>>) dst(%dma_wait3A_112 : memref<10240x64xf32, #tpu.memory_space<vmem_shared>>)
        tpu.yield
      }) : () -> ()
      %add3A_87 = arith.constant 1 : i32
      %add3A_88 = arith.addi %add3A_72, %add3A_87 : i32
      %mul3A_89 = arith.constant 128 : i32
      %mul3A_90 = arith.muli %add3A_88, %mul3A_89 : i32
      %dma_wait3A_91 = tpu.memref_slice %arg8[%mul3A_90] : memref<10000xi32, #tpu.memory_space<vmem>> -> memref<128xi32, #tpu.memory_space<vmem>>
      %dma_wait3A_92 = arith.constant 0 : i32
      %dma_wait3A_93 = arith.constant 0 : i32
      %dma_wait3A_94 = tpu.memref_slice %arg15[%dma_wait3A_92, %dma_wait3A_93] : memref<10000x64xf32, #tpu.memory_space<vmem_shared>> -> memref<10000x64xf32, #tpu.memory_space<vmem_shared>>
      tpu.wait_indirect_dma semaphore(%arg13 : memref<!tpu.dma_semaphore, #tpu.memory_space<semaphore_mem>>) src(%dma_wait3A_94 : memref<10000x64xf32, #tpu.memory_space<vmem_shared>>) dst(%arg11 : memref<128x64xf32, #tpu.memory_space<vmem>>)
      %add3A_95 = arith.constant 1 : i32
      %add3A_96 = arith.addi %add3A_88, %add3A_95 : i32
      %lt3A_97 = arith.constant 78 : i32
      %lt3A_98 = arith.cmpi slt, %add3A_96, %lt3A_97 : i32
      %convert_element_type3A_99 = arith.extui %lt3A_98 : i1 to i32
      %cond3A_100 = arith.constant 0 : i32
      %cond3A_101 = arith.cmpi ne, %convert_element_type3A_99, %cond3A_100 : i32
      scf.if %cond3A_101 {
        %add3A_104 = arith.constant 1 : i32
        %add3A_105 = arith.addi %add3A_88, %add3A_104 : i32
        %mul3A_106 = arith.constant 128 : i32
        %mul3A_107 = arith.muli %add3A_105, %mul3A_106 : i32
        %dma_start3A_108 = tpu.memref_slice %arg8[%mul3A_107] : memref<10000xi32, #tpu.memory_space<vmem>> -> memref<128xi32, #tpu.memory_space<vmem>>
        %dma_start3A_109 = arith.constant 0 : i32
        %dma_start3A_110 = arith.constant 0 : i32
        %dma_start3A_111 = tpu.memref_slice %arg15[%dma_start3A_109, %dma_start3A_110] : memref<10000x64xf32, #tpu.memory_space<vmem_shared>> -> memref<10000x64xf32, #tpu.memory_space<vmem_shared>>
        tpu.enqueue_indirect_dma source(%dma_start3A_111 : memref<10000x64xf32, #tpu.memory_space<vmem_shared>>) target(%arg10 : memref<128x64xf32, #tpu.memory_space<vmem>>) offsets(%dma_start3A_108 : memref<128xi32, #tpu.memory_space<vmem>>) semaphore(%arg13 : memref<!tpu.dma_semaphore, #tpu.memory_space<semaphore_mem>>)
      } else {
      }
      %mul3A_102 = arith.constant 128 : i32
      %mul3A_103 = arith.muli %add3A_88, %mul3A_102 : i32
      "tpu.region"() ({
        %run_scoped3A_104 = tpu.sem_alloc : memref<!tpu.dma_semaphore, #tpu.memory_space<semaphore_mem>>
        %dma_start3A_105 = tpu.memref_slice %arg9[%mul3A_103] : memref<10000xi32, #tpu.memory_space<vmem>> -> memref<128xi32, #tpu.memory_space<vmem>>
        %dma_start3A_106 = arith.constant 0 : i32
        %dma_start3A_107 = arith.constant 0 : i32
        %dma_start3A_108 = tpu.memref_slice %arg14[%dma_start3A_106, %dma_start3A_107] : memref<10240x64xf32, #tpu.memory_space<vmem_shared>> -> memref<10240x64xf32, #tpu.memory_space<vmem_shared>>
        tpu.enqueue_indirect_dma source(%arg11 : memref<128x64xf32, #tpu.memory_space<vmem>>) target(%dma_start3A_108 : memref<10240x64xf32, #tpu.memory_space<vmem_shared>>) offsets(%dma_start3A_105 : memref<128xi32, #tpu.memory_space<vmem>>) semaphore(%run_scoped3A_104 : memref<!tpu.dma_semaphore, #tpu.memory_space<semaphore_mem>>) {add = true}
        %dma_wait3A_109 = tpu.memref_slice %arg9[%mul3A_103] : memref<10000xi32, #tpu.memory_space<vmem>> -> memref<128xi32, #tpu.memory_space<vmem>>
        %dma_wait3A_110 = arith.constant 0 : i32
        %dma_wait3A_111 = arith.constant 0 : i32
        %dma_wait3A_112 = tpu.memref_slice %arg14[%dma_wait3A_110, %dma_wait3A_111] : memref<10240x64xf32, #tpu.memory_space<vmem_shared>> -> memref<10240x64xf32, #tpu.memory_space<vmem_shared>>
        tpu.wait_indirect_dma semaphore(%run_scoped3A_104 : memref<!tpu.dma_semaphore, #tpu.memory_space<semaphore_mem>>) src(%arg11 : memref<128x64xf32, #tpu.memory_space<vmem>>) dst(%dma_wait3A_112 : memref<10240x64xf32, #tpu.memory_space<vmem_shared>>)
        tpu.yield
      }) : () -> ()
    }
    %scan3A_16 = arith.constant 39 : i32
    %dma_start3A_17 = arith.constant 9984 : i32
    %dma_start3A_18 = tpu.memref_slice %arg8[%dma_start3A_17] : memref<10000xi32, #tpu.memory_space<vmem>> -> memref<16xi32, #tpu.memory_space<vmem>>
    %dma_start3A_19 = arith.constant 0 : i32
    %dma_start3A_20 = arith.constant 0 : i32
    %dma_start3A_21 = tpu.memref_slice %arg15[%dma_start3A_19, %dma_start3A_20] : memref<10000x64xf32, #tpu.memory_space<vmem_shared>> -> memref<10000x64xf32, #tpu.memory_space<vmem_shared>>
    tpu.enqueue_indirect_dma source(%dma_start3A_21 : memref<10000x64xf32, #tpu.memory_space<vmem_shared>>) target(%arg12 : memref<16x64xf32, #tpu.memory_space<vmem>>) offsets(%dma_start3A_18 : memref<16xi32, #tpu.memory_space<vmem>>) semaphore(%arg13 : memref<!tpu.dma_semaphore, #tpu.memory_space<semaphore_mem>>)
    %dma_wait3A = arith.constant 9984 : i32
    %dma_wait3A_22 = tpu.memref_slice %arg8[%dma_wait3A] : memref<10000xi32, #tpu.memory_space<vmem>> -> memref<16xi32, #tpu.memory_space<vmem>>
    %dma_wait3A_23 = arith.constant 0 : i32
    %dma_wait3A_24 = arith.constant 0 : i32
    %dma_wait3A_25 = tpu.memref_slice %arg15[%dma_wait3A_23, %dma_wait3A_24] : memref<10000x64xf32, #tpu.memory_space<vmem_shared>> -> memref<10000x64xf32, #tpu.memory_space<vmem_shared>>
    tpu.wait_indirect_dma semaphore(%arg13 : memref<!tpu.dma_semaphore, #tpu.memory_space<semaphore_mem>>) src(%dma_wait3A_25 : memref<10000x64xf32, #tpu.memory_space<vmem_shared>>) dst(%arg12 : memref<16x64xf32, #tpu.memory_space<vmem>>)
    "tpu.region"() ({
      %run_scoped3A_68 = tpu.sem_alloc : memref<!tpu.dma_semaphore, #tpu.memory_space<semaphore_mem>>
      %dma_start3A_69 = arith.constant 9984 : i32
      %dma_start3A_70 = tpu.memref_slice %arg9[%dma_start3A_69] : memref<10000xi32, #tpu.memory_space<vmem>> -> memref<16xi32, #tpu.memory_space<vmem>>
      %dma_start3A_71 = arith.constant 0 : i32
      %dma_start3A_72 = arith.constant 0 : i32
      %dma_start3A_73 = tpu.memref_slice %arg14[%dma_start3A_71, %dma_start3A_72] : memref<10240x64xf32, #tpu.memory_space<vmem_shared>> -> memref<10240x64xf32, #tpu.memory_space<vmem_shared>>
      tpu.enqueue_indirect_dma source(%arg12 : memref<16x64xf32, #tpu.memory_space<vmem>>) target(%dma_start3A_73 : memref<10240x64xf32, #tpu.memory_space<vmem_shared>>) offsets(%dma_start3A_70 : memref<16xi32, #tpu.memory_space<vmem>>) semaphore(%run_scoped3A_68 : memref<!tpu.dma_semaphore, #tpu.memory_space<semaphore_mem>>) {add = true}
      %dma_wait3A_74 = arith.constant 9984 : i32
      %dma_wait3A_75 = tpu.memref_slice %arg9[%dma_wait3A_74] : memref<10000xi32, #tpu.memory_space<vmem>> -> memref<16xi32, #tpu.memory_space<vmem>>
      %dma_wait3A_76 = arith.constant 0 : i32
      %dma_wait3A_77 = arith.constant 0 : i32
      %dma_wait3A_78 = tpu.memref_slice %arg14[%dma_wait3A_76, %dma_wait3A_77] : memref<10240x64xf32, #tpu.memory_space<vmem_shared>> -> memref<10240x64xf32, #tpu.memory_space<vmem_shared>>
      tpu.wait_indirect_dma semaphore(%run_scoped3A_68 : memref<!tpu.dma_semaphore, #tpu.memory_space<semaphore_mem>>) src(%arg12 : memref<16x64xf32, #tpu.memory_space<vmem>>) dst(%dma_wait3A_78 : memref<10240x64xf32, #tpu.memory_space<vmem_shared>>)
      tpu.yield
    }) : () -> ()
    %barrier3A_26 = arith.constant 0 : index
    tpu.barrier barrier_id(%barrier3A_26)
    %mul3A_27 = arith.constant 640 : i32
    %mul3A_28 = arith.muli %arg1, %mul3A_27 : i32
    %mul3A_29 = arith.constant 640 : i32
    %mul3A_30 = arith.muli %arg1, %mul3A_29 : i32
    %run_scoped3A = arith.constant 0 : i32
    "tpu.region"() ({
      %run_scoped3A_68 = tpu.sem_alloc : memref<!tpu.dma_semaphore, #tpu.memory_space<semaphore_mem>>
      %dma_start3A_69 = arith.constant 0 : i32
      %dma_start3A_70 = tpu.memref_slice %arg7[%arg0, %run_scoped3A, %mul3A_30, %dma_start3A_69] : memref<2x2x10240x64xf32, #tpu.memory_space<hbm>> -> memref<1x1x640x64xf32, #tpu.memory_space<hbm>>
      %dma_start3A_71 = tpu.memref_squeeze %dma_start3A_70 : memref<1x1x640x64xf32, #tpu.memory_space<hbm>> -> memref<640x64xf32, #tpu.memory_space<hbm>>
      %dma_start3A_72 = arith.constant 0 : i32
      %dma_start3A_73 = tpu.memref_slice %arg14[%mul3A_28, %dma_start3A_72] : memref<10240x64xf32, #tpu.memory_space<vmem_shared>> -> memref<640x64xf32, #tpu.memory_space<vmem_shared>>
      tpu.enqueue_dma source(%dma_start3A_73 : memref<640x64xf32, #tpu.memory_space<vmem_shared>>) target(%dma_start3A_71 : memref<640x64xf32, #tpu.memory_space<hbm>>) target_semaphore(%run_scoped3A_68 : memref<!tpu.dma_semaphore, #tpu.memory_space<semaphore_mem>>)
      %dma_wait3A_74 = arith.constant 0 : i32
      %dma_wait3A_75 = tpu.memref_slice %arg7[%arg0, %run_scoped3A, %mul3A_30, %dma_wait3A_74] : memref<2x2x10240x64xf32, #tpu.memory_space<hbm>> -> memref<1x1x640x64xf32, #tpu.memory_space<hbm>>
      %dma_wait3A_76 = tpu.memref_squeeze %dma_wait3A_75 : memref<1x1x640x64xf32, #tpu.memory_space<hbm>> -> memref<640x64xf32, #tpu.memory_space<hbm>>
      %dma_wait3A_77 = arith.constant 0 : i32
      %dma_wait3A_78 = tpu.memref_slice %arg14[%mul3A_28, %dma_wait3A_77] : memref<10240x64xf32, #tpu.memory_space<vmem_shared>> -> memref<640x64xf32, #tpu.memory_space<vmem_shared>>
      tpu.wait_dma2 semaphore(%run_scoped3A_68 : memref<!tpu.dma_semaphore, #tpu.memory_space<semaphore_mem>>) src(%dma_wait3A_78 : memref<640x64xf32, #tpu.memory_space<vmem_shared>>) dst(%dma_wait3A_76 : memref<640x64xf32, #tpu.memory_space<hbm>>)
      tpu.yield
    }) : () -> ()
    %barrier3A_31 = arith.constant 0 : index
    tpu.barrier barrier_id(%barrier3A_31)
    %mul3A_32 = arith.constant 625 : i32
    %mul3A_33 = arith.muli %arg1, %mul3A_32 : i32
    %mul3A_34 = arith.constant 625 : i32
    %mul3A_35 = arith.muli %arg1, %mul3A_34 : i32
    "tpu.region"() ({
      %run_scoped3A_68 = tpu.sem_alloc : memref<!tpu.dma_semaphore, #tpu.memory_space<semaphore_mem>>
      %dma_start3A_69 = arith.constant 0 : i32
      %dma_start3A_70 = tpu.memref_slice %arg15[%mul3A_35, %dma_start3A_69] : memref<10000x64xf32, #tpu.memory_space<vmem_shared>> -> memref<625x64xf32, #tpu.memory_space<vmem_shared>>
      %dma_start3A_71 = arith.constant 0 : i32
      %dma_start3A_72 = tpu.memref_slice %arg3[%mul3A_33, %dma_start3A_71] : memref<10000x64xf32, #tpu.memory_space<hbm>> -> memref<625x64xf32, #tpu.memory_space<hbm>>
      tpu.enqueue_dma source(%dma_start3A_72 : memref<625x64xf32, #tpu.memory_space<hbm>>) target(%dma_start3A_70 : memref<625x64xf32, #tpu.memory_space<vmem_shared>>) target_semaphore(%run_scoped3A_68 : memref<!tpu.dma_semaphore, #tpu.memory_space<semaphore_mem>>)
      %dma_wait3A_73 = arith.constant 0 : i32
      %dma_wait3A_74 = tpu.memref_slice %arg15[%mul3A_35, %dma_wait3A_73] : memref<10000x64xf32, #tpu.memory_space<vmem_shared>> -> memref<625x64xf32, #tpu.memory_space<vmem_shared>>
      %dma_wait3A_75 = arith.constant 0 : i32
      %dma_wait3A_76 = tpu.memref_slice %arg3[%mul3A_33, %dma_wait3A_75] : memref<10000x64xf32, #tpu.memory_space<hbm>> -> memref<625x64xf32, #tpu.memory_space<hbm>>
      tpu.wait_dma2 semaphore(%run_scoped3A_68 : memref<!tpu.dma_semaphore, #tpu.memory_space<semaphore_mem>>) src(%dma_wait3A_76 : memref<625x64xf32, #tpu.memory_space<hbm>>) dst(%dma_wait3A_74 : memref<625x64xf32, #tpu.memory_space<vmem_shared>>)
      tpu.yield
    }) : () -> ()
    %mul3A_36 = arith.constant 640 : i32
    %mul3A_37 = arith.muli %arg1, %mul3A_36 : i32
    %mul3A_38 = arith.constant 640 : i32
    %mul3A_39 = arith.muli %arg1, %mul3A_38 : i32
    "tpu.region"() ({
      %run_scoped3A_68 = tpu.sem_alloc : memref<!tpu.dma_semaphore, #tpu.memory_space<semaphore_mem>>
      %dma_start3A_69 = arith.constant 0 : i32
      %dma_start3A_70 = tpu.memref_slice %arg14[%mul3A_39, %dma_start3A_69] : memref<10240x64xf32, #tpu.memory_space<vmem_shared>> -> memref<640x64xf32, #tpu.memory_space<vmem_shared>>
      %dma_start3A_71 = arith.constant 0 : i32
      %dma_start3A_72 = tpu.memref_slice %arg6[%mul3A_37, %dma_start3A_71] : memref<10240x64xf32, #tpu.memory_space<hbm>> -> memref<640x64xf32, #tpu.memory_space<hbm>>
      tpu.enqueue_dma source(%dma_start3A_72 : memref<640x64xf32, #tpu.memory_space<hbm>>) target(%dma_start3A_70 : memref<640x64xf32, #tpu.memory_space<vmem_shared>>) target_semaphore(%run_scoped3A_68 : memref<!tpu.dma_semaphore, #tpu.memory_space<semaphore_mem>>)
      %dma_wait3A_73 = arith.constant 0 : i32
      %dma_wait3A_74 = tpu.memref_slice %arg14[%mul3A_39, %dma_wait3A_73] : memref<10240x64xf32, #tpu.memory_space<vmem_shared>> -> memref<640x64xf32, #tpu.memory_space<vmem_shared>>
      %dma_wait3A_75 = arith.constant 0 : i32
      %dma_wait3A_76 = tpu.memref_slice %arg6[%mul3A_37, %dma_wait3A_75] : memref<10240x64xf32, #tpu.memory_space<hbm>> -> memref<640x64xf32, #tpu.memory_space<hbm>>
      tpu.wait_dma2 semaphore(%run_scoped3A_68 : memref<!tpu.dma_semaphore, #tpu.memory_space<semaphore_mem>>) src(%dma_wait3A_76 : memref<640x64xf32, #tpu.memory_space<hbm>>) dst(%dma_wait3A_74 : memref<640x64xf32, #tpu.memory_space<vmem_shared>>)
      tpu.yield
    }) : () -> ()
    %barrier3A_40 = arith.constant 0 : index
    tpu.barrier barrier_id(%barrier3A_40)
    %dma_start3A_41 = arith.constant 0 : i32
    %dma_start3A_42 = tpu.memref_slice %arg8[%dma_start3A_41] : memref<10000xi32, #tpu.memory_space<vmem>> -> memref<128xi32, #tpu.memory_space<vmem>>
    %dma_start3A_43 = arith.constant 0 : i32
    %dma_start3A_44 = arith.constant 0 : i32
    %dma_start3A_45 = tpu.memref_slice %arg15[%dma_start3A_43, %dma_start3A_44] : memref<10000x64xf32, #tpu.memory_space<vmem_shared>> -> memref<10000x64xf32, #tpu.memory_space<vmem_shared>>
    tpu.enqueue_indirect_dma source(%dma_start3A_45 : memref<10000x64xf32, #tpu.memory_space<vmem_shared>>) target(%arg10 : memref<128x64xf32, #tpu.memory_space<vmem>>) offsets(%dma_start3A_42 : memref<128xi32, #tpu.memory_space<vmem>>) semaphore(%arg13 : memref<!tpu.dma_semaphore, #tpu.memory_space<semaphore_mem>>)
    %scan3A_46 = arith.constant 0 : i32
    %scan3A_47 = arith.constant 39 : i32
    %scan3A_48 = arith.addi %scan3A_46, %scan3A_47 : i32
    %scan3A_49 = arith.constant 1 : i32
    scf.for %scan3A_68 = %scan3A_46 to %scan3A_48 step %scan3A_49  : i32 {
      %mul3A_69 = arith.constant 2 : i32
      %mul3A_70 = arith.muli %scan3A_68, %mul3A_69 : i32
      %add3A_71 = arith.constant 0 : i32
      %add3A_72 = arith.addi %add3A_71, %mul3A_70 : i32
      %add3A_73 = arith.constant 0 : i32
      %add3A_74 = arith.addi %add3A_72, %add3A_73 : i32
      %mul3A_75 = arith.constant 128 : i32
      %mul3A_76 = arith.muli %add3A_74, %mul3A_75 : i32
      %dma_wait3A_77 = tpu.memref_slice %arg8[%mul3A_76] : memref<10000xi32, #tpu.memory_space<vmem>> -> memref<128xi32, #tpu.memory_space<vmem>>
      %dma_wait3A_78 = arith.constant 0 : i32
      %dma_wait3A_79 = arith.constant 0 : i32
      %dma_wait3A_80 = tpu.memref_slice %arg15[%dma_wait3A_78, %dma_wait3A_79] : memref<10000x64xf32, #tpu.memory_space<vmem_shared>> -> memref<10000x64xf32, #tpu.memory_space<vmem_shared>>
      tpu.wait_indirect_dma semaphore(%arg13 : memref<!tpu.dma_semaphore, #tpu.memory_space<semaphore_mem>>) src(%dma_wait3A_80 : memref<10000x64xf32, #tpu.memory_space<vmem_shared>>) dst(%arg10 : memref<128x64xf32, #tpu.memory_space<vmem>>)
      %add3A_81 = arith.constant 1 : i32
      %add3A_82 = arith.addi %add3A_74, %add3A_81 : i32
      %lt3A = arith.constant 78 : i32
      %lt3A_83 = arith.cmpi slt, %add3A_82, %lt3A : i32
      %convert_element_type3A = arith.extui %lt3A_83 : i1 to i32
      %cond3A = arith.constant 0 : i32
      %cond3A_84 = arith.cmpi ne, %convert_element_type3A, %cond3A : i32
      scf.if %cond3A_84 {
        %add3A_104 = arith.constant 1 : i32
        %add3A_105 = arith.addi %add3A_74, %add3A_104 : i32
        %mul3A_106 = arith.constant 128 : i32
        %mul3A_107 = arith.muli %add3A_105, %mul3A_106 : i32
        %dma_start3A_108 = tpu.memref_slice %arg8[%mul3A_107] : memref<10000xi32, #tpu.memory_space<vmem>> -> memref<128xi32, #tpu.memory_space<vmem>>
        %dma_start3A_109 = arith.constant 0 : i32
        %dma_start3A_110 = arith.constant 0 : i32
        %dma_start3A_111 = tpu.memref_slice %arg15[%dma_start3A_109, %dma_start3A_110] : memref<10000x64xf32, #tpu.memory_space<vmem_shared>> -> memref<10000x64xf32, #tpu.memory_space<vmem_shared>>
        tpu.enqueue_indirect_dma source(%dma_start3A_111 : memref<10000x64xf32, #tpu.memory_space<vmem_shared>>) target(%arg11 : memref<128x64xf32, #tpu.memory_space<vmem>>) offsets(%dma_start3A_108 : memref<128xi32, #tpu.memory_space<vmem>>) semaphore(%arg13 : memref<!tpu.dma_semaphore, #tpu.memory_space<semaphore_mem>>)
      } else {
      }
      %mul3A_85 = arith.constant 128 : i32
      %mul3A_86 = arith.muli %add3A_74, %mul3A_85 : i32
      "tpu.region"() ({
        %run_scoped3A_104 = tpu.sem_alloc : memref<!tpu.dma_semaphore, #tpu.memory_space<semaphore_mem>>
        %dma_start3A_105 = tpu.memref_slice %arg9[%mul3A_86] : memref<10000xi32, #tpu.memory_space<vmem>> -> memref<128xi32, #tpu.memory_space<vmem>>
        %dma_start3A_106 = arith.constant 0 : i32
        %dma_start3A_107 = arith.constant 0 : i32
        %dma_start3A_108 = tpu.memref_slice %arg14[%dma_start3A_106, %dma_start3A_107] : memref<10240x64xf32, #tpu.memory_space<vmem_shared>> -> memref<10240x64xf32, #tpu.memory_space<vmem_shared>>
        tpu.enqueue_indirect_dma source(%arg10 : memref<128x64xf32, #tpu.memory_space<vmem>>) target(%dma_start3A_108 : memref<10240x64xf32, #tpu.memory_space<vmem_shared>>) offsets(%dma_start3A_105 : memref<128xi32, #tpu.memory_space<vmem>>) semaphore(%run_scoped3A_104 : memref<!tpu.dma_semaphore, #tpu.memory_space<semaphore_mem>>) {add = true}
        %dma_wait3A_109 = tpu.memref_slice %arg9[%mul3A_86] : memref<10000xi32, #tpu.memory_space<vmem>> -> memref<128xi32, #tpu.memory_space<vmem>>
        %dma_wait3A_110 = arith.constant 0 : i32
        %dma_wait3A_111 = arith.constant 0 : i32
        %dma_wait3A_112 = tpu.memref_slice %arg14[%dma_wait3A_110, %dma_wait3A_111] : memref<10240x64xf32, #tpu.memory_space<vmem_shared>> -> memref<10240x64xf32, #tpu.memory_space<vmem_shared>>
        tpu.wait_indirect_dma semaphore(%run_scoped3A_104 : memref<!tpu.dma_semaphore, #tpu.memory_space<semaphore_mem>>) src(%arg10 : memref<128x64xf32, #tpu.memory_space<vmem>>) dst(%dma_wait3A_112 : memref<10240x64xf32, #tpu.memory_space<vmem_shared>>)
        tpu.yield
      }) : () -> ()
      %add3A_87 = arith.constant 1 : i32
      %add3A_88 = arith.addi %add3A_72, %add3A_87 : i32
      %mul3A_89 = arith.constant 128 : i32
      %mul3A_90 = arith.muli %add3A_88, %mul3A_89 : i32
      %dma_wait3A_91 = tpu.memref_slice %arg8[%mul3A_90] : memref<10000xi32, #tpu.memory_space<vmem>> -> memref<128xi32, #tpu.memory_space<vmem>>
      %dma_wait3A_92 = arith.constant 0 : i32
      %dma_wait3A_93 = arith.constant 0 : i32
      %dma_wait3A_94 = tpu.memref_slice %arg15[%dma_wait3A_92, %dma_wait3A_93] : memref<10000x64xf32, #tpu.memory_space<vmem_shared>> -> memref<10000x64xf32, #tpu.memory_space<vmem_shared>>
      tpu.wait_indirect_dma semaphore(%arg13 : memref<!tpu.dma_semaphore, #tpu.memory_space<semaphore_mem>>) src(%dma_wait3A_94 : memref<10000x64xf32, #tpu.memory_space<vmem_shared>>) dst(%arg11 : memref<128x64xf32, #tpu.memory_space<vmem>>)
      %add3A_95 = arith.constant 1 : i32
      %add3A_96 = arith.addi %add3A_88, %add3A_95 : i32
      %lt3A_97 = arith.constant 78 : i32
      %lt3A_98 = arith.cmpi slt, %add3A_96, %lt3A_97 : i32
      %convert_element_type3A_99 = arith.extui %lt3A_98 : i1 to i32
      %cond3A_100 = arith.constant 0 : i32
      %cond3A_101 = arith.cmpi ne, %convert_element_type3A_99, %cond3A_100 : i32
      scf.if %cond3A_101 {
        %add3A_104 = arith.constant 1 : i32
        %add3A_105 = arith.addi %add3A_88, %add3A_104 : i32
        %mul3A_106 = arith.constant 128 : i32
        %mul3A_107 = arith.muli %add3A_105, %mul3A_106 : i32
        %dma_start3A_108 = tpu.memref_slice %arg8[%mul3A_107] : memref<10000xi32, #tpu.memory_space<vmem>> -> memref<128xi32, #tpu.memory_space<vmem>>
        %dma_start3A_109 = arith.constant 0 : i32
        %dma_start3A_110 = arith.constant 0 : i32
        %dma_start3A_111 = tpu.memref_slice %arg15[%dma_start3A_109, %dma_start3A_110] : memref<10000x64xf32, #tpu.memory_space<vmem_shared>> -> memref<10000x64xf32, #tpu.memory_space<vmem_shared>>
        tpu.enqueue_indirect_dma source(%dma_start3A_111 : memref<10000x64xf32, #tpu.memory_space<vmem_shared>>) target(%arg10 : memref<128x64xf32, #tpu.memory_space<vmem>>) offsets(%dma_start3A_108 : memref<128xi32, #tpu.memory_space<vmem>>) semaphore(%arg13 : memref<!tpu.dma_semaphore, #tpu.memory_space<semaphore_mem>>)
      } else {
      }
      %mul3A_102 = arith.constant 128 : i32
      %mul3A_103 = arith.muli %add3A_88, %mul3A_102 : i32
      "tpu.region"() ({
        %run_scoped3A_104 = tpu.sem_alloc : memref<!tpu.dma_semaphore, #tpu.memory_space<semaphore_mem>>
        %dma_start3A_105 = tpu.memref_slice %arg9[%mul3A_103] : memref<10000xi32, #tpu.memory_space<vmem>> -> memref<128xi32, #tpu.memory_space<vmem>>
        %dma_start3A_106 = arith.constant 0 : i32
        %dma_start3A_107 = arith.constant 0 : i32
        %dma_start3A_108 = tpu.memref_slice %arg14[%dma_start3A_106, %dma_start3A_107] : memref<10240x64xf32, #tpu.memory_space<vmem_shared>> -> memref<10240x64xf32, #tpu.memory_space<vmem_shared>>
        tpu.enqueue_indirect_dma source(%arg11 : memref<128x64xf32, #tpu.memory_space<vmem>>) target(%dma_start3A_108 : memref<10240x64xf32, #tpu.memory_space<vmem_shared>>) offsets(%dma_start3A_105 : memref<128xi32, #tpu.memory_space<vmem>>) semaphore(%run_scoped3A_104 : memref<!tpu.dma_semaphore, #tpu.memory_space<semaphore_mem>>) {add = true}
        %dma_wait3A_109 = tpu.memref_slice %arg9[%mul3A_103] : memref<10000xi32, #tpu.memory_space<vmem>> -> memref<128xi32, #tpu.memory_space<vmem>>
        %dma_wait3A_110 = arith.constant 0 : i32
        %dma_wait3A_111 = arith.constant 0 : i32
        %dma_wait3A_112 = tpu.memref_slice %arg14[%dma_wait3A_110, %dma_wait3A_111] : memref<10240x64xf32, #tpu.memory_space<vmem_shared>> -> memref<10240x64xf32, #tpu.memory_space<vmem_shared>>
        tpu.wait_indirect_dma semaphore(%run_scoped3A_104 : memref<!tpu.dma_semaphore, #tpu.memory_space<semaphore_mem>>) src(%arg11 : memref<128x64xf32, #tpu.memory_space<vmem>>) dst(%dma_wait3A_112 : memref<10240x64xf32, #tpu.memory_space<vmem_shared>>)
        tpu.yield
      }) : () -> ()
    }
    %scan3A_50 = arith.constant 39 : i32
    %dma_start3A_51 = arith.constant 9984 : i32
    %dma_start3A_52 = tpu.memref_slice %arg8[%dma_start3A_51] : memref<10000xi32, #tpu.memory_space<vmem>> -> memref<16xi32, #tpu.memory_space<vmem>>
    %dma_start3A_53 = arith.constant 0 : i32
    %dma_start3A_54 = arith.constant 0 : i32
    %dma_start3A_55 = tpu.memref_slice %arg15[%dma_start3A_53, %dma_start3A_54] : memref<10000x64xf32, #tpu.memory_space<vmem_shared>> -> memref<10000x64xf32, #tpu.memory_space<vmem_shared>>
    tpu.enqueue_indirect_dma source(%dma_start3A_55 : memref<10000x64xf32, #tpu.memory_space<vmem_shared>>) target(%arg12 : memref<16x64xf32, #tpu.memory_space<vmem>>) offsets(%dma_start3A_52 : memref<16xi32, #tpu.memory_space<vmem>>) semaphore(%arg13 : memref<!tpu.dma_semaphore, #tpu.memory_space<semaphore_mem>>)
    %dma_wait3A_56 = arith.constant 9984 : i32
    %dma_wait3A_57 = tpu.memref_slice %arg8[%dma_wait3A_56] : memref<10000xi32, #tpu.memory_space<vmem>> -> memref<16xi32, #tpu.memory_space<vmem>>
    %dma_wait3A_58 = arith.constant 0 : i32
    %dma_wait3A_59 = arith.constant 0 : i32
    %dma_wait3A_60 = tpu.memref_slice %arg15[%dma_wait3A_58, %dma_wait3A_59] : memref<10000x64xf32, #tpu.memory_space<vmem_shared>> -> memref<10000x64xf32, #tpu.memory_space<vmem_shared>>
    tpu.wait_indirect_dma semaphore(%arg13 : memref<!tpu.dma_semaphore, #tpu.memory_space<semaphore_mem>>) src(%dma_wait3A_60 : memref<10000x64xf32, #tpu.memory_space<vmem_shared>>) dst(%arg12 : memref<16x64xf32, #tpu.memory_space<vmem>>)
    "tpu.region"() ({
      %run_scoped3A_68 = tpu.sem_alloc : memref<!tpu.dma_semaphore, #tpu.memory_space<semaphore_mem>>
      %dma_start3A_69 = arith.constant 9984 : i32
      %dma_start3A_70 = tpu.memref_slice %arg9[%dma_start3A_69] : memref<10000xi32, #tpu.memory_space<vmem>> -> memref<16xi32, #tpu.memory_space<vmem>>
      %dma_start3A_71 = arith.constant 0 : i32
      %dma_start3A_72 = arith.constant 0 : i32
      %dma_start3A_73 = tpu.memref_slice %arg14[%dma_start3A_71, %dma_start3A_72] : memref<10240x64xf32, #tpu.memory_space<vmem_shared>> -> memref<10240x64xf32, #tpu.memory_space<vmem_shared>>
      tpu.enqueue_indirect_dma source(%arg12 : memref<16x64xf32, #tpu.memory_space<vmem>>) target(%dma_start3A_73 : memref<10240x64xf32, #tpu.memory_space<vmem_shared>>) offsets(%dma_start3A_70 : memref<16xi32, #tpu.memory_space<vmem>>) semaphore(%run_scoped3A_68 : memref<!tpu.dma_semaphore, #tpu.memory_space<semaphore_mem>>) {add = true}
      %dma_wait3A_74 = arith.constant 9984 : i32
      %dma_wait3A_75 = tpu.memref_slice %arg9[%dma_wait3A_74] : memref<10000xi32, #tpu.memory_space<vmem>> -> memref<16xi32, #tpu.memory_space<vmem>>
      %dma_wait3A_76 = arith.constant 0 : i32
      %dma_wait3A_77 = arith.constant 0 : i32
      %dma_wait3A_78 = tpu.memref_slice %arg14[%dma_wait3A_76, %dma_wait3A_77] : memref<10240x64xf32, #tpu.memory_space<vmem_shared>> -> memref<10240x64xf32, #tpu.memory_space<vmem_shared>>
      tpu.wait_indirect_dma semaphore(%run_scoped3A_68 : memref<!tpu.dma_semaphore, #tpu.memory_space<semaphore_mem>>) src(%arg12 : memref<16x64xf32, #tpu.memory_space<vmem>>) dst(%dma_wait3A_78 : memref<10240x64xf32, #tpu.memory_space<vmem_shared>>)
      tpu.yield
    }) : () -> ()
    %barrier3A_61 = arith.constant 0 : index
    tpu.barrier barrier_id(%barrier3A_61)
    %mul3A_62 = arith.constant 640 : i32
    %mul3A_63 = arith.muli %arg1, %mul3A_62 : i32
    %mul3A_64 = arith.constant 640 : i32
    %mul3A_65 = arith.muli %arg1, %mul3A_64 : i32
    %run_scoped3A_66 = arith.constant 1 : i32
    "tpu.region"() ({
      %run_scoped3A_68 = tpu.sem_alloc : memref<!tpu.dma_semaphore, #tpu.memory_space<semaphore_mem>>
      %dma_start3A_69 = arith.constant 0 : i32
      %dma_start3A_70 = tpu.memref_slice %arg7[%arg0, %run_scoped3A_66, %mul3A_65, %dma_start3A_69] : memref<2x2x10240x64xf32, #tpu.memory_space<hbm>> -> memref<1x1x640x64xf32, #tpu.memory_space<hbm>>
      %dma_start3A_71 = tpu.memref_squeeze %dma_start3A_70 : memref<1x1x640x64xf32, #tpu.memory_space<hbm>> -> memref<640x64xf32, #tpu.memory_space<hbm>>
      %dma_start3A_72 = arith.constant 0 : i32
      %dma_start3A_73 = tpu.memref_slice %arg14[%mul3A_63, %dma_start3A_72] : memref<10240x64xf32, #tpu.memory_space<vmem_shared>> -> memref<640x64xf32, #tpu.memory_space<vmem_shared>>
      tpu.enqueue_dma source(%dma_start3A_73 : memref<640x64xf32, #tpu.memory_space<vmem_shared>>) target(%dma_start3A_71 : memref<640x64xf32, #tpu.memory_space<hbm>>) target_semaphore(%run_scoped3A_68 : memref<!tpu.dma_semaphore, #tpu.memory_space<semaphore_mem>>)
      %dma_wait3A_74 = arith.constant 0 : i32
      %dma_wait3A_75 = tpu.memref_slice %arg7[%arg0, %run_scoped3A_66, %mul3A_65, %dma_wait3A_74] : memref<2x2x10240x64xf32, #tpu.memory_space<hbm>> -> memref<1x1x640x64xf32, #tpu.memory_space<hbm>>
      %dma_wait3A_76 = tpu.memref_squeeze %dma_wait3A_75 : memref<1x1x640x64xf32, #tpu.memory_space<hbm>> -> memref<640x64xf32, #tpu.memory_space<hbm>>
      %dma_wait3A_77 = arith.constant 0 : i32
      %dma_wait3A_78 = tpu.memref_slice %arg14[%mul3A_63, %dma_wait3A_77] : memref<10240x64xf32, #tpu.memory_space<vmem_shared>> -> memref<640x64xf32, #tpu.memory_space<vmem_shared>>
      tpu.wait_dma2 semaphore(%run_scoped3A_68 : memref<!tpu.dma_semaphore, #tpu.memory_space<semaphore_mem>>) src(%dma_wait3A_78 : memref<640x64xf32, #tpu.memory_space<vmem_shared>>) dst(%dma_wait3A_76 : memref<640x64xf32, #tpu.memory_space<hbm>>)
      tpu.yield
    }) : () -> ()
    %barrier3A_67 = arith.constant 0 : index
    tpu.barrier barrier_id(%barrier3A_67)
    return
  }
}

#map = affine_map<(d0, d1) -> (0, 0)>
#map1 = affine_map<(d0, d1) -> (0, 0, 0, 0)>
module attributes {stable_mosaic.version = 14 : i64} {
  func.func @_edge_body(%arg0: i32, %arg1: i32, %arg2: memref<10000x64xf32, #tpu.memory_space<hbm>>, %arg3: memref<10000x64xf32, #tpu.memory_space<hbm>>, %arg4: memref<32x10000xi32, #tpu.memory_space<hbm>>, %arg5: memref<32x10000xi32, #tpu.memory_space<hbm>>, %arg6: memref<10240x64xf32, #tpu.memory_space<hbm>>, %arg7: memref<2x2x10240x64xf32, #tpu.memory_space<hbm>>, %arg8: memref<10000xi32, #tpu.memory_space<vmem>>, %arg9: memref<10000xi32, #tpu.memory_space<vmem>>, %arg10: memref<128x64xf32, #tpu.memory_space<vmem>>, %arg11: memref<128x64xf32, #tpu.memory_space<vmem>>, %arg12: memref<16x64xf32, #tpu.memory_space<vmem>>, %arg13: memref<!tpu.dma_semaphore, #tpu.memory_space<semaphore_mem>>, %arg14: memref<10240x64xf32, #tpu.memory_space<vmem_shared>>, %arg15: memref<10000x64xf32, #tpu.memory_space<vmem_shared>>) attributes {dimension_semantics = [#tpu.dimension_semantics<core_parallel>, #tpu.dimension_semantics<subcore_parallel>], iteration_bounds = array<i64: 2, 16>, scalar_prefetch = 0 : i64, scratch_operands = 8 : i64, tpu.core_type = #tpu.core_type<sc_vector_subcore>, window_params = [{transform_indices = #map}, {transform_indices = #map}, {transform_indices = #map}, {transform_indices = #map}, {transform_indices = #map}, {transform_indices = #map1}]} {
    %mul3A = arith.constant 16 : i32
    %mul3A_0 = arith.muli %arg0, %mul3A : i32
    %add3A = arith.addi %mul3A_0, %arg1 : i32
    "tpu.region"() ({
      %run_scoped3A_68 = tpu.sem_alloc : memref<!tpu.dma_semaphore, #tpu.memory_space<semaphore_mem>>
      %dma_start3A_69 = arith.constant 0 : i32
      %dma_start3A_70 = tpu.memref_slice %arg4[%add3A, %dma_start3A_69] : memref<32x10000xi32, #tpu.memory_space<hbm>> -> memref<1x10000xi32, #tpu.memory_space<hbm>>
      %dma_start3A_71 = tpu.memref_squeeze %dma_start3A_70 : memref<1x10000xi32, #tpu.memory_space<hbm>> -> memref<10000xi32, #tpu.memory_space<hbm>>
      %dma_start3A_72 = arith.constant 0 : i32
      %dma_start3A_73 = tpu.memref_slice %arg4[%add3A, %dma_start3A_72] : memref<32x10000xi32, #tpu.memory_space<hbm>> -> memref<1x10000xi32, #tpu.memory_space<hbm>>
      %dma_start3A_74 = tpu.memref_squeeze %dma_start3A_73 : memref<1x10000xi32, #tpu.memory_space<hbm>> -> memref<10000xi32, #tpu.memory_space<hbm>>
      tpu.enqueue_dma source(%dma_start3A_74 : memref<10000xi32, #tpu.memory_space<hbm>>) target(%arg8 : memref<10000xi32, #tpu.memory_space<vmem>>) target_semaphore(%run_scoped3A_68 : memref<!tpu.dma_semaphore, #tpu.memory_space<semaphore_mem>>)
      %dma_wait3A_75 = arith.constant 0 : i32
      %dma_wait3A_76 = tpu.memref_slice %arg4[%add3A, %dma_wait3A_75] : memref<32x10000xi32, #tpu.memory_space<hbm>> -> memref<1x10000xi32, #tpu.memory_space<hbm>>
      %dma_wait3A_77 = tpu.memref_squeeze %dma_wait3A_76 : memref<1x10000xi32, #tpu.memory_space<hbm>> -> memref<10000xi32, #tpu.memory_space<hbm>>
      %dma_wait3A_78 = arith.constant 0 : i32
      %dma_wait3A_79 = tpu.memref_slice %arg4[%add3A, %dma_wait3A_78] : memref<32x10000xi32, #tpu.memory_space<hbm>> -> memref<1x10000xi32, #tpu.memory_space<hbm>>
      %dma_wait3A_80 = tpu.memref_squeeze %dma_wait3A_79 : memref<1x10000xi32, #tpu.memory_space<hbm>> -> memref<10000xi32, #tpu.memory_space<hbm>>
      tpu.wait_dma2 semaphore(%run_scoped3A_68 : memref<!tpu.dma_semaphore, #tpu.memory_space<semaphore_mem>>) src(%dma_wait3A_80 : memref<10000xi32, #tpu.memory_space<hbm>>) dst(%arg8 : memref<10000xi32, #tpu.memory_space<vmem>>)
      tpu.yield
    }) : () -> ()
    "tpu.region"() ({
      %run_scoped3A_68 = tpu.sem_alloc : memref<!tpu.dma_semaphore, #tpu.memory_space<semaphore_mem>>
      %dma_start3A_69 = arith.constant 0 : i32
      %dma_start3A_70 = tpu.memref_slice %arg5[%add3A, %dma_start3A_69] : memref<32x10000xi32, #tpu.memory_space<hbm>> -> memref<1x10000xi32, #tpu.memory_space<hbm>>
      %dma_start3A_71 = tpu.memref_squeeze %dma_start3A_70 : memref<1x10000xi32, #tpu.memory_space<hbm>> -> memref<10000xi32, #tpu.memory_space<hbm>>
      %dma_start3A_72 = arith.constant 0 : i32
      %dma_start3A_73 = tpu.memref_slice %arg5[%add3A, %dma_start3A_72] : memref<32x10000xi32, #tpu.memory_space<hbm>> -> memref<1x10000xi32, #tpu.memory_space<hbm>>
      %dma_start3A_74 = tpu.memref_squeeze %dma_start3A_73 : memref<1x10000xi32, #tpu.memory_space<hbm>> -> memref<10000xi32, #tpu.memory_space<hbm>>
      tpu.enqueue_dma source(%dma_start3A_74 : memref<10000xi32, #tpu.memory_space<hbm>>) target(%arg9 : memref<10000xi32, #tpu.memory_space<vmem>>) target_semaphore(%run_scoped3A_68 : memref<!tpu.dma_semaphore, #tpu.memory_space<semaphore_mem>>)
      %dma_wait3A_75 = arith.constant 0 : i32
      %dma_wait3A_76 = tpu.memref_slice %arg5[%add3A, %dma_wait3A_75] : memref<32x10000xi32, #tpu.memory_space<hbm>> -> memref<1x10000xi32, #tpu.memory_space<hbm>>
      %dma_wait3A_77 = tpu.memref_squeeze %dma_wait3A_76 : memref<1x10000xi32, #tpu.memory_space<hbm>> -> memref<10000xi32, #tpu.memory_space<hbm>>
      %dma_wait3A_78 = arith.constant 0 : i32
      %dma_wait3A_79 = tpu.memref_slice %arg5[%add3A, %dma_wait3A_78] : memref<32x10000xi32, #tpu.memory_space<hbm>> -> memref<1x10000xi32, #tpu.memory_space<hbm>>
      %dma_wait3A_80 = tpu.memref_squeeze %dma_wait3A_79 : memref<1x10000xi32, #tpu.memory_space<hbm>> -> memref<10000xi32, #tpu.memory_space<hbm>>
      tpu.wait_dma2 semaphore(%run_scoped3A_68 : memref<!tpu.dma_semaphore, #tpu.memory_space<semaphore_mem>>) src(%dma_wait3A_80 : memref<10000xi32, #tpu.memory_space<hbm>>) dst(%arg9 : memref<10000xi32, #tpu.memory_space<vmem>>)
      tpu.yield
    }) : () -> ()
    %mul3A_1 = arith.constant 625 : i32
    %mul3A_2 = arith.muli %arg1, %mul3A_1 : i32
    %mul3A_3 = arith.constant 625 : i32
    %mul3A_4 = arith.muli %arg1, %mul3A_3 : i32
    "tpu.region"() ({
      %run_scoped3A_68 = tpu.sem_alloc : memref<!tpu.dma_semaphore, #tpu.memory_space<semaphore_mem>>
      %dma_start3A_69 = arith.constant 0 : i32
      %dma_start3A_70 = tpu.memref_slice %arg15[%mul3A_4, %dma_start3A_69] : memref<10000x64xf32, #tpu.memory_space<vmem_shared>> -> memref<625x64xf32, #tpu.memory_space<vmem_shared>>
      %dma_start3A_71 = arith.constant 0 : i32
      %dma_start3A_72 = tpu.memref_slice %arg2[%mul3A_2, %dma_start3A_71] : memref<10000x64xf32, #tpu.memory_space<hbm>> -> memref<625x64xf32, #tpu.memory_space<hbm>>
      tpu.enqueue_dma source(%dma_start3A_72 : memref<625x64xf32, #tpu.memory_space<hbm>>) target(%dma_start3A_70 : memref<625x64xf32, #tpu.memory_space<vmem_shared>>) target_semaphore(%run_scoped3A_68 : memref<!tpu.dma_semaphore, #tpu.memory_space<semaphore_mem>>)
      %dma_wait3A_73 = arith.constant 0 : i32
      %dma_wait3A_74 = tpu.memref_slice %arg15[%mul3A_4, %dma_wait3A_73] : memref<10000x64xf32, #tpu.memory_space<vmem_shared>> -> memref<625x64xf32, #tpu.memory_space<vmem_shared>>
      %dma_wait3A_75 = arith.constant 0 : i32
      %dma_wait3A_76 = tpu.memref_slice %arg2[%mul3A_2, %dma_wait3A_75] : memref<10000x64xf32, #tpu.memory_space<hbm>> -> memref<625x64xf32, #tpu.memory_space<hbm>>
      tpu.wait_dma2 semaphore(%run_scoped3A_68 : memref<!tpu.dma_semaphore, #tpu.memory_space<semaphore_mem>>) src(%dma_wait3A_76 : memref<625x64xf32, #tpu.memory_space<hbm>>) dst(%dma_wait3A_74 : memref<625x64xf32, #tpu.memory_space<vmem_shared>>)
      tpu.yield
    }) : () -> ()
    %mul3A_5 = arith.constant 640 : i32
    %mul3A_6 = arith.muli %arg1, %mul3A_5 : i32
    %mul3A_7 = arith.constant 640 : i32
    %mul3A_8 = arith.muli %arg1, %mul3A_7 : i32
    "tpu.region"() ({
      %run_scoped3A_68 = tpu.sem_alloc : memref<!tpu.dma_semaphore, #tpu.memory_space<semaphore_mem>>
      %dma_start3A_69 = arith.constant 0 : i32
      %dma_start3A_70 = tpu.memref_slice %arg14[%mul3A_8, %dma_start3A_69] : memref<10240x64xf32, #tpu.memory_space<vmem_shared>> -> memref<640x64xf32, #tpu.memory_space<vmem_shared>>
      %dma_start3A_71 = arith.constant 0 : i32
      %dma_start3A_72 = tpu.memref_slice %arg6[%mul3A_6, %dma_start3A_71] : memref<10240x64xf32, #tpu.memory_space<hbm>> -> memref<640x64xf32, #tpu.memory_space<hbm>>
      tpu.enqueue_dma source(%dma_start3A_72 : memref<640x64xf32, #tpu.memory_space<hbm>>) target(%dma_start3A_70 : memref<640x64xf32, #tpu.memory_space<vmem_shared>>) target_semaphore(%run_scoped3A_68 : memref<!tpu.dma_semaphore, #tpu.memory_space<semaphore_mem>>)
      %dma_wait3A_73 = arith.constant 0 : i32
      %dma_wait3A_74 = tpu.memref_slice %arg14[%mul3A_8, %dma_wait3A_73] : memref<10240x64xf32, #tpu.memory_space<vmem_shared>> -> memref<640x64xf32, #tpu.memory_space<vmem_shared>>
      %dma_wait3A_75 = arith.constant 0 : i32
      %dma_wait3A_76 = tpu.memref_slice %arg6[%mul3A_6, %dma_wait3A_75] : memref<10240x64xf32, #tpu.memory_space<hbm>> -> memref<640x64xf32, #tpu.memory_space<hbm>>
      tpu.wait_dma2 semaphore(%run_scoped3A_68 : memref<!tpu.dma_semaphore, #tpu.memory_space<semaphore_mem>>) src(%dma_wait3A_76 : memref<640x64xf32, #tpu.memory_space<hbm>>) dst(%dma_wait3A_74 : memref<640x64xf32, #tpu.memory_space<vmem_shared>>)
      tpu.yield
    }) : () -> ()
    %barrier3A = arith.constant 0 : index
    tpu.barrier barrier_id(%barrier3A)
    %dma_start3A = arith.constant 0 : i32
    %dma_start3A_9 = tpu.memref_slice %arg8[%dma_start3A] : memref<10000xi32, #tpu.memory_space<vmem>> -> memref<128xi32, #tpu.memory_space<vmem>>
    %dma_start3A_10 = arith.constant 0 : i32
    %dma_start3A_11 = arith.constant 0 : i32
    %dma_start3A_12 = tpu.memref_slice %arg15[%dma_start3A_10, %dma_start3A_11] : memref<10000x64xf32, #tpu.memory_space<vmem_shared>> -> memref<10000x64xf32, #tpu.memory_space<vmem_shared>>
    tpu.enqueue_indirect_dma source(%dma_start3A_12 : memref<10000x64xf32, #tpu.memory_space<vmem_shared>>) target(%arg10 : memref<128x64xf32, #tpu.memory_space<vmem>>) offsets(%dma_start3A_9 : memref<128xi32, #tpu.memory_space<vmem>>) semaphore(%arg13 : memref<!tpu.dma_semaphore, #tpu.memory_space<semaphore_mem>>)
    %scan3A = arith.constant 0 : i32
    %scan3A_13 = arith.constant 39 : i32
    %scan3A_14 = arith.addi %scan3A, %scan3A_13 : i32
    %scan3A_15 = arith.constant 1 : i32
    scf.for %scan3A_68 = %scan3A to %scan3A_14 step %scan3A_15  : i32 {
      %mul3A_69 = arith.constant 2 : i32
      %mul3A_70 = arith.muli %scan3A_68, %mul3A_69 : i32
      %add3A_71 = arith.constant 0 : i32
      %add3A_72 = arith.addi %add3A_71, %mul3A_70 : i32
      %add3A_73 = arith.constant 0 : i32
      %add3A_74 = arith.addi %add3A_72, %add3A_73 : i32
      %mul3A_75 = arith.constant 128 : i32
      %mul3A_76 = arith.muli %add3A_74, %mul3A_75 : i32
      %dma_wait3A_77 = tpu.memref_slice %arg8[%mul3A_76] : memref<10000xi32, #tpu.memory_space<vmem>> -> memref<128xi32, #tpu.memory_space<vmem>>
      %dma_wait3A_78 = arith.constant 0 : i32
      %dma_wait3A_79 = arith.constant 0 : i32
      %dma_wait3A_80 = tpu.memref_slice %arg15[%dma_wait3A_78, %dma_wait3A_79] : memref<10000x64xf32, #tpu.memory_space<vmem_shared>> -> memref<10000x64xf32, #tpu.memory_space<vmem_shared>>
      tpu.wait_indirect_dma semaphore(%arg13 : memref<!tpu.dma_semaphore, #tpu.memory_space<semaphore_mem>>) src(%dma_wait3A_80 : memref<10000x64xf32, #tpu.memory_space<vmem_shared>>) dst(%arg10 : memref<128x64xf32, #tpu.memory_space<vmem>>)
      %add3A_81 = arith.constant 1 : i32
      %add3A_82 = arith.addi %add3A_74, %add3A_81 : i32
      %lt3A = arith.constant 78 : i32
      %lt3A_83 = arith.cmpi slt, %add3A_82, %lt3A : i32
      %convert_element_type3A = arith.extui %lt3A_83 : i1 to i32
      %cond3A = arith.constant 0 : i32
      %cond3A_84 = arith.cmpi ne, %convert_element_type3A, %cond3A : i32
      scf.if %cond3A_84 {
        %add3A_104 = arith.constant 1 : i32
        %add3A_105 = arith.addi %add3A_74, %add3A_104 : i32
        %mul3A_106 = arith.constant 128 : i32
        %mul3A_107 = arith.muli %add3A_105, %mul3A_106 : i32
        %dma_start3A_108 = tpu.memref_slice %arg8[%mul3A_107] : memref<10000xi32, #tpu.memory_space<vmem>> -> memref<128xi32, #tpu.memory_space<vmem>>
        %dma_start3A_109 = arith.constant 0 : i32
        %dma_start3A_110 = arith.constant 0 : i32
        %dma_start3A_111 = tpu.memref_slice %arg15[%dma_start3A_109, %dma_start3A_110] : memref<10000x64xf32, #tpu.memory_space<vmem_shared>> -> memref<10000x64xf32, #tpu.memory_space<vmem_shared>>
        tpu.enqueue_indirect_dma source(%dma_start3A_111 : memref<10000x64xf32, #tpu.memory_space<vmem_shared>>) target(%arg11 : memref<128x64xf32, #tpu.memory_space<vmem>>) offsets(%dma_start3A_108 : memref<128xi32, #tpu.memory_space<vmem>>) semaphore(%arg13 : memref<!tpu.dma_semaphore, #tpu.memory_space<semaphore_mem>>)
      } else {
      }
      %mul3A_85 = arith.constant 128 : i32
      %mul3A_86 = arith.muli %add3A_74, %mul3A_85 : i32
      "tpu.region"() ({
        %run_scoped3A_104 = tpu.sem_alloc : memref<!tpu.dma_semaphore, #tpu.memory_space<semaphore_mem>>
        %dma_start3A_105 = tpu.memref_slice %arg9[%mul3A_86] : memref<10000xi32, #tpu.memory_space<vmem>> -> memref<128xi32, #tpu.memory_space<vmem>>
        %dma_start3A_106 = arith.constant 0 : i32
        %dma_start3A_107 = arith.constant 0 : i32
        %dma_start3A_108 = tpu.memref_slice %arg14[%dma_start3A_106, %dma_start3A_107] : memref<10240x64xf32, #tpu.memory_space<vmem_shared>> -> memref<10240x64xf32, #tpu.memory_space<vmem_shared>>
        tpu.enqueue_indirect_dma source(%arg10 : memref<128x64xf32, #tpu.memory_space<vmem>>) target(%dma_start3A_108 : memref<10240x64xf32, #tpu.memory_space<vmem_shared>>) offsets(%dma_start3A_105 : memref<128xi32, #tpu.memory_space<vmem>>) semaphore(%run_scoped3A_104 : memref<!tpu.dma_semaphore, #tpu.memory_space<semaphore_mem>>) {add = true}
        %dma_wait3A_109 = tpu.memref_slice %arg9[%mul3A_86] : memref<10000xi32, #tpu.memory_space<vmem>> -> memref<128xi32, #tpu.memory_space<vmem>>
        %dma_wait3A_110 = arith.constant 0 : i32
        %dma_wait3A_111 = arith.constant 0 : i32
        %dma_wait3A_112 = tpu.memref_slice %arg14[%dma_wait3A_110, %dma_wait3A_111] : memref<10240x64xf32, #tpu.memory_space<vmem_shared>> -> memref<10240x64xf32, #tpu.memory_space<vmem_shared>>
        tpu.wait_indirect_dma semaphore(%run_scoped3A_104 : memref<!tpu.dma_semaphore, #tpu.memory_space<semaphore_mem>>) src(%arg10 : memref<128x64xf32, #tpu.memory_space<vmem>>) dst(%dma_wait3A_112 : memref<10240x64xf32, #tpu.memory_space<vmem_shared>>)
        tpu.yield
      }) : () -> ()
      %add3A_87 = arith.constant 1 : i32
      %add3A_88 = arith.addi %add3A_72, %add3A_87 : i32
      %mul3A_89 = arith.constant 128 : i32
      %mul3A_90 = arith.muli %add3A_88, %mul3A_89 : i32
      %dma_wait3A_91 = tpu.memref_slice %arg8[%mul3A_90] : memref<10000xi32, #tpu.memory_space<vmem>> -> memref<128xi32, #tpu.memory_space<vmem>>
      %dma_wait3A_92 = arith.constant 0 : i32
      %dma_wait3A_93 = arith.constant 0 : i32
      %dma_wait3A_94 = tpu.memref_slice %arg15[%dma_wait3A_92, %dma_wait3A_93] : memref<10000x64xf32, #tpu.memory_space<vmem_shared>> -> memref<10000x64xf32, #tpu.memory_space<vmem_shared>>
      tpu.wait_indirect_dma semaphore(%arg13 : memref<!tpu.dma_semaphore, #tpu.memory_space<semaphore_mem>>) src(%dma_wait3A_94 : memref<10000x64xf32, #tpu.memory_space<vmem_shared>>) dst(%arg11 : memref<128x64xf32, #tpu.memory_space<vmem>>)
      %add3A_95 = arith.constant 1 : i32
      %add3A_96 = arith.addi %add3A_88, %add3A_95 : i32
      %lt3A_97 = arith.constant 78 : i32
      %lt3A_98 = arith.cmpi slt, %add3A_96, %lt3A_97 : i32
      %convert_element_type3A_99 = arith.extui %lt3A_98 : i1 to i32
      %cond3A_100 = arith.constant 0 : i32
      %cond3A_101 = arith.cmpi ne, %convert_element_type3A_99, %cond3A_100 : i32
      scf.if %cond3A_101 {
        %add3A_104 = arith.constant 1 : i32
        %add3A_105 = arith.addi %add3A_88, %add3A_104 : i32
        %mul3A_106 = arith.constant 128 : i32
        %mul3A_107 = arith.muli %add3A_105, %mul3A_106 : i32
        %dma_start3A_108 = tpu.memref_slice %arg8[%mul3A_107] : memref<10000xi32, #tpu.memory_space<vmem>> -> memref<128xi32, #tpu.memory_space<vmem>>
        %dma_start3A_109 = arith.constant 0 : i32
        %dma_start3A_110 = arith.constant 0 : i32
        %dma_start3A_111 = tpu.memref_slice %arg15[%dma_start3A_109, %dma_start3A_110] : memref<10000x64xf32, #tpu.memory_space<vmem_shared>> -> memref<10000x64xf32, #tpu.memory_space<vmem_shared>>
        tpu.enqueue_indirect_dma source(%dma_start3A_111 : memref<10000x64xf32, #tpu.memory_space<vmem_shared>>) target(%arg10 : memref<128x64xf32, #tpu.memory_space<vmem>>) offsets(%dma_start3A_108 : memref<128xi32, #tpu.memory_space<vmem>>) semaphore(%arg13 : memref<!tpu.dma_semaphore, #tpu.memory_space<semaphore_mem>>)
      } else {
      }
      %mul3A_102 = arith.constant 128 : i32
      %mul3A_103 = arith.muli %add3A_88, %mul3A_102 : i32
      "tpu.region"() ({
        %run_scoped3A_104 = tpu.sem_alloc : memref<!tpu.dma_semaphore, #tpu.memory_space<semaphore_mem>>
        %dma_start3A_105 = tpu.memref_slice %arg9[%mul3A_103] : memref<10000xi32, #tpu.memory_space<vmem>> -> memref<128xi32, #tpu.memory_space<vmem>>
        %dma_start3A_106 = arith.constant 0 : i32
        %dma_start3A_107 = arith.constant 0 : i32
        %dma_start3A_108 = tpu.memref_slice %arg14[%dma_start3A_106, %dma_start3A_107] : memref<10240x64xf32, #tpu.memory_space<vmem_shared>> -> memref<10240x64xf32, #tpu.memory_space<vmem_shared>>
        tpu.enqueue_indirect_dma source(%arg11 : memref<128x64xf32, #tpu.memory_space<vmem>>) target(%dma_start3A_108 : memref<10240x64xf32, #tpu.memory_space<vmem_shared>>) offsets(%dma_start3A_105 : memref<128xi32, #tpu.memory_space<vmem>>) semaphore(%run_scoped3A_104 : memref<!tpu.dma_semaphore, #tpu.memory_space<semaphore_mem>>) {add = true}
        %dma_wait3A_109 = tpu.memref_slice %arg9[%mul3A_103] : memref<10000xi32, #tpu.memory_space<vmem>> -> memref<128xi32, #tpu.memory_space<vmem>>
        %dma_wait3A_110 = arith.constant 0 : i32
        %dma_wait3A_111 = arith.constant 0 : i32
        %dma_wait3A_112 = tpu.memref_slice %arg14[%dma_wait3A_110, %dma_wait3A_111] : memref<10240x64xf32, #tpu.memory_space<vmem_shared>> -> memref<10240x64xf32, #tpu.memory_space<vmem_shared>>
        tpu.wait_indirect_dma semaphore(%run_scoped3A_104 : memref<!tpu.dma_semaphore, #tpu.memory_space<semaphore_mem>>) src(%arg11 : memref<128x64xf32, #tpu.memory_space<vmem>>) dst(%dma_wait3A_112 : memref<10240x64xf32, #tpu.memory_space<vmem_shared>>)
        tpu.yield
      }) : () -> ()
    }
    %scan3A_16 = arith.constant 39 : i32
    %dma_start3A_17 = arith.constant 9984 : i32
    %dma_start3A_18 = tpu.memref_slice %arg8[%dma_start3A_17] : memref<10000xi32, #tpu.memory_space<vmem>> -> memref<16xi32, #tpu.memory_space<vmem>>
    %dma_start3A_19 = arith.constant 0 : i32
    %dma_start3A_20 = arith.constant 0 : i32
    %dma_start3A_21 = tpu.memref_slice %arg15[%dma_start3A_19, %dma_start3A_20] : memref<10000x64xf32, #tpu.memory_space<vmem_shared>> -> memref<10000x64xf32, #tpu.memory_space<vmem_shared>>
    tpu.enqueue_indirect_dma source(%dma_start3A_21 : memref<10000x64xf32, #tpu.memory_space<vmem_shared>>) target(%arg12 : memref<16x64xf32, #tpu.memory_space<vmem>>) offsets(%dma_start3A_18 : memref<16xi32, #tpu.memory_space<vmem>>) semaphore(%arg13 : memref<!tpu.dma_semaphore, #tpu.memory_space<semaphore_mem>>)
    %dma_wait3A = arith.constant 9984 : i32
    %dma_wait3A_22 = tpu.memref_slice %arg8[%dma_wait3A] : memref<10000xi32, #tpu.memory_space<vmem>> -> memref<16xi32, #tpu.memory_space<vmem>>
    %dma_wait3A_23 = arith.constant 0 : i32
    %dma_wait3A_24 = arith.constant 0 : i32
    %dma_wait3A_25 = tpu.memref_slice %arg15[%dma_wait3A_23, %dma_wait3A_24] : memref<10000x64xf32, #tpu.memory_space<vmem_shared>> -> memref<10000x64xf32, #tpu.memory_space<vmem_shared>>
    tpu.wait_indirect_dma semaphore(%arg13 : memref<!tpu.dma_semaphore, #tpu.memory_space<semaphore_mem>>) src(%dma_wait3A_25 : memref<10000x64xf32, #tpu.memory_space<vmem_shared>>) dst(%arg12 : memref<16x64xf32, #tpu.memory_space<vmem>>)
    "tpu.region"() ({
      %run_scoped3A_68 = tpu.sem_alloc : memref<!tpu.dma_semaphore, #tpu.memory_space<semaphore_mem>>
      %dma_start3A_69 = arith.constant 9984 : i32
      %dma_start3A_70 = tpu.memref_slice %arg9[%dma_start3A_69] : memref<10000xi32, #tpu.memory_space<vmem>> -> memref<16xi32, #tpu.memory_space<vmem>>
      %dma_start3A_71 = arith.constant 0 : i32
      %dma_start3A_72 = arith.constant 0 : i32
      %dma_start3A_73 = tpu.memref_slice %arg14[%dma_start3A_71, %dma_start3A_72] : memref<10240x64xf32, #tpu.memory_space<vmem_shared>> -> memref<10240x64xf32, #tpu.memory_space<vmem_shared>>
      tpu.enqueue_indirect_dma source(%arg12 : memref<16x64xf32, #tpu.memory_space<vmem>>) target(%dma_start3A_73 : memref<10240x64xf32, #tpu.memory_space<vmem_shared>>) offsets(%dma_start3A_70 : memref<16xi32, #tpu.memory_space<vmem>>) semaphore(%run_scoped3A_68 : memref<!tpu.dma_semaphore, #tpu.memory_space<semaphore_mem>>) {add = true}
      %dma_wait3A_74 = arith.constant 9984 : i32
      %dma_wait3A_75 = tpu.memref_slice %arg9[%dma_wait3A_74] : memref<10000xi32, #tpu.memory_space<vmem>> -> memref<16xi32, #tpu.memory_space<vmem>>
      %dma_wait3A_76 = arith.constant 0 : i32
      %dma_wait3A_77 = arith.constant 0 : i32
      %dma_wait3A_78 = tpu.memref_slice %arg14[%dma_wait3A_76, %dma_wait3A_77] : memref<10240x64xf32, #tpu.memory_space<vmem_shared>> -> memref<10240x64xf32, #tpu.memory_space<vmem_shared>>
      tpu.wait_indirect_dma semaphore(%run_scoped3A_68 : memref<!tpu.dma_semaphore, #tpu.memory_space<semaphore_mem>>) src(%arg12 : memref<16x64xf32, #tpu.memory_space<vmem>>) dst(%dma_wait3A_78 : memref<10240x64xf32, #tpu.memory_space<vmem_shared>>)
      tpu.yield
    }) : () -> ()
    %barrier3A_26 = arith.constant 0 : index
    tpu.barrier barrier_id(%barrier3A_26)
    %mul3A_27 = arith.constant 640 : i32
    %mul3A_28 = arith.muli %arg1, %mul3A_27 : i32
    %mul3A_29 = arith.constant 640 : i32
    %mul3A_30 = arith.muli %arg1, %mul3A_29 : i32
    %run_scoped3A = arith.constant 0 : i32
    "tpu.region"() ({
      %run_scoped3A_68 = tpu.sem_alloc : memref<!tpu.dma_semaphore, #tpu.memory_space<semaphore_mem>>
      %dma_start3A_69 = arith.constant 0 : i32
      %dma_start3A_70 = tpu.memref_slice %arg7[%arg0, %run_scoped3A, %mul3A_30, %dma_start3A_69] : memref<2x2x10240x64xf32, #tpu.memory_space<hbm>> -> memref<1x1x640x64xf32, #tpu.memory_space<hbm>>
      %dma_start3A_71 = tpu.memref_squeeze %dma_start3A_70 : memref<1x1x640x64xf32, #tpu.memory_space<hbm>> -> memref<640x64xf32, #tpu.memory_space<hbm>>
      %dma_start3A_72 = arith.constant 0 : i32
      %dma_start3A_73 = tpu.memref_slice %arg14[%mul3A_28, %dma_start3A_72] : memref<10240x64xf32, #tpu.memory_space<vmem_shared>> -> memref<640x64xf32, #tpu.memory_space<vmem_shared>>
      tpu.enqueue_dma source(%dma_start3A_73 : memref<640x64xf32, #tpu.memory_space<vmem_shared>>) target(%dma_start3A_71 : memref<640x64xf32, #tpu.memory_space<hbm>>) target_semaphore(%run_scoped3A_68 : memref<!tpu.dma_semaphore, #tpu.memory_space<semaphore_mem>>)
      %dma_wait3A_74 = arith.constant 0 : i32
      %dma_wait3A_75 = tpu.memref_slice %arg7[%arg0, %run_scoped3A, %mul3A_30, %dma_wait3A_74] : memref<2x2x10240x64xf32, #tpu.memory_space<hbm>> -> memref<1x1x640x64xf32, #tpu.memory_space<hbm>>
      %dma_wait3A_76 = tpu.memref_squeeze %dma_wait3A_75 : memref<1x1x640x64xf32, #tpu.memory_space<hbm>> -> memref<640x64xf32, #tpu.memory_space<hbm>>
      %dma_wait3A_77 = arith.constant 0 : i32
      %dma_wait3A_78 = tpu.memref_slice %arg14[%mul3A_28, %dma_wait3A_77] : memref<10240x64xf32, #tpu.memory_space<vmem_shared>> -> memref<640x64xf32, #tpu.memory_space<vmem_shared>>
      tpu.wait_dma2 semaphore(%run_scoped3A_68 : memref<!tpu.dma_semaphore, #tpu.memory_space<semaphore_mem>>) src(%dma_wait3A_78 : memref<640x64xf32, #tpu.memory_space<vmem_shared>>) dst(%dma_wait3A_76 : memref<640x64xf32, #tpu.memory_space<hbm>>)
      tpu.yield
    }) : () -> ()
    %barrier3A_31 = arith.constant 0 : index
    tpu.barrier barrier_id(%barrier3A_31)
    %mul3A_32 = arith.constant 625 : i32
    %mul3A_33 = arith.muli %arg1, %mul3A_32 : i32
    %mul3A_34 = arith.constant 625 : i32
    %mul3A_35 = arith.muli %arg1, %mul3A_34 : i32
    "tpu.region"() ({
      %run_scoped3A_68 = tpu.sem_alloc : memref<!tpu.dma_semaphore, #tpu.memory_space<semaphore_mem>>
      %dma_start3A_69 = arith.constant 0 : i32
      %dma_start3A_70 = tpu.memref_slice %arg15[%mul3A_35, %dma_start3A_69] : memref<10000x64xf32, #tpu.memory_space<vmem_shared>> -> memref<625x64xf32, #tpu.memory_space<vmem_shared>>
      %dma_start3A_71 = arith.constant 0 : i32
      %dma_start3A_72 = tpu.memref_slice %arg3[%mul3A_33, %dma_start3A_71] : memref<10000x64xf32, #tpu.memory_space<hbm>> -> memref<625x64xf32, #tpu.memory_space<hbm>>
      tpu.enqueue_dma source(%dma_start3A_72 : memref<625x64xf32, #tpu.memory_space<hbm>>) target(%dma_start3A_70 : memref<625x64xf32, #tpu.memory_space<vmem_shared>>) target_semaphore(%run_scoped3A_68 : memref<!tpu.dma_semaphore, #tpu.memory_space<semaphore_mem>>)
      %dma_wait3A_73 = arith.constant 0 : i32
      %dma_wait3A_74 = tpu.memref_slice %arg15[%mul3A_35, %dma_wait3A_73] : memref<10000x64xf32, #tpu.memory_space<vmem_shared>> -> memref<625x64xf32, #tpu.memory_space<vmem_shared>>
      %dma_wait3A_75 = arith.constant 0 : i32
      %dma_wait3A_76 = tpu.memref_slice %arg3[%mul3A_33, %dma_wait3A_75] : memref<10000x64xf32, #tpu.memory_space<hbm>> -> memref<625x64xf32, #tpu.memory_space<hbm>>
      tpu.wait_dma2 semaphore(%run_scoped3A_68 : memref<!tpu.dma_semaphore, #tpu.memory_space<semaphore_mem>>) src(%dma_wait3A_76 : memref<625x64xf32, #tpu.memory_space<hbm>>) dst(%dma_wait3A_74 : memref<625x64xf32, #tpu.memory_space<vmem_shared>>)
      tpu.yield
    }) : () -> ()
    %mul3A_36 = arith.constant 640 : i32
    %mul3A_37 = arith.muli %arg1, %mul3A_36 : i32
    %mul3A_38 = arith.constant 640 : i32
    %mul3A_39 = arith.muli %arg1, %mul3A_38 : i32
    "tpu.region"() ({
      %run_scoped3A_68 = tpu.sem_alloc : memref<!tpu.dma_semaphore, #tpu.memory_space<semaphore_mem>>
      %dma_start3A_69 = arith.constant 0 : i32
      %dma_start3A_70 = tpu.memref_slice %arg14[%mul3A_39, %dma_start3A_69] : memref<10240x64xf32, #tpu.memory_space<vmem_shared>> -> memref<640x64xf32, #tpu.memory_space<vmem_shared>>
      %dma_start3A_71 = arith.constant 0 : i32
      %dma_start3A_72 = tpu.memref_slice %arg6[%mul3A_37, %dma_start3A_71] : memref<10240x64xf32, #tpu.memory_space<hbm>> -> memref<640x64xf32, #tpu.memory_space<hbm>>
      tpu.enqueue_dma source(%dma_start3A_72 : memref<640x64xf32, #tpu.memory_space<hbm>>) target(%dma_start3A_70 : memref<640x64xf32, #tpu.memory_space<vmem_shared>>) target_semaphore(%run_scoped3A_68 : memref<!tpu.dma_semaphore, #tpu.memory_space<semaphore_mem>>)
      %dma_wait3A_73 = arith.constant 0 : i32
      %dma_wait3A_74 = tpu.memref_slice %arg14[%mul3A_39, %dma_wait3A_73] : memref<10240x64xf32, #tpu.memory_space<vmem_shared>> -> memref<640x64xf32, #tpu.memory_space<vmem_shared>>
      %dma_wait3A_75 = arith.constant 0 : i32
      %dma_wait3A_76 = tpu.memref_slice %arg6[%mul3A_37, %dma_wait3A_75] : memref<10240x64xf32, #tpu.memory_space<hbm>> -> memref<640x64xf32, #tpu.memory_space<hbm>>
      tpu.wait_dma2 semaphore(%run_scoped3A_68 : memref<!tpu.dma_semaphore, #tpu.memory_space<semaphore_mem>>) src(%dma_wait3A_76 : memref<640x64xf32, #tpu.memory_space<hbm>>) dst(%dma_wait3A_74 : memref<640x64xf32, #tpu.memory_space<vmem_shared>>)
      tpu.yield
    }) : () -> ()
    %barrier3A_40 = arith.constant 0 : index
    tpu.barrier barrier_id(%barrier3A_40)
    %dma_start3A_41 = arith.constant 0 : i32
    %dma_start3A_42 = tpu.memref_slice %arg8[%dma_start3A_41] : memref<10000xi32, #tpu.memory_space<vmem>> -> memref<128xi32, #tpu.memory_space<vmem>>
    %dma_start3A_43 = arith.constant 0 : i32
    %dma_start3A_44 = arith.constant 0 : i32
    %dma_start3A_45 = tpu.memref_slice %arg15[%dma_start3A_43, %dma_start3A_44] : memref<10000x64xf32, #tpu.memory_space<vmem_shared>> -> memref<10000x64xf32, #tpu.memory_space<vmem_shared>>
    tpu.enqueue_indirect_dma source(%dma_start3A_45 : memref<10000x64xf32, #tpu.memory_space<vmem_shared>>) target(%arg10 : memref<128x64xf32, #tpu.memory_space<vmem>>) offsets(%dma_start3A_42 : memref<128xi32, #tpu.memory_space<vmem>>) semaphore(%arg13 : memref<!tpu.dma_semaphore, #tpu.memory_space<semaphore_mem>>)
    %scan3A_46 = arith.constant 0 : i32
    %scan3A_47 = arith.constant 39 : i32
    %scan3A_48 = arith.addi %scan3A_46, %scan3A_47 : i32
    %scan3A_49 = arith.constant 1 : i32
    scf.for %scan3A_68 = %scan3A_46 to %scan3A_48 step %scan3A_49  : i32 {
      %mul3A_69 = arith.constant 2 : i32
      %mul3A_70 = arith.muli %scan3A_68, %mul3A_69 : i32
      %add3A_71 = arith.constant 0 : i32
      %add3A_72 = arith.addi %add3A_71, %mul3A_70 : i32
      %add3A_73 = arith.constant 0 : i32
      %add3A_74 = arith.addi %add3A_72, %add3A_73 : i32
      %mul3A_75 = arith.constant 128 : i32
      %mul3A_76 = arith.muli %add3A_74, %mul3A_75 : i32
      %dma_wait3A_77 = tpu.memref_slice %arg8[%mul3A_76] : memref<10000xi32, #tpu.memory_space<vmem>> -> memref<128xi32, #tpu.memory_space<vmem>>
      %dma_wait3A_78 = arith.constant 0 : i32
      %dma_wait3A_79 = arith.constant 0 : i32
      %dma_wait3A_80 = tpu.memref_slice %arg15[%dma_wait3A_78, %dma_wait3A_79] : memref<10000x64xf32, #tpu.memory_space<vmem_shared>> -> memref<10000x64xf32, #tpu.memory_space<vmem_shared>>
      tpu.wait_indirect_dma semaphore(%arg13 : memref<!tpu.dma_semaphore, #tpu.memory_space<semaphore_mem>>) src(%dma_wait3A_80 : memref<10000x64xf32, #tpu.memory_space<vmem_shared>>) dst(%arg10 : memref<128x64xf32, #tpu.memory_space<vmem>>)
      %add3A_81 = arith.constant 1 : i32
      %add3A_82 = arith.addi %add3A_74, %add3A_81 : i32
      %lt3A = arith.constant 78 : i32
      %lt3A_83 = arith.cmpi slt, %add3A_82, %lt3A : i32
      %convert_element_type3A = arith.extui %lt3A_83 : i1 to i32
      %cond3A = arith.constant 0 : i32
      %cond3A_84 = arith.cmpi ne, %convert_element_type3A, %cond3A : i32
      scf.if %cond3A_84 {
        %add3A_104 = arith.constant 1 : i32
        %add3A_105 = arith.addi %add3A_74, %add3A_104 : i32
        %mul3A_106 = arith.constant 128 : i32
        %mul3A_107 = arith.muli %add3A_105, %mul3A_106 : i32
        %dma_start3A_108 = tpu.memref_slice %arg8[%mul3A_107] : memref<10000xi32, #tpu.memory_space<vmem>> -> memref<128xi32, #tpu.memory_space<vmem>>
        %dma_start3A_109 = arith.constant 0 : i32
        %dma_start3A_110 = arith.constant 0 : i32
        %dma_start3A_111 = tpu.memref_slice %arg15[%dma_start3A_109, %dma_start3A_110] : memref<10000x64xf32, #tpu.memory_space<vmem_shared>> -> memref<10000x64xf32, #tpu.memory_space<vmem_shared>>
        tpu.enqueue_indirect_dma source(%dma_start3A_111 : memref<10000x64xf32, #tpu.memory_space<vmem_shared>>) target(%arg11 : memref<128x64xf32, #tpu.memory_space<vmem>>) offsets(%dma_start3A_108 : memref<128xi32, #tpu.memory_space<vmem>>) semaphore(%arg13 : memref<!tpu.dma_semaphore, #tpu.memory_space<semaphore_mem>>)
      } else {
      }
      %mul3A_85 = arith.constant 128 : i32
      %mul3A_86 = arith.muli %add3A_74, %mul3A_85 : i32
      "tpu.region"() ({
        %run_scoped3A_104 = tpu.sem_alloc : memref<!tpu.dma_semaphore, #tpu.memory_space<semaphore_mem>>
        %dma_start3A_105 = tpu.memref_slice %arg9[%mul3A_86] : memref<10000xi32, #tpu.memory_space<vmem>> -> memref<128xi32, #tpu.memory_space<vmem>>
        %dma_start3A_106 = arith.constant 0 : i32
        %dma_start3A_107 = arith.constant 0 : i32
        %dma_start3A_108 = tpu.memref_slice %arg14[%dma_start3A_106, %dma_start3A_107] : memref<10240x64xf32, #tpu.memory_space<vmem_shared>> -> memref<10240x64xf32, #tpu.memory_space<vmem_shared>>
        tpu.enqueue_indirect_dma source(%arg10 : memref<128x64xf32, #tpu.memory_space<vmem>>) target(%dma_start3A_108 : memref<10240x64xf32, #tpu.memory_space<vmem_shared>>) offsets(%dma_start3A_105 : memref<128xi32, #tpu.memory_space<vmem>>) semaphore(%run_scoped3A_104 : memref<!tpu.dma_semaphore, #tpu.memory_space<semaphore_mem>>) {add = true}
        %dma_wait3A_109 = tpu.memref_slice %arg9[%mul3A_86] : memref<10000xi32, #tpu.memory_space<vmem>> -> memref<128xi32, #tpu.memory_space<vmem>>
        %dma_wait3A_110 = arith.constant 0 : i32
        %dma_wait3A_111 = arith.constant 0 : i32
        %dma_wait3A_112 = tpu.memref_slice %arg14[%dma_wait3A_110, %dma_wait3A_111] : memref<10240x64xf32, #tpu.memory_space<vmem_shared>> -> memref<10240x64xf32, #tpu.memory_space<vmem_shared>>
        tpu.wait_indirect_dma semaphore(%run_scoped3A_104 : memref<!tpu.dma_semaphore, #tpu.memory_space<semaphore_mem>>) src(%arg10 : memref<128x64xf32, #tpu.memory_space<vmem>>) dst(%dma_wait3A_112 : memref<10240x64xf32, #tpu.memory_space<vmem_shared>>)
        tpu.yield
      }) : () -> ()
      %add3A_87 = arith.constant 1 : i32
      %add3A_88 = arith.addi %add3A_72, %add3A_87 : i32
      %mul3A_89 = arith.constant 128 : i32
      %mul3A_90 = arith.muli %add3A_88, %mul3A_89 : i32
      %dma_wait3A_91 = tpu.memref_slice %arg8[%mul3A_90] : memref<10000xi32, #tpu.memory_space<vmem>> -> memref<128xi32, #tpu.memory_space<vmem>>
      %dma_wait3A_92 = arith.constant 0 : i32
      %dma_wait3A_93 = arith.constant 0 : i32
      %dma_wait3A_94 = tpu.memref_slice %arg15[%dma_wait3A_92, %dma_wait3A_93] : memref<10000x64xf32, #tpu.memory_space<vmem_shared>> -> memref<10000x64xf32, #tpu.memory_space<vmem_shared>>
      tpu.wait_indirect_dma semaphore(%arg13 : memref<!tpu.dma_semaphore, #tpu.memory_space<semaphore_mem>>) src(%dma_wait3A_94 : memref<10000x64xf32, #tpu.memory_space<vmem_shared>>) dst(%arg11 : memref<128x64xf32, #tpu.memory_space<vmem>>)
      %add3A_95 = arith.constant 1 : i32
      %add3A_96 = arith.addi %add3A_88, %add3A_95 : i32
      %lt3A_97 = arith.constant 78 : i32
      %lt3A_98 = arith.cmpi slt, %add3A_96, %lt3A_97 : i32
      %convert_element_type3A_99 = arith.extui %lt3A_98 : i1 to i32
      %cond3A_100 = arith.constant 0 : i32
      %cond3A_101 = arith.cmpi ne, %convert_element_type3A_99, %cond3A_100 : i32
      scf.if %cond3A_101 {
        %add3A_104 = arith.constant 1 : i32
        %add3A_105 = arith.addi %add3A_88, %add3A_104 : i32
        %mul3A_106 = arith.constant 128 : i32
        %mul3A_107 = arith.muli %add3A_105, %mul3A_106 : i32
        %dma_start3A_108 = tpu.memref_slice %arg8[%mul3A_107] : memref<10000xi32, #tpu.memory_space<vmem>> -> memref<128xi32, #tpu.memory_space<vmem>>
        %dma_start3A_109 = arith.constant 0 : i32
        %dma_start3A_110 = arith.constant 0 : i32
        %dma_start3A_111 = tpu.memref_slice %arg15[%dma_start3A_109, %dma_start3A_110] : memref<10000x64xf32, #tpu.memory_space<vmem_shared>> -> memref<10000x64xf32, #tpu.memory_space<vmem_shared>>
        tpu.enqueue_indirect_dma source(%dma_start3A_111 : memref<10000x64xf32, #tpu.memory_space<vmem_shared>>) target(%arg10 : memref<128x64xf32, #tpu.memory_space<vmem>>) offsets(%dma_start3A_108 : memref<128xi32, #tpu.memory_space<vmem>>) semaphore(%arg13 : memref<!tpu.dma_semaphore, #tpu.memory_space<semaphore_mem>>)
      } else {
      }
      %mul3A_102 = arith.constant 128 : i32
      %mul3A_103 = arith.muli %add3A_88, %mul3A_102 : i32
      "tpu.region"() ({
        %run_scoped3A_104 = tpu.sem_alloc : memref<!tpu.dma_semaphore, #tpu.memory_space<semaphore_mem>>
        %dma_start3A_105 = tpu.memref_slice %arg9[%mul3A_103] : memref<10000xi32, #tpu.memory_space<vmem>> -> memref<128xi32, #tpu.memory_space<vmem>>
        %dma_start3A_106 = arith.constant 0 : i32
        %dma_start3A_107 = arith.constant 0 : i32
        %dma_start3A_108 = tpu.memref_slice %arg14[%dma_start3A_106, %dma_start3A_107] : memref<10240x64xf32, #tpu.memory_space<vmem_shared>> -> memref<10240x64xf32, #tpu.memory_space<vmem_shared>>
        tpu.enqueue_indirect_dma source(%arg11 : memref<128x64xf32, #tpu.memory_space<vmem>>) target(%dma_start3A_108 : memref<10240x64xf32, #tpu.memory_space<vmem_shared>>) offsets(%dma_start3A_105 : memref<128xi32, #tpu.memory_space<vmem>>) semaphore(%run_scoped3A_104 : memref<!tpu.dma_semaphore, #tpu.memory_space<semaphore_mem>>) {add = true}
        %dma_wait3A_109 = tpu.memref_slice %arg9[%mul3A_103] : memref<10000xi32, #tpu.memory_space<vmem>> -> memref<128xi32, #tpu.memory_space<vmem>>
        %dma_wait3A_110 = arith.constant 0 : i32
        %dma_wait3A_111 = arith.constant 0 : i32
        %dma_wait3A_112 = tpu.memref_slice %arg14[%dma_wait3A_110, %dma_wait3A_111] : memref<10240x64xf32, #tpu.memory_space<vmem_shared>> -> memref<10240x64xf32, #tpu.memory_space<vmem_shared>>
        tpu.wait_indirect_dma semaphore(%run_scoped3A_104 : memref<!tpu.dma_semaphore, #tpu.memory_space<semaphore_mem>>) src(%arg11 : memref<128x64xf32, #tpu.memory_space<vmem>>) dst(%dma_wait3A_112 : memref<10240x64xf32, #tpu.memory_space<vmem_shared>>)
        tpu.yield
      }) : () -> ()
    }
    %scan3A_50 = arith.constant 39 : i32
    %dma_start3A_51 = arith.constant 9984 : i32
    %dma_start3A_52 = tpu.memref_slice %arg8[%dma_start3A_51] : memref<10000xi32, #tpu.memory_space<vmem>> -> memref<16xi32, #tpu.memory_space<vmem>>
    %dma_start3A_53 = arith.constant 0 : i32
    %dma_start3A_54 = arith.constant 0 : i32
    %dma_start3A_55 = tpu.memref_slice %arg15[%dma_start3A_53, %dma_start3A_54] : memref<10000x64xf32, #tpu.memory_space<vmem_shared>> -> memref<10000x64xf32, #tpu.memory_space<vmem_shared>>
    tpu.enqueue_indirect_dma source(%dma_start3A_55 : memref<10000x64xf32, #tpu.memory_space<vmem_shared>>) target(%arg12 : memref<16x64xf32, #tpu.memory_space<vmem>>) offsets(%dma_start3A_52 : memref<16xi32, #tpu.memory_space<vmem>>) semaphore(%arg13 : memref<!tpu.dma_semaphore, #tpu.memory_space<semaphore_mem>>)
    %dma_wait3A_56 = arith.constant 9984 : i32
    %dma_wait3A_57 = tpu.memref_slice %arg8[%dma_wait3A_56] : memref<10000xi32, #tpu.memory_space<vmem>> -> memref<16xi32, #tpu.memory_space<vmem>>
    %dma_wait3A_58 = arith.constant 0 : i32
    %dma_wait3A_59 = arith.constant 0 : i32
    %dma_wait3A_60 = tpu.memref_slice %arg15[%dma_wait3A_58, %dma_wait3A_59] : memref<10000x64xf32, #tpu.memory_space<vmem_shared>> -> memref<10000x64xf32, #tpu.memory_space<vmem_shared>>
    tpu.wait_indirect_dma semaphore(%arg13 : memref<!tpu.dma_semaphore, #tpu.memory_space<semaphore_mem>>) src(%dma_wait3A_60 : memref<10000x64xf32, #tpu.memory_space<vmem_shared>>) dst(%arg12 : memref<16x64xf32, #tpu.memory_space<vmem>>)
    "tpu.region"() ({
      %run_scoped3A_68 = tpu.sem_alloc : memref<!tpu.dma_semaphore, #tpu.memory_space<semaphore_mem>>
      %dma_start3A_69 = arith.constant 9984 : i32
      %dma_start3A_70 = tpu.memref_slice %arg9[%dma_start3A_69] : memref<10000xi32, #tpu.memory_space<vmem>> -> memref<16xi32, #tpu.memory_space<vmem>>
      %dma_start3A_71 = arith.constant 0 : i32
      %dma_start3A_72 = arith.constant 0 : i32
      %dma_start3A_73 = tpu.memref_slice %arg14[%dma_start3A_71, %dma_start3A_72] : memref<10240x64xf32, #tpu.memory_space<vmem_shared>> -> memref<10240x64xf32, #tpu.memory_space<vmem_shared>>
      tpu.enqueue_indirect_dma source(%arg12 : memref<16x64xf32, #tpu.memory_space<vmem>>) target(%dma_start3A_73 : memref<10240x64xf32, #tpu.memory_space<vmem_shared>>) offsets(%dma_start3A_70 : memref<16xi32, #tpu.memory_space<vmem>>) semaphore(%run_scoped3A_68 : memref<!tpu.dma_semaphore, #tpu.memory_space<semaphore_mem>>) {add = true}
      %dma_wait3A_74 = arith.constant 9984 : i32
      %dma_wait3A_75 = tpu.memref_slice %arg9[%dma_wait3A_74] : memref<10000xi32, #tpu.memory_space<vmem>> -> memref<16xi32, #tpu.memory_space<vmem>>
      %dma_wait3A_76 = arith.constant 0 : i32
      %dma_wait3A_77 = arith.constant 0 : i32
      %dma_wait3A_78 = tpu.memref_slice %arg14[%dma_wait3A_76, %dma_wait3A_77] : memref<10240x64xf32, #tpu.memory_space<vmem_shared>> -> memref<10240x64xf32, #tpu.memory_space<vmem_shared>>
      tpu.wait_indirect_dma semaphore(%run_scoped3A_68 : memref<!tpu.dma_semaphore, #tpu.memory_space<semaphore_mem>>) src(%arg12 : memref<16x64xf32, #tpu.memory_space<vmem>>) dst(%dma_wait3A_78 : memref<10240x64xf32, #tpu.memory_space<vmem_shared>>)
      tpu.yield
    }) : () -> ()
    %barrier3A_61 = arith.constant 0 : index
    tpu.barrier barrier_id(%barrier3A_61)
    %mul3A_62 = arith.constant 640 : i32
    %mul3A_63 = arith.muli %arg1, %mul3A_62 : i32
    %mul3A_64 = arith.constant 640 : i32
    %mul3A_65 = arith.muli %arg1, %mul3A_64 : i32
    %run_scoped3A_66 = arith.constant 1 : i32
    "tpu.region"() ({
      %run_scoped3A_68 = tpu.sem_alloc : memref<!tpu.dma_semaphore, #tpu.memory_space<semaphore_mem>>
      %dma_start3A_69 = arith.constant 0 : i32
      %dma_start3A_70 = tpu.memref_slice %arg7[%arg0, %run_scoped3A_66, %mul3A_65, %dma_start3A_69] : memref<2x2x10240x64xf32, #tpu.memory_space<hbm>> -> memref<1x1x640x64xf32, #tpu.memory_space<hbm>>
      %dma_start3A_71 = tpu.memref_squeeze %dma_start3A_70 : memref<1x1x640x64xf32, #tpu.memory_space<hbm>> -> memref<640x64xf32, #tpu.memory_space<hbm>>
      %dma_start3A_72 = arith.constant 0 : i32
      %dma_start3A_73 = tpu.memref_slice %arg14[%mul3A_63, %dma_start3A_72] : memref<10240x64xf32, #tpu.memory_space<vmem_shared>> -> memref<640x64xf32, #tpu.memory_space<vmem_shared>>
      tpu.enqueue_dma source(%dma_start3A_73 : memref<640x64xf32, #tpu.memory_space<vmem_shared>>) target(%dma_start3A_71 : memref<640x64xf32, #tpu.memory_space<hbm>>) target_semaphore(%run_scoped3A_68 : memref<!tpu.dma_semaphore, #tpu.memory_space<semaphore_mem>>)
      %dma_wait3A_74 = arith.constant 0 : i32
      %dma_wait3A_75 = tpu.memref_slice %arg7[%arg0, %run_scoped3A_66, %mul3A_65, %dma_wait3A_74] : memref<2x2x10240x64xf32, #tpu.memory_space<hbm>> -> memref<1x1x640x64xf32, #tpu.memory_space<hbm>>
      %dma_wait3A_76 = tpu.memref_squeeze %dma_wait3A_75 : memref<1x1x640x64xf32, #tpu.memory_space<hbm>> -> memref<640x64xf32, #tpu.memory_space<hbm>>
      %dma_wait3A_77 = arith.constant 0 : i32
      %dma_wait3A_78 = tpu.memref_slice %arg14[%mul3A_63, %dma_wait3A_77] : memref<10240x64xf32, #tpu.memory_space<vmem_shared>> -> memref<640x64xf32, #tpu.memory_space<vmem_shared>>
      tpu.wait_dma2 semaphore(%run_scoped3A_68 : memref<!tpu.dma_semaphore, #tpu.memory_space<semaphore_mem>>) src(%dma_wait3A_78 : memref<640x64xf32, #tpu.memory_space<vmem_shared>>) dst(%dma_wait3A_76 : memref<640x64xf32, #tpu.memory_space<hbm>>)
      tpu.yield
    }) : () -> ()
    %barrier3A_67 = arith.constant 0 : index
    tpu.barrier barrier_id(%barrier3A_67)
    return
  }
}

module attributes {stable_mosaic.version = 14 : i64} {
  func.func @_degsum_body(%arg0: i32, %arg1: i32, %arg2: memref<1x32x1280xf32, #tpu.memory_space<vmem>>, %arg3: memref<1x1x1280xf32, #tpu.memory_space<vmem>>) attributes {dimension_semantics = [#tpu.dimension_semantics<arbitrary>, #tpu.dimension_semantics<arbitrary>], iteration_bounds = array<i64: 4, 8>, scalar_prefetch = 0 : i64, scratch_operands = 0 : i64, tpu.core_type = #tpu.core_type<tc>, window_params = [{transform_indices = @transform_0, window_bounds = array<i64: 1, 32, 1280>}, {transform_indices = @transform_1, window_bounds = array<i64: 1, 1, 1280>}]} {
    %get3A = arith.constant 0 : index
    %get3A_0 = arith.constant 0 : index
    %get3A_1 = arith.constant 0 : index
    %get3A_2 = vector.load %arg2[%get3A, %get3A_0, %get3A_1] : memref<1x32x1280xf32, #tpu.memory_space<vmem>>, vector<1x32x1280xf32>
    %reduce_sum3A = arith.constant dense<0.000000e+00> : vector<1x1280xf32>
    %reduce_sum3A_3 = vector.multi_reduction <add>, %get3A_2, %reduce_sum3A [1] : vector<1x32x1280xf32> to vector<1x1280xf32>
    %broadcast_in_dim3A = vector.shape_cast %reduce_sum3A_3 : vector<1x1280xf32> to vector<1x1x1280xf32>
    %swap3A = arith.constant 0 : index
    %swap3A_4 = arith.constant 0 : index
    %swap3A_5 = arith.constant 0 : index
    %swap3A_6 = vector.load %arg3[%swap3A, %swap3A_4, %swap3A_5] : memref<1x1x1280xf32, #tpu.memory_space<vmem>>, vector<1x1x1280xf32>
    tpu.vector_store %arg3[%swap3A, %swap3A_4, %swap3A_5], %broadcast_in_dim3A {strides = array<i32>} : memref<1x1x1280xf32, #tpu.memory_space<vmem>>, vector<1x1x1280xf32>,
    return
  }
  func.func @transform_0(%arg0: i32, %arg1: i32) -> (i32, i32, i32) {
    %c0_i32 = arith.constant 0 : i32
    %c0_i32_0 = arith.constant 0 : i32
    return %arg0, %c0_i32, %arg1 : i32, i32, i32
  }
  func.func @transform_1(%arg0: i32, %arg1: i32) -> (i32, i32, i32) {
    %c0_i32 = arith.constant 0 : i32
    %c0_i32_0 = arith.constant 0 : i32
    return %arg0, %c0_i32, %arg1 : i32, i32, i32
  }
}

module attributes {stable_mosaic.version = 14 : i64} {
  func.func @_prescale_body(%arg0: i32, %arg1: memref<1000x128xf32, #tpu.memory_space<vmem>>, %arg2: memref<1000x1xf32, #tpu.memory_space<vmem>>, %arg3: memref<1000x64xf32, #tpu.memory_space<vmem>>, %arg4: memref<1000x64xf32, #tpu.memory_space<vmem>>) attributes {dimension_semantics = [#tpu.dimension_semantics<arbitrary>], iteration_bounds = array<i64: 10>, scalar_prefetch = 0 : i64, scratch_operands = 0 : i64, tpu.core_type = #tpu.core_type<tc>, window_params = [{transform_indices = @transform_0, window_bounds = array<i64: 1000, 128>}, {transform_indices = @transform_1, window_bounds = array<i64: 1000, 1>}, {transform_indices = @transform_2, window_bounds = array<i64: 1000, 64>}, {transform_indices = @transform_3, window_bounds = array<i64: 1000, 64>}]} {
    %get3A = arith.constant 0 : index
    %get3A_0 = arith.constant 0 : index
    %get3A_1 = vector.load %arg2[%get3A, %get3A_0] : memref<1000x1xf32, #tpu.memory_space<vmem>>, vector<1000x1xf32>
    %max3A = arith.constant 1.000000e+00 : f32
    %max3A_2 = vector.broadcast %max3A : f32 to vector<1000x1xf32>
    %max3A_3 = arith.maximumf %get3A_1, %max3A_2 : vector<1000x1xf32>
    %get3A_4 = arith.constant 0 : index
    %get3A_5 = arith.constant 0 : index
    %get3A_6 = vector.load %arg1[%get3A_4, %get3A_5] : memref<1000x128xf32, #tpu.memory_space<vmem>>, vector<1000x128xf32>
    %rsqrt3A = math.rsqrt %max3A_3 : vector<1000x1xf32>
    %mul3A = vector.broadcast %rsqrt3A : vector<1000x1xf32> to vector<1000x128xf32>
    %mul3A_7 = arith.mulf %get3A_6, %mul3A : vector<1000x128xf32>
    %slice3A = vector.extract_strided_slice %mul3A_7 {offsets = [0, 0], sizes = [1000, 64], strides = [1, 1]} : vector<1000x128xf32> to vector<1000x64xf32>
    %swap3A = arith.constant 0 : index
    %swap3A_8 = arith.constant 0 : index
    %swap3A_9 = vector.load %arg3[%swap3A, %swap3A_8] : memref<1000x64xf32, #tpu.memory_space<vmem>>, vector<1000x64xf32>
    tpu.vector_store %arg3[%swap3A, %swap3A_8], %slice3A {strides = array<i32>} : memref<1000x64xf32, #tpu.memory_space<vmem>>, vector<1000x64xf32>,
    %slice3A_10 = vector.extract_strided_slice %mul3A_7 {offsets = [0, 64], sizes = [1000, 64], strides = [1, 1]} : vector<1000x128xf32> to vector<1000x64xf32>
    %swap3A_11 = arith.constant 0 : index
    %swap3A_12 = arith.constant 0 : index
    %swap3A_13 = vector.load %arg4[%swap3A_11, %swap3A_12] : memref<1000x64xf32, #tpu.memory_space<vmem>>, vector<1000x64xf32>
    tpu.vector_store %arg4[%swap3A_11, %swap3A_12], %slice3A_10 {strides = array<i32>} : memref<1000x64xf32, #tpu.memory_space<vmem>>, vector<1000x64xf32>,
    return
  }
  func.func @transform_0(%arg0: i32) -> (i32, i32) {
    %c0_i32 = arith.constant 0 : i32
    %c0_i32_0 = arith.constant 0 : i32
    return %arg0, %c0_i32 : i32, i32
  }
  func.func @transform_1(%arg0: i32) -> (i32, i32) {
    %c0_i32 = arith.constant 0 : i32
    %c0_i32_0 = arith.constant 0 : i32
    return %arg0, %c0_i32 : i32, i32
  }
  func.func @transform_2(%arg0: i32) -> (i32, i32) {
    %c0_i32 = arith.constant 0 : i32
    %c0_i32_0 = arith.constant 0 : i32
    return %arg0, %c0_i32 : i32, i32
  }
  func.func @transform_3(%arg0: i32) -> (i32, i32) {
    %c0_i32 = arith.constant 0 : i32
    %c0_i32_0 = arith.constant 0 : i32
    return %arg0, %c0_i32 : i32, i32
  }
}

module attributes {stable_mosaic.version = 14 : i64} {
  func.func @_attn_body(%arg0: i32, %arg1: memref<1000x64xf32, #tpu.memory_space<vmem>>, %arg2: memref<1000x64xf32, #tpu.memory_space<vmem>>, %arg3: memref<1000x64xf32, #tpu.memory_space<vmem>>, %arg4: memref<1000x64xf32, #tpu.memory_space<vmem>>, %arg5: memref<1000x1xf32, #tpu.memory_space<vmem>>, %arg6: memref<1000x1xf32, #tpu.memory_space<vmem>>, %arg7: memref<128x128xf32, #tpu.memory_space<vmem>>, %arg8: memref<1x128xf32, #tpu.memory_space<vmem>>, %arg9: memref<128x128xf32, #tpu.memory_space<vmem>>, %arg10: memref<1000x64xf32, #tpu.memory_space<vmem>>, %arg11: memref<1000x64xf32, #tpu.memory_space<vmem>>) attributes {dimension_semantics = [#tpu.dimension_semantics<arbitrary>], iteration_bounds = array<i64: 10>, scalar_prefetch = 0 : i64, scratch_operands = 0 : i64, tpu.core_type = #tpu.core_type<tc>, window_params = [{transform_indices = @transform_0, window_bounds = array<i64: 1000, 64>}, {transform_indices = @transform_1, window_bounds = array<i64: 1000, 64>}, {transform_indices = @transform_2, window_bounds = array<i64: 1000, 64>}, {transform_indices = @transform_3, window_bounds = array<i64: 1000, 64>}, {transform_indices = @transform_4, window_bounds = array<i64: 1000, 1>}, {transform_indices = @transform_5, window_bounds = array<i64: 1000, 1>}, {pipeline_mode = #tpu.pipeline_mode<synchronous>, transform_indices = @transform_6, window_bounds = array<i64: 128, 128>}, {pipeline_mode = #tpu.pipeline_mode<synchronous>, transform_indices = @transform_7, window_bounds = array<i64: 1, 128>}, {pipeline_mode = #tpu.pipeline_mode<synchronous>, transform_indices = @transform_8, window_bounds = array<i64: 128, 128>}, {transform_indices = @transform_9, window_bounds = array<i64: 1000, 64>}, {transform_indices = @transform_10, window_bounds = array<i64: 1000, 64>}]} {
    %get3A = arith.constant 0 : index
    %get3A_0 = arith.constant 0 : index
    %get3A_1 = vector.load %arg5[%get3A, %get3A_0] : memref<1000x1xf32, #tpu.memory_space<vmem>>, vector<1000x1xf32>
    %max3A = arith.constant 1.000000e+00 : f32
    %max3A_2 = vector.broadcast %max3A : f32 to vector<1000x1xf32>
    %max3A_3 = arith.maximumf %get3A_1, %max3A_2 : vector<1000x1xf32>
    %rsqrt3A = math.rsqrt %max3A_3 : vector<1000x1xf32>
    %get3A_4 = arith.constant 0 : index
    %get3A_5 = arith.constant 0 : index
    %get3A_6 = vector.load %arg1[%get3A_4, %get3A_5] : memref<1000x64xf32, #tpu.memory_space<vmem>>, vector<1000x64xf32>
    %get3A_7 = arith.constant 0 : index
    %get3A_8 = arith.constant 0 : index
    %get3A_9 = vector.load %arg3[%get3A_7, %get3A_8] : memref<1000x64xf32, #tpu.memory_space<vmem>>, vector<1000x64xf32>
    %add3A = arith.addf %get3A_6, %get3A_9 : vector<1000x64xf32>
    %mul3A = vector.broadcast %rsqrt3A : vector<1000x1xf32> to vector<1000x64xf32>
    %mul3A_10 = arith.mulf %add3A, %mul3A : vector<1000x64xf32>
    %get3A_11 = arith.constant 0 : index
    %get3A_12 = arith.constant 0 : index
    %get3A_13 = vector.load %arg2[%get3A_11, %get3A_12] : memref<1000x64xf32, #tpu.memory_space<vmem>>, vector<1000x64xf32>
    %get3A_14 = arith.constant 0 : index
    %get3A_15 = arith.constant 0 : index
    %get3A_16 = vector.load %arg4[%get3A_14, %get3A_15] : memref<1000x64xf32, #tpu.memory_space<vmem>>, vector<1000x64xf32>
    %add3A_17 = arith.addf %get3A_13, %get3A_16 : vector<1000x64xf32>
    %mul3A_18 = vector.broadcast %rsqrt3A : vector<1000x1xf32> to vector<1000x64xf32>
    %mul3A_19 = arith.mulf %add3A_17, %mul3A_18 : vector<1000x64xf32>
    %get3A_20 = arith.constant 0 : index
    %get3A_21 = arith.constant 0 : index
    %get3A_22 = vector.load %arg7[%get3A_20, %get3A_21] : memref<128x128xf32, #tpu.memory_space<vmem>>, vector<128x128xf32>
    %slice3A = vector.extract_strided_slice %get3A_22 {offsets = [0, 0], sizes = [64, 128], strides = [1, 1]} : vector<128x128xf32> to vector<64x128xf32>
    %dot_general3A = arith.constant dense<0.000000e+00> : vector<1000x128xf32>
    %dot_general3A_23 = tpu.matmul %mul3A_10, %slice3A, %dot_general3A {dimension_numbers = #tpu.dot_dimension_numbers<[1], [0], [0], [1], [0, 0, 1, 1], [], []>, transpose_lhs_hint = false} : vector<1000x64xf32>, vector<64x128xf32>, vector<1000x128xf32> -> vector<1000x128xf32>
    %slice3A_24 = vector.extract_strided_slice %get3A_22 {offsets = [64, 0], sizes = [64, 128], strides = [1, 1]} : vector<128x128xf32> to vector<64x128xf32>
    %dot_general3A_25 = arith.constant dense<0.000000e+00> : vector<1000x128xf32>
    %dot_general3A_26 = tpu.matmul %mul3A_19, %slice3A_24, %dot_general3A_25 {dimension_numbers = #tpu.dot_dimension_numbers<[1], [0], [0], [1], [0, 0, 1, 1], [], []>, transpose_lhs_hint = false} : vector<1000x64xf32>, vector<64x128xf32>, vector<1000x128xf32> -> vector<1000x128xf32>
    %add3A_27 = arith.addf %dot_general3A_23, %dot_general3A_26 : vector<1000x128xf32>
    %get3A_28 = arith.constant 0 : index
    %get3A_29 = arith.constant 0 : index
    %get3A_30 = vector.load %arg8[%get3A_28, %get3A_29] : memref<1x128xf32, #tpu.memory_space<vmem>>, vector<1x128xf32>
    %add3A_31 = vector.broadcast %get3A_30 : vector<1x128xf32> to vector<1000x128xf32>
    %add3A_32 = arith.addf %add3A_27, %add3A_31 : vector<1000x128xf32>
    %max3A_33 = arith.constant 0.000000e+00 : f32
    %max3A_34 = vector.broadcast %max3A_33 : f32 to vector<1000x128xf32>
    %max3A_35 = arith.maximumf %add3A_32, %max3A_34 : vector<1000x128xf32>
    %mul3A_36 = arith.mulf %max3A_35, %max3A_35 : vector<1000x128xf32>
    %get3A_37 = arith.constant 0 : index
    %get3A_38 = arith.constant 0 : index
    %get3A_39 = vector.load %arg9[%get3A_37, %get3A_38] : memref<128x128xf32, #tpu.memory_space<vmem>>, vector<128x128xf32>
    %dot_general3A_40 = arith.constant dense<0.000000e+00> : vector<1000x128xf32>
    %dot_general3A_41 = tpu.matmul %mul3A_36, %get3A_39, %dot_general3A_40 {dimension_numbers = #tpu.dot_dimension_numbers<[1], [0], [0], [1], [0, 0, 1, 1], [], []>, transpose_lhs_hint = false} : vector<1000x128xf32>, vector<128x128xf32>, vector<1000x128xf32> -> vector<1000x128xf32>
    %mul3A_42 = arith.constant 2.500000e-01 : f32
    %mul3A_43 = vector.broadcast %mul3A_42 : f32 to vector<1000x128xf32>
    %mul3A_44 = arith.mulf %dot_general3A_41, %mul3A_43 : vector<1000x128xf32>
    %reduce_max3A = arith.constant dense<0xFF800000> : vector<1000xf32>
    %reduce_max3A_45 = vector.multi_reduction <maximumf>, %mul3A_44, %reduce_max3A [1] : vector<1000x128xf32> to vector<1000xf32>
    %broadcast_in_dim3A = vector.shape_cast %reduce_max3A_45 : vector<1000xf32> to vector<1000x1xf32>
    %sub3A = vector.broadcast %broadcast_in_dim3A : vector<1000x1xf32> to vector<1000x128xf32>
    %sub3A_46 = arith.subf %mul3A_44, %sub3A : vector<1000x128xf32>
    %exp3A = math.exp %sub3A_46 : vector<1000x128xf32>
    %reduce_sum3A = arith.constant dense<0.000000e+00> : vector<1000xf32>
    %reduce_sum3A_47 = vector.multi_reduction <add>, %exp3A, %reduce_sum3A [1] : vector<1000x128xf32> to vector<1000xf32>
    %broadcast_in_dim3A_48 = vector.shape_cast %reduce_sum3A_47 : vector<1000xf32> to vector<1000x1xf32>
    %mul3A_49 = arith.constant 6.250000e-02 : f32
    %mul3A_50 = vector.broadcast %mul3A_49 : f32 to vector<1000x1xf32>
    %mul3A_51 = arith.mulf %broadcast_in_dim3A_48, %mul3A_50 : vector<1000x1xf32>
    %div3A = vector.broadcast %mul3A_51 : vector<1000x1xf32> to vector<1000x128xf32>
    %div3A_52 = arith.divf %exp3A, %div3A : vector<1000x128xf32>
    %mul3A_53 = arith.mulf %max3A_35, %div3A_52 : vector<1000x128xf32>
    %get3A_54 = arith.constant 0 : index
    %get3A_55 = arith.constant 0 : index
    %get3A_56 = vector.load %arg6[%get3A_54, %get3A_55] : memref<1000x1xf32, #tpu.memory_space<vmem>>, vector<1000x1xf32>
    %max3A_57 = arith.constant 1.000000e+00 : f32
    %max3A_58 = vector.broadcast %max3A_57 : f32 to vector<1000x1xf32>
    %max3A_59 = arith.maximumf %get3A_56, %max3A_58 : vector<1000x1xf32>
    %rsqrt3A_60 = math.rsqrt %max3A_59 : vector<1000x1xf32>
    %mul3A_61 = vector.broadcast %rsqrt3A_60 : vector<1000x1xf32> to vector<1000x128xf32>
    %mul3A_62 = arith.mulf %mul3A_53, %mul3A_61 : vector<1000x128xf32>
    %slice3A_63 = vector.extract_strided_slice %mul3A_62 {offsets = [0, 0], sizes = [1000, 64], strides = [1, 1]} : vector<1000x128xf32> to vector<1000x64xf32>
    %swap3A = arith.constant 0 : index
    %swap3A_64 = arith.constant 0 : index
    %swap3A_65 = vector.load %arg10[%swap3A, %swap3A_64] : memref<1000x64xf32, #tpu.memory_space<vmem>>, vector<1000x64xf32>
    tpu.vector_store %arg10[%swap3A, %swap3A_64], %slice3A_63 {strides = array<i32>} : memref<1000x64xf32, #tpu.memory_space<vmem>>, vector<1000x64xf32>,
    %slice3A_66 = vector.extract_strided_slice %mul3A_62 {offsets = [0, 64], sizes = [1000, 64], strides = [1, 1]} : vector<1000x128xf32> to vector<1000x64xf32>
    %swap3A_67 = arith.constant 0 : index
    %swap3A_68 = arith.constant 0 : index
    %swap3A_69 = vector.load %arg11[%swap3A_67, %swap3A_68] : memref<1000x64xf32, #tpu.memory_space<vmem>>, vector<1000x64xf32>
    tpu.vector_store %arg11[%swap3A_67, %swap3A_68], %slice3A_66 {strides = array<i32>} : memref<1000x64xf32, #tpu.memory_space<vmem>>, vector<1000x64xf32>,
    return
  }
  func.func @transform_0(%arg0: i32) -> (i32, i32) {
    %c0_i32 = arith.constant 0 : i32
    %c0_i32_0 = arith.constant 0 : i32
    return %arg0, %c0_i32 : i32, i32
  }
  func.func @transform_1(%arg0: i32) -> (i32, i32) {
    %c0_i32 = arith.constant 0 : i32
    %c0_i32_0 = arith.constant 0 : i32
    return %arg0, %c0_i32 : i32, i32
  }
  func.func @transform_2(%arg0: i32) -> (i32, i32) {
    %c0_i32 = arith.constant 0 : i32
    %c0_i32_0 = arith.constant 0 : i32
    return %arg0, %c0_i32 : i32, i32
  }
  func.func @transform_3(%arg0: i32) -> (i32, i32) {
    %c0_i32 = arith.constant 0 : i32
    %c0_i32_0 = arith.constant 0 : i32
    return %arg0, %c0_i32 : i32, i32
  }
  func.func @transform_4(%arg0: i32) -> (i32, i32) {
    %c0_i32 = arith.constant 0 : i32
    %c0_i32_0 = arith.constant 0 : i32
    return %arg0, %c0_i32 : i32, i32
  }
  func.func @transform_5(%arg0: i32) -> (i32, i32) {
    %c0_i32 = arith.constant 0 : i32
    %c0_i32_0 = arith.constant 0 : i32
    return %arg0, %c0_i32 : i32, i32
  }
  func.func @transform_6(%arg0: i32) -> (i32, i32) {
    %c0_i32 = arith.constant 0 : i32
    %c0_i32_0 = arith.constant 0 : i32
    %c0_i32_1 = arith.constant 0 : i32
    return %c0_i32, %c0_i32_0 : i32, i32
  }
  func.func @transform_7(%arg0: i32) -> (i32, i32) {
    %c0_i32 = arith.constant 0 : i32
    %c0_i32_0 = arith.constant 0 : i32
    %c0_i32_1 = arith.constant 0 : i32
    return %c0_i32, %c0_i32_0 : i32, i32
  }
  func.func @transform_8(%arg0: i32) -> (i32, i32) {
    %c0_i32 = arith.constant 0 : i32
    %c0_i32_0 = arith.constant 0 : i32
    %c0_i32_1 = arith.constant 0 : i32
    return %c0_i32, %c0_i32_0 : i32, i32
  }
  func.func @transform_9(%arg0: i32) -> (i32, i32) {
    %c0_i32 = arith.constant 0 : i32
    %c0_i32_0 = arith.constant 0 : i32
    return %arg0, %c0_i32 : i32, i32
  }
  func.func @transform_10(%arg0: i32) -> (i32, i32) {
    %c0_i32 = arith.constant 0 : i32
    %c0_i32_0 = arith.constant 0 : i32
    return %arg0, %c0_i32 : i32, i32
  }
}

module attributes {stable_mosaic.version = 14 : i64} {
  func.func @_out_body(%arg0: i32, %arg1: memref<1000x64xf32, #tpu.memory_space<vmem>>, %arg2: memref<1000x64xf32, #tpu.memory_space<vmem>>, %arg3: memref<1000x64xf32, #tpu.memory_space<vmem>>, %arg4: memref<1000x64xf32, #tpu.memory_space<vmem>>, %arg5: memref<1000x1xf32, #tpu.memory_space<vmem>>, %arg6: memref<128x128xf32, #tpu.memory_space<vmem>>, %arg7: memref<1x128xf32, #tpu.memory_space<vmem>>, %arg8: memref<1x128xf32, #tpu.memory_space<vmem>>, %arg9: memref<1x128xf32, #tpu.memory_space<vmem>>, %arg10: memref<1000x128xf32, #tpu.memory_space<vmem>>) attributes {dimension_semantics = [#tpu.dimension_semantics<arbitrary>], iteration_bounds = array<i64: 10>, scalar_prefetch = 0 : i64, scratch_operands = 0 : i64, tpu.core_type = #tpu.core_type<tc>, window_params = [{transform_indices = @transform_0, window_bounds = array<i64: 1000, 64>}, {transform_indices = @transform_1, window_bounds = array<i64: 1000, 64>}, {transform_indices = @transform_2, window_bounds = array<i64: 1000, 64>}, {transform_indices = @transform_3, window_bounds = array<i64: 1000, 64>}, {transform_indices = @transform_4, window_bounds = array<i64: 1000, 1>}, {pipeline_mode = #tpu.pipeline_mode<synchronous>, transform_indices = @transform_5, window_bounds = array<i64: 128, 128>}, {pipeline_mode = #tpu.pipeline_mode<synchronous>, transform_indices = @transform_6, window_bounds = array<i64: 1, 128>}, {pipeline_mode = #tpu.pipeline_mode<synchronous>, transform_indices = @transform_7, window_bounds = array<i64: 1, 128>}, {pipeline_mode = #tpu.pipeline_mode<synchronous>, transform_indices = @transform_8, window_bounds = array<i64: 1, 128>}, {transform_indices = @transform_9, window_bounds = array<i64: 1000, 128>}]} {
    %get3A = arith.constant 0 : index
    %get3A_0 = arith.constant 0 : index
    %get3A_1 = vector.load %arg5[%get3A, %get3A_0] : memref<1000x1xf32, #tpu.memory_space<vmem>>, vector<1000x1xf32>
    %max3A = arith.constant 1.000000e+00 : f32
    %max3A_2 = vector.broadcast %max3A : f32 to vector<1000x1xf32>
    %max3A_3 = arith.maximumf %get3A_1, %max3A_2 : vector<1000x1xf32>
    %rsqrt3A = math.rsqrt %max3A_3 : vector<1000x1xf32>
    %get3A_4 = arith.constant 0 : index
    %get3A_5 = arith.constant 0 : index
    %get3A_6 = vector.load %arg1[%get3A_4, %get3A_5] : memref<1000x64xf32, #tpu.memory_space<vmem>>, vector<1000x64xf32>
    %get3A_7 = arith.constant 0 : index
    %get3A_8 = arith.constant 0 : index
    %get3A_9 = vector.load %arg3[%get3A_7, %get3A_8] : memref<1000x64xf32, #tpu.memory_space<vmem>>, vector<1000x64xf32>
    %add3A = arith.addf %get3A_6, %get3A_9 : vector<1000x64xf32>
    %mul3A = vector.broadcast %rsqrt3A : vector<1000x1xf32> to vector<1000x64xf32>
    %mul3A_10 = arith.mulf %add3A, %mul3A : vector<1000x64xf32>
    %get3A_11 = arith.constant 0 : index
    %get3A_12 = arith.constant 0 : index
    %get3A_13 = vector.load %arg2[%get3A_11, %get3A_12] : memref<1000x64xf32, #tpu.memory_space<vmem>>, vector<1000x64xf32>
    %get3A_14 = arith.constant 0 : index
    %get3A_15 = arith.constant 0 : index
    %get3A_16 = vector.load %arg4[%get3A_14, %get3A_15] : memref<1000x64xf32, #tpu.memory_space<vmem>>, vector<1000x64xf32>
    %add3A_17 = arith.addf %get3A_13, %get3A_16 : vector<1000x64xf32>
    %mul3A_18 = vector.broadcast %rsqrt3A : vector<1000x1xf32> to vector<1000x64xf32>
    %mul3A_19 = arith.mulf %add3A_17, %mul3A_18 : vector<1000x64xf32>
    %get3A_20 = arith.constant 0 : index
    %get3A_21 = arith.constant 0 : index
    %get3A_22 = vector.load %arg6[%get3A_20, %get3A_21] : memref<128x128xf32, #tpu.memory_space<vmem>>, vector<128x128xf32>
    %slice3A = vector.extract_strided_slice %get3A_22 {offsets = [0, 0], sizes = [64, 128], strides = [1, 1]} : vector<128x128xf32> to vector<64x128xf32>
    %dot_general3A = arith.constant dense<0.000000e+00> : vector<1000x128xf32>
    %dot_general3A_23 = tpu.matmul %mul3A_10, %slice3A, %dot_general3A {dimension_numbers = #tpu.dot_dimension_numbers<[1], [0], [0], [1], [0, 0, 1, 1], [], []>, transpose_lhs_hint = false} : vector<1000x64xf32>, vector<64x128xf32>, vector<1000x128xf32> -> vector<1000x128xf32>
    %slice3A_24 = vector.extract_strided_slice %get3A_22 {offsets = [64, 0], sizes = [64, 128], strides = [1, 1]} : vector<128x128xf32> to vector<64x128xf32>
    %dot_general3A_25 = arith.constant dense<0.000000e+00> : vector<1000x128xf32>
    %dot_general3A_26 = tpu.matmul %mul3A_19, %slice3A_24, %dot_general3A_25 {dimension_numbers = #tpu.dot_dimension_numbers<[1], [0], [0], [1], [0, 0, 1, 1], [], []>, transpose_lhs_hint = false} : vector<1000x64xf32>, vector<64x128xf32>, vector<1000x128xf32> -> vector<1000x128xf32>
    %add3A_27 = arith.addf %dot_general3A_23, %dot_general3A_26 : vector<1000x128xf32>
    %get3A_28 = arith.constant 0 : index
    %get3A_29 = arith.constant 0 : index
    %get3A_30 = vector.load %arg7[%get3A_28, %get3A_29] : memref<1x128xf32, #tpu.memory_space<vmem>>, vector<1x128xf32>
    %add3A_31 = vector.broadcast %get3A_30 : vector<1x128xf32> to vector<1000x128xf32>
    %add3A_32 = arith.addf %add3A_27, %add3A_31 : vector<1000x128xf32>
    %max3A_33 = arith.constant 0.000000e+00 : f32
    %max3A_34 = vector.broadcast %max3A_33 : f32 to vector<1000x128xf32>
    %max3A_35 = arith.maximumf %add3A_32, %max3A_34 : vector<1000x128xf32>
    %reduce_sum3A = arith.constant dense<0.000000e+00> : vector<1000xf32>
    %reduce_sum3A_36 = vector.multi_reduction <add>, %max3A_35, %reduce_sum3A [1] : vector<1000x128xf32> to vector<1000xf32>
    %broadcast_in_dim3A = vector.shape_cast %reduce_sum3A_36 : vector<1000xf32> to vector<1000x1xf32>
    %div3A = arith.constant 1.280000e+02 : f32
    %div3A_37 = vector.broadcast %div3A : f32 to vector<1000x1xf32>
    %div3A_38 = arith.divf %broadcast_in_dim3A, %div3A_37 : vector<1000x1xf32>
    %sub3A = vector.broadcast %div3A_38 : vector<1000x1xf32> to vector<1000x128xf32>
    %sub3A_39 = arith.subf %max3A_35, %sub3A : vector<1000x128xf32>
    %mul3A_40 = arith.mulf %sub3A_39, %sub3A_39 : vector<1000x128xf32>
    %reduce_sum3A_41 = arith.constant dense<0.000000e+00> : vector<1000xf32>
    %reduce_sum3A_42 = vector.multi_reduction <add>, %mul3A_40, %reduce_sum3A_41 [1] : vector<1000x128xf32> to vector<1000xf32>
    %broadcast_in_dim3A_43 = vector.shape_cast %reduce_sum3A_42 : vector<1000xf32> to vector<1000x1xf32>
    %div3A_44 = arith.constant 1.280000e+02 : f32
    %div3A_45 = vector.broadcast %div3A_44 : f32 to vector<1000x1xf32>
    %div3A_46 = arith.divf %broadcast_in_dim3A_43, %div3A_45 : vector<1000x1xf32>
    %add3A_47 = arith.constant 9.99999974E-6 : f32
    %add3A_48 = vector.broadcast %add3A_47 : f32 to vector<1000x1xf32>
    %add3A_49 = arith.addf %div3A_46, %add3A_48 : vector<1000x1xf32>
    %rsqrt3A_50 = math.rsqrt %add3A_49 : vector<1000x1xf32>
    %mul3A_51 = vector.broadcast %rsqrt3A_50 : vector<1000x1xf32> to vector<1000x128xf32>
    %mul3A_52 = arith.mulf %sub3A_39, %mul3A_51 : vector<1000x128xf32>
    %get3A_53 = arith.constant 0 : index
    %get3A_54 = arith.constant 0 : index
    %get3A_55 = vector.load %arg8[%get3A_53, %get3A_54] : memref<1x128xf32, #tpu.memory_space<vmem>>, vector<1x128xf32>
    %mul3A_56 = vector.broadcast %get3A_55 : vector<1x128xf32> to vector<1000x128xf32>
    %mul3A_57 = arith.mulf %mul3A_52, %mul3A_56 : vector<1000x128xf32>
    %get3A_58 = arith.constant 0 : index
    %get3A_59 = arith.constant 0 : index
    %get3A_60 = vector.load %arg9[%get3A_58, %get3A_59] : memref<1x128xf32, #tpu.memory_space<vmem>>, vector<1x128xf32>
    %add3A_61 = vector.broadcast %get3A_60 : vector<1x128xf32> to vector<1000x128xf32>
    %add3A_62 = arith.addf %mul3A_57, %add3A_61 : vector<1000x128xf32>
    %swap3A = arith.constant 0 : index
    %swap3A_63 = arith.constant 0 : index
    %swap3A_64 = vector.load %arg10[%swap3A, %swap3A_63] : memref<1000x128xf32, #tpu.memory_space<vmem>>, vector<1000x128xf32>
    tpu.vector_store %arg10[%swap3A, %swap3A_63], %add3A_62 {strides = array<i32>} : memref<1000x128xf32, #tpu.memory_space<vmem>>, vector<1000x128xf32>,
    return
  }
  func.func @transform_0(%arg0: i32) -> (i32, i32) {
    %c0_i32 = arith.constant 0 : i32
    %c0_i32_0 = arith.constant 0 : i32
    return %arg0, %c0_i32 : i32, i32
  }
  func.func @transform_1(%arg0: i32) -> (i32, i32) {
    %c0_i32 = arith.constant 0 : i32
    %c0_i32_0 = arith.constant 0 : i32
    return %arg0, %c0_i32 : i32, i32
  }
  func.func @transform_2(%arg0: i32) -> (i32, i32) {
    %c0_i32 = arith.constant 0 : i32
    %c0_i32_0 = arith.constant 0 : i32
    return %arg0, %c0_i32 : i32, i32
  }
  func.func @transform_3(%arg0: i32) -> (i32, i32) {
    %c0_i32 = arith.constant 0 : i32
    %c0_i32_0 = arith.constant 0 : i32
    return %arg0, %c0_i32 : i32, i32
  }
  func.func @transform_4(%arg0: i32) -> (i32, i32) {
    %c0_i32 = arith.constant 0 : i32
    %c0_i32_0 = arith.constant 0 : i32
    return %arg0, %c0_i32 : i32, i32
  }
  func.func @transform_5(%arg0: i32) -> (i32, i32) {
    %c0_i32 = arith.constant 0 : i32
    %c0_i32_0 = arith.constant 0 : i32
    %c0_i32_1 = arith.constant 0 : i32
    return %c0_i32, %c0_i32_0 : i32, i32
  }
  func.func @transform_6(%arg0: i32) -> (i32, i32) {
    %c0_i32 = arith.constant 0 : i32
    %c0_i32_0 = arith.constant 0 : i32
    %c0_i32_1 = arith.constant 0 : i32
    return %c0_i32, %c0_i32_0 : i32, i32
  }
  func.func @transform_7(%arg0: i32) -> (i32, i32) {
    %c0_i32 = arith.constant 0 : i32
    %c0_i32_0 = arith.constant 0 : i32
    %c0_i32_1 = arith.constant 0 : i32
    return %c0_i32, %c0_i32_0 : i32, i32
  }
  func.func @transform_8(%arg0: i32) -> (i32, i32) {
    %c0_i32 = arith.constant 0 : i32
    %c0_i32_0 = arith.constant 0 : i32
    %c0_i32_1 = arith.constant 0 : i32
    return %c0_i32, %c0_i32_0 : i32, i32
  }
  func.func @transform_9(%arg0: i32) -> (i32, i32) {
    %c0_i32 = arith.constant 0 : i32
    %c0_i32_0 = arith.constant 0 : i32
    return %arg0, %c0_i32 : i32, i32
  }
}

</mosaic_0001>

<sc_bundles>
// kernel: kernel.12.cloned.1.call-start
scs
__scs_entry_jumppad:
0x0: {  	(pc) =	sbr.rel $0x88, $3  }
0x1: {  	(tag) =	ssettag $0x0;
	lr =	simm.s32 $0x1  }
0x2: {  	[smem:$0x3F98] =	sst lr;
	_ =	strace $0xD0000000  }
0x3: {  	_ = 	snop  }
0x4: {  	_ = 	snop  }
0x5: {  	_ = 	snop  }
0x6: {  	_ = 	snop  }
0x7: {  	_ = 	snop  }
__scs_overlays_trampoline_lowered:
0x8: {  	[smem:$0x3FA7] =	sst s0  }
0x9: {  	[smem:$0x3FA8] =	sst s1  }
0xa: {  	[smem:$0x3FA9] =	sst s2  }
0xb: {  	[smem:$0x3FAA] =	sst s3  }
0xc: {  	[smem:$0x3FAB] =	sst s4  }
0xd: {  	[smem:$0x3FAC] =	sst s5  }
0xe: {  	[smem:$0x3FAD] =	sst s6  }
0xf: {  	[smem:$0x3FAE] =	sst s7  }
0x10: {  	[smem:$0x3FAF] =	sst s8  }
0x11: {  	[smem:$0x3FB0] =	sst s9;
	s0 =	simm.s32 @!p0 $0x0  }
0x12: {  	s1 =	sld [smem:$0x3F96];
	s0 =	simm.s32 @p0 $0x1  }
0x13: {  	[smem:$0x3FB1] =	sst s0;
	s0 =	simm.s32 @!p1 $0x0  }
0x14: {  	s2 =	sld [smem:$0x3F95];
	s0 =	simm.s32 @p1 $0x1  }
0x15: {  	[smem:$0x3FB2] =	sst s0;
	s0 =	simm.s32 @!p2 $0x0  }
0x16: {  	s3 =	sld [smem:$0x3FDB];
	s0 =	simm.s32 @p2 $0x1  }
0x17: {  	s4 =	simm.s32 $0x1BF5;
	[smem:$0x3FB4] =	sst s0  }
0x18: {  	s0 =	sld [smem:$0x3F97];
	_ =	swait.ge [sflag:s4], $0x0  }
0x19: {  	s7 =	sld [smem:$0x3F98]  }
0x1a: {  	s8 =	sadd.s32 $0xFFFFE003, lr  }
0x1b: {  	s9 =	sadd.s32 $0xFFFFFEF7, lr;
	s5 =	simm.s32 $0xFFFFFFFF;
	p2 =	slt.u32 s8, $0xFFFFF086  }
0x1c: {  	p1 =	slt.u32 s9, $0xF7A;
	s5 =	simm.s32 @!p2 $0x0  }
0x1d: {  	s5 =	simm.s32 @p1 $0x1;
	p0 =	seq.s32 s7, s2  }
0x1e: {  	s7 =	smul.u32 @!p0 $0xF7A, s2;
	p2 =	seq.s32 @!p0 s5, $0x0  }
0x1f: {  	s9 =	smul.u32 $0xF7A, s1;
	s8 =	simm.s32 @!p0 $0x1BF5;
	p2 =	por !p2, p0  }
0x20: {  	[sflag:s8] =	ssyncset.s32 @!p0 $0xFFFFF086;
	s6 =	sadd.s32 @!p0 s3, s7;
	s7 =	simm.s32 @!p0 $0x108  }
0x21: {  	s3 =	sadd.s32 s3, s9;
	s6 =	sadd.s32 @!p0 $0x88, s6;
	s7 =	simm.s32 @p2 $0x1082  }
0x22: {  	[simem:s7], [sflag:s8] =	dma.local @!p0 [hbm:s6], $0xF7A  }
0x23: {  	s9 =	sor.u32 $0xD0000000, s2;
	s6 =	simm.s32 $0x108;
	_ =	swait.ge @!p0 [sflag:s8], $0x0  }
0x24: {  	s3 =	sadd.s32 $0x88, s3;
	s6 =	simm.s32 @!p1 $0x1082;
	[sflag:s4] =	ssyncset.s32 $0xFFFFF086  }
0x25: {  	[simem:s6], [sflag:s4] =	dma.local [hbm:s3], $0xF7A  }
0x26: {  	[smem:$0x3F98] =	sst s1;
	(tag) =	ssettag s2;
	_ =	strace s9  }
0x27: {  	s1 =	sld [smem:$0x3FA8]  }
0x28: {  	s2 =	sld [smem:$0x3FA9]  }
0x29: {  	s4 =	sld [smem:$0x3FAB]  }
0x2a: {  	p0 =	seq.s32 s5, $0x0;
	s5 =	sld [smem:$0x3FAC]  }
0x2b: {  	s6 =	sld [smem:$0x3FAD]  }
0x2c: {  	s7 =	sld [smem:$0x3FAE]  }
0x2d: {  	s3 =	simm.s32 $0x108;
	s8 =	sld [smem:$0x3FAF]  }
0x2e: {  	s3 =	simm.s32 @!p0 $0x1082;
	s9 =	sld [smem:$0x3FB0]  }
0x2f: {  	lr =	sadd.s32 s0, s3;
	s0 =	sld [smem:$0x3FA7]  }
0x30: {  	s3 =	sld [smem:$0x3FAA]  }
0x31: {  	[smem:$0x3FB3] =	sst s10  }
0x32: {  	s10 =	sld [smem:$0x3FB1];
	_ =	sdelay $0x3  }
0x33: {  	p0 =	seq.s32 s10, $0x1;
	s10 =	sld [smem:$0x3FB3];
	_ =	sdelay $0x3  }
0x34: {  	[smem:$0x3FB3] =	sst s10  }
0x35: {  	s10 =	sld [smem:$0x3FB2];
	_ =	sdelay $0x3  }
0x36: {  	p1 =	seq.s32 s10, $0x1;
	s10 =	sld [smem:$0x3FB3];
	_ =	sdelay $0x3  }
0x37: {  	[smem:$0x3FB3] =	sst s10  }
0x38: {  	s10 =	sld [smem:$0x3FB4]  }
0x39: {  	_ = 	snop;
	(pc) =	sbr.ind lr, $3  }
0x3a: {  	_ = 	snop  }
0x3b: {  	_ = 	snop  }
0x3c: {  	p2 =	seq.s32 s10, $0x1;
	s10 =	sld [smem:$0x3FB3]  }
0x3d: {  	_ =	shalt  }
0x3e: {  	_ =	shalt  }
0x3f: {  	_ =	shalt  }
0x40: {  	_ =	shalt  }
0x41: {  	_ =	shalt  }
0x42: {  	_ =	shalt  }
0x43: {  	_ =	shalt  }
0x44: {  	_ =	shalt  }
0x45: {  	_ =	shalt  }
0x46: {  	_ =	shalt  }
0x47: {  	_ =	shalt  }
0x48: {  	_ =	shalt  }
0x49: {  	_ =	shalt  }
0x4a: {  	_ =	shalt  }
0x4b: {  	_ =	shalt  }
0x4c: {  	_ =	shalt  }
0x4d: {  	_ =	shalt  }
0x4e: {  	_ =	shalt  }
0x4f: {  	_ =	shalt  }
0x50: {  	_ =	shalt  }
0x51: {  	_ =	shalt  }
0x52: {  	_ =	shalt  }
0x53: {  	_ =	shalt  }
0x54: {  	_ =	shalt  }
0x55: {  	_ =	shalt  }
0x56: {  	_ =	shalt  }
0x57: {  	_ =	shalt  }
0x58: {  	_ =	shalt  }
0x59: {  	_ =	shalt  }
0x5a: {  	_ =	shalt  }
0x5b: {  	_ =	shalt  }
0x5c: {  	_ =	shalt  }
0x5d: {  	_ =	shalt  }
0x5e: {  	_ =	shalt  }
0x5f: {  	_ =	shalt  }
0x60: {  	_ =	shalt  }
0x61: {  	_ =	shalt  }
0x62: {  	_ =	shalt  }
0x63: {  	_ =	shalt  }
0x64: {  	_ =	shalt  }
0x65: {  	_ =	shalt  }
0x66: {  	_ =	shalt  }
0x67: {  	_ =	shalt  }
0x68: {  	_ =	shalt  }
0x69: {  	_ =	shalt  }
0x6a: {  	_ =	shalt  }
0x6b: {  	_ =	shalt  }
0x6c: {  	_ =	shalt  }
0x6d: {  	_ =	shalt  }
0x6e: {  	_ =	shalt  }
0x6f: {  	_ =	shalt  }
0x70: {  	_ =	shalt  }
0x71: {  	_ =	shalt  }
0x72: {  	_ =	shalt  }
0x73: {  	_ =	shalt  }
0x74: {  	_ =	shalt  }
0x75: {  	_ =	shalt  }
0x76: {  	_ =	shalt  }
0x77: {  	_ =	shalt  }
0x78: {  	_ =	shalt  }
0x79: {  	_ =	shalt  }
0x7a: {  	_ =	shalt  }
0x7b: {  	_ =	shalt  }
0x7c: {  	_ =	shalt  }
0x7d: {  	_ =	shalt  }
0x7e: {  	_ =	shalt  }
0x7f: {  	_ =	shalt  }
0x80: {  	_ =	shalt  }
0x81: {  	_ =	shalt  }
0x82: {  	_ =	shalt  }
0x83: {  	_ =	shalt  }
0x84: {  	_ =	shalt  }
0x85: {  	_ =	shalt  }
0x86: {  	_ =	shalt  }
0x87: {  	_ =	shalt  }
.Lfunc_end0:
.L_simem_size_0:
called_computation.1_lowered:
.L_overlay_start_0:
0x88: {  	s2 =	sld [smem:$0x3FD9]  }
0x89: {  	s3 =	sld [smem:$0x3FFE];
	_ =	sdelay $0x1  }
0x8a: {  	s1 =	srdreg.scid  }
0x8b: {  	s0 =	sand.u32 $0x1, s1  }
0x8c: {  	s17 =	sshll.u32 s0, $0xA;
	s2 =	sadd.s32 s3, s2  }
0x8d: {  	s2 =	sadd.s32 s2, s17  }
0x8e: {  	[smem:$0x3FBF] =	sst s2  }
0x8f: {  	_ = 	snop  }
0x90: {  	s2 =	sld [smem:$0x3FD0];
	(tm) =	ssettm $0x1  }
0x91: {  	s18 =	sld [smem:$0x3FFB];
	_ =	sdelay $0x3  }
0x92: {  	_ =	strace s18  }
0x93: {  	s3 =	sld [smem:$0x3FFC];
	_ =	sdelay $0x3  }
0x94: {  	_ =	strace s3  }
0x95: {  	s3 =	sld [smem:$0x3FFD];
	_ =	sdelay $0x3  }
0x96: {  	_ =	strace s3  }
0x97: {  	_ =	strace $0x8FFFFFFF  }
0x98: {  	s19 =	sld [smem:$0x3FDB];
	_ =	sdelay $0x1  }
0x99: {  	s4 =	simm.s32 $_scs_section_size  }
0x9a: {  	s5 =	simm.s32 $_size__tile_overlayer_lowered;
	s6 =	simm.s32 $_tile_overlayer_lowered  }
0x9b: {  	s22 =	simm.s32 $0x1BFF;
	s21 =	sshll.u32 s6, $0x1;
	s3 =	sadd.s32 s4, s19  }
0x9c: {  	s7 =	simm.s32 $0x0;
	s20 =	sshll.u32 s5, $0x1;
	s5 =	sadd.s32 s21, s3  }
0x9d: {  	[timem:s7], [sflag:s22] =	dma.local [hbm:s5], s20  }
0x9e: {  	_ =	swait.ge [sflag:s22], s20  }
0x9f: {  	s4 =	ssub.s32 $0x0, s20;
	[sflag:s22] =	ssyncset.done $0x0  }
0xa0: {  	[sflag:s22] =	ssyncadd.s32 s4;
	_ =	sdelay $0x1  }
0xa1: {  	s23 =	simm.s32 $0x1B8B  }
0xa2: {  	_ =	swait.ge [sflag:s23], $0x1  }
0xa3: {  	[sflag:s23] =	ssyncset.done $0x0  }
0xa4: {  	s25 =	simm.s32 $0x1B8E;
	s24 =	sld [smem:$0x3FFE];
	[sflag:s23] =	ssyncadd.s32 $0xFFFFFFFF  }
0xa5: {  	s26 =	simm.s32 $execute0_lowered;
	[smem:$0x3FD2] =	sst s25  }
0xa6: {  	s5 =	sshll.u32 s26, $0x1;
	_ =	strace $0x80000049;
	[dreg:$0x1] =	wrdreg $0xFFFFFFFF  }
0xa7: {  	s28 =	simm.s32 $_size_execute0_lowered;
	s3 =	sadd.s32 s3, s5;
	[dreg:$0x0] =	wrdreg $0x0  }
0xa8: {  	s5 =	sshll.u32 s28, $0x1;
	[dreg:$0x2] =	wrdreg s3  }
0xa9: {  	[dreg:$0x3] =	wrdreg s5  }
0xaa: {  	[dreg:$0x4] =	wrdreg $0xC0  }
0xab: {  	_ =	task [dreg:s7], $0x5FFFF  }
0xac: {  	[dreg:$0x1] =	wrdreg $0xFFFFFFFF  }
0xad: {  	[dreg:$0x0] =	wrdreg $0x60  }
0xae: {  	[dreg:$0x2] =	wrdreg s2  }
0xaf: {  	[dreg:$0x3] =	wrdreg s24  }
0xb0: {  	[dreg:$0x4] =	wrdreg $0x132200  }
0xb1: {  	[dreg:$0x5] =	wrdreg $0x92200  }
0xb2: {  	[dreg:$0x6] =	wrdreg $0x9  }
0xb3: {  	_ =	task.clear_ibuf [dreg:s7], $0x7FFFF;
	_ =	strace $0x90000049  }
0xb4: {  	s29 =	simm.s32 $0x9;
	_ =	strace $0x8000004B  }
0xb5: {  	_ =	swait.ge [sflag:s29], $0x1  }
0xb6: {  	[sflag:s29] =	ssyncadd.s32 $0xFFFFFFFF  }
0xb7: {  	_ =	strace $0x9000004B  }
0xb8: {  	_ =	sfence  }
0xb9: {  	s30 =	sld [smem:$0x0];
	_ =	sdelay $0x2  }
0xba: {  	s31 =	sshll.u32 s1, $0xD;
	s1 =	sshrl.u32 s1, $0x2  }
0xbb: {  	s3 =	sand.u32 $0x4000, s31;
	s1 =	sadd.s32 s1, s30  }
0xbc: {  	s0 =	sor.u32 s3, s0;
	s1 =	sshll.u32 s1, $0x11  }
0xbd: {  	s0 =	sor.u32 s1, s0  }
0xbe: {  	s0 =	sadd.s32 $0x8F2B, s0  }
0xbf: {  	[sflag:s0] =	ssyncadd.remote.s32 $0x1  }
0xc0: {  	_ =	sfence.sel $0xFFFF  }
0xc1: {  	[dreg:$0x0] =	wrdreg $0xFFFFFFFF;
	(pc) =	sbr.abs _section_cstart, $3  }
0xc2: {  	[dreg:$0x1] =	wrdreg $0xFFFFFFFF  }
0xc3: {  	_ =	task.clear_ibuf [dreg:s7], $0x2FFFF;
	_ =	strace $0x9FFFFFFF  }
0xc4: {  	(tm) =	ssettm $0x7FFFFFFF  }
0xc5: {  	_ =	shalt  }
tec
execute0_lowered:
.L_overlay_start_1:
0x0: {  	(tag) =	ssettag $0x1  }
0x1: {  	s7 =	rddreg [dreg:$0x0]  }
0x2: {  	s6 =	rddreg [dreg:$0x1]  }
0x3: {  	s0 =	srdreg.scid;
	s2 =	rddreg [dreg:$0x2]  }
0x4: {  	s26 =	stileid.u32;
	s3 =	rddreg [dreg:$0x3];
	s4 =	simm.s32 $0x0  }
0x5: {  	s18 =	simm.s32 $0x80;
	s19 =	simm.s32 $0x4E20;
	s20 =	simm.s32 $0x1  }
0x6: {  	s21 =	simm.s32 $0x6E20;
	s22 =	simm.s32 $0x2680;
	s23 =	simm.s32 $0x4D10  }
0x7: {  	s24 =	simm.s32 $0x4D90;
	s25 =	simm.s32 $0x10;
	s28 =	simm.s32 $0x8E20  }
0x8: {  	s29 =	simm.s32 $0x4E10;
	s30 =	simm.s32 $0x0;
	s8 =	smul.u32 $0x9C40, s26  }
0x9: {  	s5 =	sand.u32 $0x1, s0;
	s10 =	smul.u32 $0xA000, s26;
	[smem:$0x7FF] =	sst s4  }
0xa: {  	s31 =	sshll.u32 s26, $0x6;
	s1 =	sshll.u32 s5, $0x4;
	s12 =	smul.u32 $0x140000, s5  }
0xb: {  	_ =	strace $0x8000004A;
	s5 =	ssub.s32 $0x2, s5;
	s1 =	sor.u32 s26, s1  }
0xc: {  	s11 =	sshrl.u32 s8, $0x3;
	s14 =	sshrl.u32 s10, $0x3;
	s15 =	sshrl.u32 s5, $0x1  }
0xd: {  	s16 =	sadd.s32 s8, s2;
	s17 =	sadd.s32 s10, s3;
	s26 =	simm.s32 $0x2700  }
0xe: {  	s9 =	smul.u32 $0x4E2, s1;
	s13 =	sadd.s32 s11, s6;
	s12 =	sadd.s32 s10, s12  }
0xf: {  	s14 =	sadd.s32 s14, s6;
	s15 =	ssub.s32 s5, s15;
	s7 =	sadd.s32 s7, s11  }
0x10: {  	s16 =	sshrl.u32 s16, $0x3;
	s17 =	sshrl.u32 s17, $0x3;
	s12 =	sshrl.u32 s12, $0x3  }
0x11: {  	s8 =	sadd.s32 $0x3CA00, s14;
	s10 =	sadd.s32 $0x29000, s13;
	s13 =	simm.s32 $0x2  }
0x12: {  	s14 =	simm.s32 $0x2710;
	s9 =	sadd.s32 s9, s6;
	s12 =	sadd.s32 s12, s6  }
0x13: {  	s5 =	sadd.s32 $0x1800, s9;
	s6 =	sadd.s32 $0xB600, s9;
	s9 =	sadd.s32 $0x50A00, s12  }
0x14: {  	s11 =	sadd.s32 $0x64A00, s12;
	s12 =	smax.u32 s15, $0x1;
	s15 =	sor.u32 $0x1C02, s31  }
.LBB2_1:
0x15: {  	[tilespmem:s4], [sflag:$0x2] =	stream.linear.gather [hbm4b:s5+s4], $0x2710, $0x38;
	[tilespmem:$0x1CE60] =	vst v63  }
0x16: {  	_ =	swait.ge [sflag:s13], $0x2710  }
0x17: {  	[sflag:s13] =	ssyncset.done $0x0  }
0x18: {  	[sflag:s13] =	ssyncadd.s32 $0xFFFFD8F0  }
0x19: {  	[tilespmem:s14], [sflag:$0x2] =	stream.linear.gather [hbm4b:s6+s4], $0x2710, $0x38;
	[tilespmem:$0x1CE60] =	vst v63  }
0x1a: {  	_ =	swait.ge [sflag:s13], $0x2710  }
0x1b: {  	[sflag:s13] =	ssyncset.done $0x0  }
0x1c: {  	[sflag:s13] =	ssyncadd.s32 $0xFFFFD8F0  }
0x1d: {  	[spmem:s16], [sflag:s15] =	dma.local [hbm:s7], $0x1388  }
0x1e: {  	_ =	swait.ge [sflag:s13], $0x1388  }
0x1f: {  	[sflag:s13] =	ssyncset.done $0x0  }
0x20: {  	[sflag:s13] =	ssyncadd.s32 $0xFFFFEC78  }
0x21: {  	[spmem:s17], [sflag:s15] =	dma.local [hbm:s8], $0x1400  }
0x22: {  	_ =	swait.ge [sflag:s13], $0x1400  }
0x23: {  	[sflag:s13] =	ssyncset.done $0x0  }
0x24: {  	[sflag:s13] =	ssyncadd.s32 $0xFFFFEC00  }
0x25: {  	[bflag:$0x0] =	sbarrier.arrive $0xFFFF  }
0x26: {  	[tilespmem:s19], [sflag:$0x1] =	stream.indirect.gather [spmem:s2], $0x40, s4, s18, $0xb8;
	[tilespmem:$0x1CE60] =	vst v63  }
0x27: {  	_ =	swait.ge [sflag:s20], $0x2000  }
0x28: {  	[sflag:s20] =	ssyncset.done $0x0  }
0x29: {  	s31 =	simm.s32 $0x80;
	[sflag:s20] =	ssyncadd.s32 $0xFFFFE000  }
0x2a: {  	[tilespmem:s21], [sflag:$0x1] =	stream.indirect.gather [spmem:s2], $0x40, s31, s18, $0xb8;
	[tilespmem:$0x1CE60] =	vst v63  }
0x2b: {  	s31 =	simm.s32 $0x2710  }
0x2c: {  	[spmem:s3] =	stream.indirect.scatter.add.f32 [tilespmem:s19], [sflag:$0x2], $0x40, s31, s18, $0xb8;
	[tilespmem:$0x1CE60] =	vst v63  }
0x2d: {  	_ =	swait.ge [sflag:s13], $0x2000  }
0x2e: {  	[sflag:s13] =	ssyncset.done $0x0  }
0x2f: {  	[sflag:s13] =	ssyncadd.s32 $0xFFFFE000  }
0x30: {  	_ =	swait.ge [sflag:s20], $0x2000  }
0x31: {  	[sflag:s20] =	ssyncset.done $0x0  }
0x32: {  	s31 =	simm.s32 $0x100;
	[sflag:s20] =	ssyncadd.s32 $0xFFFFE000  }
0x33: {  	[tilespmem:s19], [sflag:$0x1] =	stream.indirect.gather [spmem:s2], $0x40, s31, s18, $0xb8;
	[tilespmem:$0x1CE60] =	vst v63  }
0x34: {  	s31 =	simm.s32 $0x2790  }
0x35: {  	[spmem:s3] =	stream.indirect.scatter.add.f32 [tilespmem:s21], [sflag:$0x2], $0x40, s31, s18, $0xb8;
	[tilespmem:$0x1CE60] =	vst v63  }
0x36: {  	_ =	swait.ge [sflag:s13], $0x2000  }
0x37: {  	s31 =	simm.s32 $0x400;
	[sflag:s13] =	ssyncset.done $0x0  }
.LBB2_2:
0x38: {  	p0 =	sne.s32 s31, $0x9400  }
0x39: {  	[sflag:s13] =	ssyncadd.s32 $0xFFFFE000;
	s1 =	smov.u32 s31;
	s31 =	sadd.s32 $0x400, s31  }
0x3a: {  	_ = 	snop  }
0x3b: {  	_ =	swait.ge [sflag:s20], $0x2000  }
0x3c: {  	s1 =	sshra.s32 s1, $0x2;
	[sflag:s20] =	ssyncset.done $0x0  }
0x3d: {  	s0 =	sadd.s32 $0x80, s1;
	[sflag:s20] =	ssyncadd.s32 $0xFFFFE000  }
0x3e: {  	[tilespmem:s21], [sflag:$0x1] =	stream.indirect.gather [spmem:s2], $0x40, s0, s18, $0xb8;
	[tilespmem:$0x1CE60] =	vst v63  }
0x3f: {  	s0 =	sadd.s32 $0x2710, s1  }
0x40: {  	[spmem:s3] =	stream.indirect.scatter.add.f32 [tilespmem:s19], [sflag:$0x2], $0x40, s0, s18, $0xb8;
	[tilespmem:$0x1CE60] =	vst v63  }
0x41: {  	_ =	swait.ge [sflag:s13], $0x2000  }
0x42: {  	[sflag:s13] =	ssyncset.done $0x0  }
0x43: {  	[sflag:s13] =	ssyncadd.s32 $0xFFFFE000  }
0x44: {  	_ =	swait.ge [sflag:s20], $0x2000  }
0x45: {  	[sflag:s20] =	ssyncset.done $0x0  }
0x46: {  	s0 =	sadd.s32 $0x100, s1;
	[sflag:s20] =	ssyncadd.s32 $0xFFFFE000  }
0x47: {  	[tilespmem:s19], [sflag:$0x1] =	stream.indirect.gather [spmem:s2], $0x40, s0, s18, $0xb8;
	[tilespmem:$0x1CE60] =	vst v63  }
.Ltmp0:
0x48: {  	_ = 	snop;
	(pc) =	sbr.rel @p0 .LBB2_2-.Ltmp0, $4  }
0x49: {  	s0 =	sadd.s32 $0x2790, s1  }
0x4a: {  	[spmem:s3] =	stream.indirect.scatter.add.f32 [tilespmem:s21], [sflag:$0x2], $0x40, s0, s18, $0xb8;
	[tilespmem:$0x1CE60] =	vst v63  }
0x4b: {  	_ =	swait.ge [sflag:s13], $0x2000  }
0x4c: {  	[sflag:s13] =	ssyncset.done $0x0  }
0x4d: {  	[sflag:s13] =	ssyncadd.s32 $0xFFFFE000  }
0x4e: {  	_ =	swait.ge [sflag:s20], $0x2000  }
0x4f: {  	[sflag:s20] =	ssyncset.done $0x0  }
0x50: {  	[sflag:s20] =	ssyncadd.s32 $0xFFFFE000  }
0x51: {  	[tilespmem:s21], [sflag:$0x1] =	stream.indirect.gather [spmem:s2], $0x40, s22, s18, $0xb8;
	[tilespmem:$0x1CE60] =	vst v63  }
0x52: {  	_ = 	snop  }
0x53: {  	[spmem:s3] =	stream.indirect.scatter.add.f32 [tilespmem:s19], [sflag:$0x2], $0x40, s23, s18, $0xb8;
	[tilespmem:$0x1CE60] =	vst v63  }
0x54: {  	_ =	swait.ge [sflag:s13], $0x2000  }
0x55: {  	[sflag:s13] =	ssyncset.done $0x0  }
0x56: {  	[sflag:s13] =	ssyncadd.s32 $0xFFFFE000  }
0x57: {  	_ =	swait.ge [sflag:s20], $0x2000  }
0x58: {  	[sflag:s20] =	ssyncset.done $0x0  }
0x59: {  	[sflag:s20] =	ssyncadd.s32 $0xFFFFE000  }
0x5a: {  	[spmem:s3] =	stream.indirect.scatter.add.f32 [tilespmem:s21], [sflag:$0x2], $0x40, s24, s18, $0xb8;
	[tilespmem:$0x1CE60] =	vst v63  }
0x5b: {  	_ =	swait.ge [sflag:s13], $0x2000  }
0x5c: {  	[sflag:s13] =	ssyncset.done $0x0  }
0x5d: {  	[sflag:s13] =	ssyncadd.s32 $0xFFFFE000  }
0x5e: {  	[tilespmem:s28], [sflag:$0x1] =	stream.indirect.gather [spmem:s2], $0x40, s26, s25, $0xb8;
	[tilespmem:$0x1CE60] =	vst v63  }
0x5f: {  	_ =	swait.ge [sflag:s20], $0x400  }
0x60: {  	[sflag:s20] =	ssyncset.done $0x0  }
0x61: {  	[sflag:s20] =	ssyncadd.s32 $0xFFFFFC00  }
0x62: {  	[spmem:s3] =	stream.indirect.scatter.add.f32 [tilespmem:s28], [sflag:$0x2], $0x40, s29, s25, $0xb8;
	[tilespmem:$0x1CE60] =	vst v63  }
0x63: {  	_ =	swait.ge [sflag:s13], $0x400  }
0x64: {  	[sflag:s13] =	ssyncset.done $0x0  }
0x65: {  	[sflag:s13] =	ssyncadd.s32 $0xFFFFFC00  }
0x66: {  	[bflag:$0x0] =	sbarrier.arrive $0xFFFF  }
0x67: {  	[hbm:s9], [sflag:s15] =	dma.local [spmem:s17], $0x1400  }
0x68: {  	_ =	swait.ge [sflag:s13], $0x1400  }
0x69: {  	[sflag:s13] =	ssyncset.done $0x0  }
0x6a: {  	[sflag:s13] =	ssyncadd.s32 $0xFFFFEC00  }
0x6b: {  	[bflag:$0x0] =	sbarrier.arrive $0xFFFF  }
0x6c: {  	[spmem:s16], [sflag:s15] =	dma.local [hbm:s10], $0x1388  }
0x6d: {  	_ =	swait.ge [sflag:s13], $0x1388  }
0x6e: {  	[sflag:s13] =	ssyncset.done $0x0  }
0x6f: {  	[sflag:s13] =	ssyncadd.s32 $0xFFFFEC78  }
0x70: {  	[spmem:s17], [sflag:s15] =	dma.local [hbm:s8], $0x1400  }
0x71: {  	_ =	swait.ge [sflag:s13], $0x1400  }
0x72: {  	[sflag:s13] =	ssyncset.done $0x0  }
0x73: {  	[sflag:s13] =	ssyncadd.s32 $0xFFFFEC00  }
0x74: {  	s0 =	simm.s32 $0x0;
	[bflag:$0x0] =	sbarrier.arrive $0xFFFF  }
0x75: {  	[tilespmem:s19], [sflag:$0x1] =	stream.indirect.gather [spmem:s2], $0x40, s0, s18, $0xb8;
	[tilespmem:$0x1CE60] =	vst v63  }
0x76: {  	_ =	swait.ge [sflag:s20], $0x2000  }
0x77: {  	[sflag:s20] =	ssyncset.done $0x0  }
0x78: {  	s1 =	simm.s32 $0x80;
	[sflag:s20] =	ssyncadd.s32 $0xFFFFE000  }
0x79: {  	[tilespmem:s21], [sflag:$0x1] =	stream.indirect.gather [spmem:s2], $0x40, s1, s18, $0xb8;
	[tilespmem:$0x1CE60] =	vst v63  }
0x7a: {  	s1 =	simm.s32 $0x2710  }
0x7b: {  	[spmem:s3] =	stream.indirect.scatter.add.f32 [tilespmem:s19], [sflag:$0x2], $0x40, s1, s18, $0xb8;
	[tilespmem:$0x1CE60] =	vst v63  }
0x7c: {  	_ =	swait.ge [sflag:s13], $0x2000  }
0x7d: {  	[sflag:s13] =	ssyncset.done $0x0  }
0x7e: {  	[sflag:s13] =	ssyncadd.s32 $0xFFFFE000  }
0x7f: {  	_ =	swait.ge [sflag:s20], $0x2000  }
0x80: {  	[sflag:s20] =	ssyncset.done $0x0  }
0x81: {  	s1 =	simm.s32 $0x100;
	[sflag:s20] =	ssyncadd.s32 $0xFFFFE000  }
0x82: {  	[tilespmem:s19], [sflag:$0x1] =	stream.indirect.gather [spmem:s2], $0x40, s1, s18, $0xb8;
	[tilespmem:$0x1CE60] =	vst v63  }
0x83: {  	s1 =	simm.s32 $0x2790  }
0x84: {  	[spmem:s3] =	stream.indirect.scatter.add.f32 [tilespmem:s21], [sflag:$0x2], $0x40, s1, s18, $0xb8;
	[tilespmem:$0x1CE60] =	vst v63  }
0x85: {  	_ =	swait.ge [sflag:s13], $0x2000  }
0x86: {  	s31 =	simm.s32 $0x400;
	[sflag:s13] =	ssyncset.done $0x0  }
.LBB2_4:
0x87: {  	p0 =	sne.s32 s31, $0x9400  }
0x88: {  	[sflag:s13] =	ssyncadd.s32 $0xFFFFE000;
	s0 =	smov.u32 s31;
	s31 =	sadd.s32 $0x400, s31  }
0x89: {  	_ = 	snop  }
0x8a: {  	_ =	swait.ge [sflag:s20], $0x2000  }
0x8b: {  	s0 =	sshra.s32 s0, $0x2;
	[sflag:s20] =	ssyncset.done $0x0  }
0x8c: {  	s1 =	sadd.s32 $0x80, s0;
	[sflag:s20] =	ssyncadd.s32 $0xFFFFE000  }
0x8d: {  	[tilespmem:s21], [sflag:$0x1] =	stream.indirect.gather [spmem:s2], $0x40, s1, s18, $0xb8;
	[tilespmem:$0x1CE60] =	vst v63  }
0x8e: {  	s1 =	sadd.s32 $0x2710, s0  }
0x8f: {  	[spmem:s3] =	stream.indirect.scatter.add.f32 [tilespmem:s19], [sflag:$0x2], $0x40, s1, s18, $0xb8;
	[tilespmem:$0x1CE60] =	vst v63  }
0x90: {  	_ =	swait.ge [sflag:s13], $0x2000  }
0x91: {  	[sflag:s13] =	ssyncset.done $0x0  }
0x92: {  	[sflag:s13] =	ssyncadd.s32 $0xFFFFE000  }
0x93: {  	_ =	swait.ge [sflag:s20], $0x2000  }
0x94: {  	[sflag:s20] =	ssyncset.done $0x0  }
0x95: {  	s1 =	sadd.s32 $0x100, s0;
	[sflag:s20] =	ssyncadd.s32 $0xFFFFE000  }
0x96: {  	[tilespmem:s19], [sflag:$0x1] =	stream.indirect.gather [spmem:s2], $0x40, s1, s18, $0xb8;
	[tilespmem:$0x1CE60] =	vst v63  }
.Ltmp1:
0x97: {  	_ = 	snop;
	(pc) =	sbr.rel @p0 .LBB2_4-.Ltmp1, $4  }
0x98: {  	s0 =	sadd.s32 $0x2790, s0  }
0x99: {  	[spmem:s3] =	stream.indirect.scatter.add.f32 [tilespmem:s21], [sflag:$0x2], $0x40, s0, s18, $0xb8;
	[tilespmem:$0x1CE60] =	vst v63  }
0x9a: {  	_ =	swait.ge [sflag:s13], $0x2000  }
0x9b: {  	[sflag:s13] =	ssyncset.done $0x0  }
0x9c: {  	[sflag:s13] =	ssyncadd.s32 $0xFFFFE000  }
0x9d: {  	_ =	swait.ge [sflag:s20], $0x2000  }
0x9e: {  	[sflag:s20] =	ssyncset.done $0x0  }
0x9f: {  	[sflag:s20] =	ssyncadd.s32 $0xFFFFE000  }
0xa0: {  	[tilespmem:s21], [sflag:$0x1] =	stream.indirect.gather [spmem:s2], $0x40, s22, s18, $0xb8;
	[tilespmem:$0x1CE60] =	vst v63  }
0xa1: {  	_ = 	snop  }
0xa2: {  	[spmem:s3] =	stream.indirect.scatter.add.f32 [tilespmem:s19], [sflag:$0x2], $0x40, s23, s18, $0xb8;
	[tilespmem:$0x1CE60] =	vst v63  }
0xa3: {  	_ =	swait.ge [sflag:s13], $0x2000  }
0xa4: {  	[sflag:s13] =	ssyncset.done $0x0  }
0xa5: {  	[sflag:s13] =	ssyncadd.s32 $0xFFFFE000  }
0xa6: {  	_ =	swait.ge [sflag:s20], $0x2000  }
0xa7: {  	[sflag:s20] =	ssyncset.done $0x0  }
0xa8: {  	[sflag:s20] =	ssyncadd.s32 $0xFFFFE000  }
0xa9: {  	[spmem:s3] =	stream.indirect.scatter.add.f32 [tilespmem:s21], [sflag:$0x2], $0x40, s24, s18, $0xb8;
	[tilespmem:$0x1CE60] =	vst v63  }
0xaa: {  	_ =	swait.ge [sflag:s13], $0x2000  }
0xab: {  	[sflag:s13] =	ssyncset.done $0x0  }
0xac: {  	[sflag:s13] =	ssyncadd.s32 $0xFFFFE000  }
0xad: {  	[tilespmem:s28], [sflag:$0x1] =	stream.indirect.gather [spmem:s2], $0x40, s26, s25, $0xb8;
	[tilespmem:$0x1CE60] =	vst v63  }
0xae: {  	_ =	swait.ge [sflag:s20], $0x400  }
0xaf: {  	[sflag:s20] =	ssyncset.done $0x0  }
0xb0: {  	[sflag:s20] =	ssyncadd.s32 $0xFFFFFC00  }
0xb1: {  	[spmem:s3] =	stream.indirect.scatter.add.f32 [tilespmem:s28], [sflag:$0x2], $0x40, s29, s25, $0xb8;
	[tilespmem:$0x1CE60] =	vst v63  }
0xb2: {  	_ =	swait.ge [sflag:s13], $0x400  }
0xb3: {  	[sflag:s13] =	ssyncset.done $0x0  }
0xb4: {  	s30 =	sadd.s32 $0x1, s30;
	[sflag:s13] =	ssyncadd.s32 $0xFFFFFC00  }
0xb5: {  	p0 =	sne.s32 s30, s12;
	[bflag:$0x0] =	sbarrier.arrive $0xFFFF  }
0xb6: {  	[hbm:s11], [sflag:s15] =	dma.local [spmem:s17], $0x1400  }
.Ltmp2:
0xb7: {  	_ =	swait.ge [sflag:s13], $0x1400;
	(pc) =	sbr.rel @p0 .LBB2_1-.Ltmp2, $3  }
0xb8: {  	[sflag:s13] =	ssyncset.done $0x0  }
0xb9: {  	[sflag:s13] =	ssyncadd.s32 $0xFFFFEC00  }
0xba: {  	[bflag:$0x0] =	sbarrier.arrive $0xFFFF;
	_ =	sdelay $0x1  }
0xbb: {  	_ =	sfence.sel $0x180000  }
0xbc: {  	[bflag:$0x0] =	sbarrier.arrive $0xFFFF  }
0xbd: {  	_ =	strace $0x9000004A  }
0xbe: {  	s0 =	stileid.u32;
	[bflag:$0x2] =	sbarrier.arrive $0xFFFF  }
0xbf: {  	p0 =	sne.s32 s0, $0x0;
	s0 =	rddreg [dreg:$0x4]  }
0xc0: {  	s0 =	sadd.s32 @!p0 $0x100000, s0  }
0xc1: {  	[sflag:s0] =	ssyncadd.tile.s32 @!p0 $0x1;
	_ =	shalt  }
.Lfunc_end2:
_tile_overlayer_lowered:
.L_overlay_start_2:
0xc2: {  	(tag) =	ssettag $0x2  }
0xc3: {  	s0 =	rddreg [dreg:$0x0];
	s2 =	stileid.u32  }
0xc4: {  	s1 =	rddreg [dreg:$0x1];
	p0 =	sne.s32 s2, $0x0  }
0xc5: {  	s3 =	rddreg [dreg:$0x2];
	[bflag:$0x3] =	sbarrier.arrive $0xFFFF;
	s2 =	simm.s32 @!p0 $0x1C02  }
0xc6: {  	[timem:s3], [sflag:s2] =	dma.local @!p0 [hbm:s0], s1  }
0xc7: {  	s0 =	simm.s32 @!p0 $0x2  }
0xc8: {  	_ =	swait.ge @!p0 [sflag:s0], s1  }
0xc9: {  	s1 =	ssub.s32 @!p0 $0x0, s1;
	[sflag:s0] =	ssyncset.done @!p0 $0x0  }
0xca: {  	[sflag:s0] =	ssyncadd.s32 @!p0 s1  }
0xcb: {  	[bflag:$0x3] =	sbarrier.arrive $0xFFFF  }
0xcc: {  	_ =	shalt  }

// kernel: kernel.15.cloned.1.call-start
scs
__scs_entry_jumppad:
0x0: {  	(pc) =	sbr.rel $0x88, $3  }
0x1: {  	(tag) =	ssettag $0x0;
	lr =	simm.s32 $0x1  }
0x2: {  	[smem:$0x3F98] =	sst lr;
	_ =	strace $0xD0000000  }
0x3: {  	_ = 	snop  }
0x4: {  	_ = 	snop  }
0x5: {  	_ = 	snop  }
0x6: {  	_ = 	snop  }
0x7: {  	_ = 	snop  }
__scs_overlays_trampoline_lowered:
0x8: {  	[smem:$0x3FA7] =	sst s0  }
0x9: {  	[smem:$0x3FA8] =	sst s1  }
0xa: {  	[smem:$0x3FA9] =	sst s2  }
0xb: {  	[smem:$0x3FAA] =	sst s3  }
0xc: {  	[smem:$0x3FAB] =	sst s4  }
0xd: {  	[smem:$0x3FAC] =	sst s5  }
0xe: {  	[smem:$0x3FAD] =	sst s6  }
0xf: {  	[smem:$0x3FAE] =	sst s7  }
0x10: {  	[smem:$0x3FAF] =	sst s8  }
0x11: {  	[smem:$0x3FB0] =	sst s9;
	s0 =	simm.s32 @!p0 $0x0  }
0x12: {  	s1 =	sld [smem:$0x3F96];
	s0 =	simm.s32 @p0 $0x1  }
0x13: {  	[smem:$0x3FB1] =	sst s0;
	s0 =	simm.s32 @!p1 $0x0  }
0x14: {  	s2 =	sld [smem:$0x3F95];
	s0 =	simm.s32 @p1 $0x1  }
0x15: {  	[smem:$0x3FB2] =	sst s0;
	s0 =	simm.s32 @!p2 $0x0  }
0x16: {  	s3 =	sld [smem:$0x3FDB];
	s0 =	simm.s32 @p2 $0x1  }
0x17: {  	s4 =	simm.s32 $0x1BF5;
	[smem:$0x3FB4] =	sst s0  }
0x18: {  	s0 =	sld [smem:$0x3F97];
	_ =	swait.ge [sflag:s4], $0x0  }
0x19: {  	s7 =	sld [smem:$0x3F98]  }
0x1a: {  	s8 =	sadd.s32 $0xFFFFE003, lr  }
0x1b: {  	s9 =	sadd.s32 $0xFFFFFEF7, lr;
	s5 =	simm.s32 $0xFFFFFFFF;
	p2 =	slt.u32 s8, $0xFFFFF086  }
0x1c: {  	p1 =	slt.u32 s9, $0xF7A;
	s5 =	simm.s32 @!p2 $0x0  }
0x1d: {  	s5 =	simm.s32 @p1 $0x1;
	p0 =	seq.s32 s7, s2  }
0x1e: {  	s7 =	smul.u32 @!p0 $0xF7A, s2;
	p2 =	seq.s32 @!p0 s5, $0x0  }
0x1f: {  	s9 =	smul.u32 $0xF7A, s1;
	s8 =	simm.s32 @!p0 $0x1BF5;
	p2 =	por !p2, p0  }
0x20: {  	[sflag:s8] =	ssyncset.s32 @!p0 $0xFFFFF086;
	s6 =	sadd.s32 @!p0 s3, s7;
	s7 =	simm.s32 @!p0 $0x108  }
0x21: {  	s3 =	sadd.s32 s3, s9;
	s6 =	sadd.s32 @!p0 $0x88, s6;
	s7 =	simm.s32 @p2 $0x1082  }
0x22: {  	[simem:s7], [sflag:s8] =	dma.local @!p0 [hbm:s6], $0xF7A  }
0x23: {  	s9 =	sor.u32 $0xD0000000, s2;
	s6 =	simm.s32 $0x108;
	_ =	swait.ge @!p0 [sflag:s8], $0x0  }
0x24: {  	s3 =	sadd.s32 $0x88, s3;
	s6 =	simm.s32 @!p1 $0x1082;
	[sflag:s4] =	ssyncset.s32 $0xFFFFF086  }
0x25: {  	[simem:s6], [sflag:s4] =	dma.local [hbm:s3], $0xF7A  }
0x26: {  	[smem:$0x3F98] =	sst s1;
	(tag) =	ssettag s2;
	_ =	strace s9  }
0x27: {  	s1 =	sld [smem:$0x3FA8]  }
0x28: {  	s2 =	sld [smem:$0x3FA9]  }
0x29: {  	s4 =	sld [smem:$0x3FAB]  }
0x2a: {  	p0 =	seq.s32 s5, $0x0;
	s5 =	sld [smem:$0x3FAC]  }
0x2b: {  	s6 =	sld [smem:$0x3FAD]  }
0x2c: {  	s7 =	sld [smem:$0x3FAE]  }
0x2d: {  	s3 =	simm.s32 $0x108;
	s8 =	sld [smem:$0x3FAF]  }
0x2e: {  	s3 =	simm.s32 @!p0 $0x1082;
	s9 =	sld [smem:$0x3FB0]  }
0x2f: {  	lr =	sadd.s32 s0, s3;
	s0 =	sld [smem:$0x3FA7]  }
0x30: {  	s3 =	sld [smem:$0x3FAA]  }
0x31: {  	[smem:$0x3FB3] =	sst s10  }
0x32: {  	s10 =	sld [smem:$0x3FB1];
	_ =	sdelay $0x3  }
0x33: {  	p0 =	seq.s32 s10, $0x1;
	s10 =	sld [smem:$0x3FB3];
	_ =	sdelay $0x3  }
0x34: {  	[smem:$0x3FB3] =	sst s10  }
0x35: {  	s10 =	sld [smem:$0x3FB2];
	_ =	sdelay $0x3  }
0x36: {  	p1 =	seq.s32 s10, $0x1;
	s10 =	sld [smem:$0x3FB3];
	_ =	sdelay $0x3  }
0x37: {  	[smem:$0x3FB3] =	sst s10  }
0x38: {  	s10 =	sld [smem:$0x3FB4]  }
0x39: {  	_ = 	snop;
	(pc) =	sbr.ind lr, $3  }
0x3a: {  	_ = 	snop  }
0x3b: {  	_ = 	snop  }
0x3c: {  	p2 =	seq.s32 s10, $0x1;
	s10 =	sld [smem:$0x3FB3]  }
0x3d: {  	_ =	shalt  }
0x3e: {  	_ =	shalt  }
0x3f: {  	_ =	shalt  }
0x40: {  	_ =	shalt  }
0x41: {  	_ =	shalt  }
0x42: {  	_ =	shalt  }
0x43: {  	_ =	shalt  }
0x44: {  	_ =	shalt  }
0x45: {  	_ =	shalt  }
0x46: {  	_ =	shalt  }
0x47: {  	_ =	shalt  }
0x48: {  	_ =	shalt  }
0x49: {  	_ =	shalt  }
0x4a: {  	_ =	shalt  }
0x4b: {  	_ =	shalt  }
0x4c: {  	_ =	shalt  }
0x4d: {  	_ =	shalt  }
0x4e: {  	_ =	shalt  }
0x4f: {  	_ =	shalt  }
0x50: {  	_ =	shalt  }
0x51: {  	_ =	shalt  }
0x52: {  	_ =	shalt  }
0x53: {  	_ =	shalt  }
0x54: {  	_ =	shalt  }
0x55: {  	_ =	shalt  }
0x56: {  	_ =	shalt  }
0x57: {  	_ =	shalt  }
0x58: {  	_ =	shalt  }
0x59: {  	_ =	shalt  }
0x5a: {  	_ =	shalt  }
0x5b: {  	_ =	shalt  }
0x5c: {  	_ =	shalt  }
0x5d: {  	_ =	shalt  }
0x5e: {  	_ =	shalt  }
0x5f: {  	_ =	shalt  }
0x60: {  	_ =	shalt  }
0x61: {  	_ =	shalt  }
0x62: {  	_ =	shalt  }
0x63: {  	_ =	shalt  }
0x64: {  	_ =	shalt  }
0x65: {  	_ =	shalt  }
0x66: {  	_ =	shalt  }
0x67: {  	_ =	shalt  }
0x68: {  	_ =	shalt  }
0x69: {  	_ =	shalt  }
0x6a: {  	_ =	shalt  }
0x6b: {  	_ =	shalt  }
0x6c: {  	_ =	shalt  }
0x6d: {  	_ =	shalt  }
0x6e: {  	_ =	shalt  }
0x6f: {  	_ =	shalt  }
0x70: {  	_ =	shalt  }
0x71: {  	_ =	shalt  }
0x72: {  	_ =	shalt  }
0x73: {  	_ =	shalt  }
0x74: {  	_ =	shalt  }
0x75: {  	_ =	shalt  }
0x76: {  	_ =	shalt  }
0x77: {  	_ =	shalt  }
0x78: {  	_ =	shalt  }
0x79: {  	_ =	shalt  }
0x7a: {  	_ =	shalt  }
0x7b: {  	_ =	shalt  }
0x7c: {  	_ =	shalt  }
0x7d: {  	_ =	shalt  }
0x7e: {  	_ =	shalt  }
0x7f: {  	_ =	shalt  }
0x80: {  	_ =	shalt  }
0x81: {  	_ =	shalt  }
0x82: {  	_ =	shalt  }
0x83: {  	_ =	shalt  }
0x84: {  	_ =	shalt  }
0x85: {  	_ =	shalt  }
0x86: {  	_ =	shalt  }
0x87: {  	_ =	shalt  }
.Lfunc_end0:
.L_simem_size_0:
called_computation.2_lowered:
.L_overlay_start_0:
0x88: {  	s2 =	sld [smem:$0x3FD9]  }
0x89: {  	s3 =	sld [smem:$0x3FFE];
	_ =	sdelay $0x1  }
0x8a: {  	s1 =	srdreg.scid  }
0x8b: {  	s0 =	sand.u32 $0x1, s1  }
0x8c: {  	s17 =	sshll.u32 s0, $0xA;
	s2 =	sadd.s32 s3, s2  }
0x8d: {  	s2 =	sadd.s32 s2, s17  }
0x8e: {  	[smem:$0x3FBF] =	sst s2  }
0x8f: {  	_ = 	snop  }
0x90: {  	s2 =	sld [smem:$0x3FD0];
	(tm) =	ssettm $0x1  }
0x91: {  	s18 =	sld [smem:$0x3FFB];
	_ =	sdelay $0x3  }
0x92: {  	_ =	strace s18  }
0x93: {  	s3 =	sld [smem:$0x3FFC];
	_ =	sdelay $0x3  }
0x94: {  	_ =	strace s3  }
0x95: {  	s3 =	sld [smem:$0x3FFD];
	_ =	sdelay $0x3  }
0x96: {  	_ =	strace s3  }
0x97: {  	_ =	strace $0x8FFFFFFF  }
0x98: {  	s19 =	sld [smem:$0x3FDB];
	_ =	sdelay $0x1  }
0x99: {  	s4 =	simm.s32 $_scs_section_size  }
0x9a: {  	s5 =	simm.s32 $_size__tile_overlayer_lowered;
	s6 =	simm.s32 $_tile_overlayer_lowered  }
0x9b: {  	s22 =	simm.s32 $0x1BFF;
	s21 =	sshll.u32 s6, $0x1;
	s3 =	sadd.s32 s4, s19  }
0x9c: {  	s7 =	simm.s32 $0x0;
	s20 =	sshll.u32 s5, $0x1;
	s5 =	sadd.s32 s21, s3  }
0x9d: {  	[timem:s7], [sflag:s22] =	dma.local [hbm:s5], s20  }
0x9e: {  	_ =	swait.ge [sflag:s22], s20  }
0x9f: {  	s4 =	ssub.s32 $0x0, s20;
	[sflag:s22] =	ssyncset.done $0x0  }
0xa0: {  	[sflag:s22] =	ssyncadd.s32 s4;
	_ =	sdelay $0x1  }
0xa1: {  	s23 =	simm.s32 $0x1B8B  }
0xa2: {  	_ =	swait.ge [sflag:s23], $0x1  }
0xa3: {  	[sflag:s23] =	ssyncset.done $0x0  }
0xa4: {  	s25 =	simm.s32 $0x1B8E;
	s24 =	sld [smem:$0x3FFE];
	[sflag:s23] =	ssyncadd.s32 $0xFFFFFFFF  }
0xa5: {  	s26 =	simm.s32 $execute0_lowered;
	[smem:$0x3FD2] =	sst s25  }
0xa6: {  	s5 =	sshll.u32 s26, $0x1;
	_ =	strace $0x8000004C;
	[dreg:$0x1] =	wrdreg $0xFFFFFFFF  }
0xa7: {  	s28 =	simm.s32 $_size_execute0_lowered;
	s3 =	sadd.s32 s3, s5;
	[dreg:$0x0] =	wrdreg $0x0  }
0xa8: {  	s5 =	sshll.u32 s28, $0x1;
	[dreg:$0x2] =	wrdreg s3  }
0xa9: {  	[dreg:$0x3] =	wrdreg s5  }
0xaa: {  	[dreg:$0x4] =	wrdreg $0xC0  }
0xab: {  	_ =	task [dreg:s7], $0x5FFFF  }
0xac: {  	[dreg:$0x1] =	wrdreg $0xFFFFFFFF  }
0xad: {  	[dreg:$0x0] =	wrdreg $0x60  }
0xae: {  	[dreg:$0x2] =	wrdreg s2  }
0xaf: {  	[dreg:$0x3] =	wrdreg s24  }
0xb0: {  	[dreg:$0x4] =	wrdreg $0x132200  }
0xb1: {  	[dreg:$0x5] =	wrdreg $0x92200  }
0xb2: {  	[dreg:$0x6] =	wrdreg $0x9  }
0xb3: {  	_ =	task.clear_ibuf [dreg:s7], $0x7FFFF;
	_ =	strace $0x9000004C  }
0xb4: {  	s29 =	simm.s32 $0x9;
	_ =	strace $0x8000004E  }
0xb5: {  	_ =	swait.ge [sflag:s29], $0x1  }
0xb6: {  	[sflag:s29] =	ssyncadd.s32 $0xFFFFFFFF  }
0xb7: {  	_ =	strace $0x9000004E  }
0xb8: {  	_ =	sfence  }
0xb9: {  	s30 =	sld [smem:$0x0];
	_ =	sdelay $0x2  }
0xba: {  	s31 =	sshll.u32 s1, $0xD;
	s1 =	sshrl.u32 s1, $0x2  }
0xbb: {  	s3 =	sand.u32 $0x4000, s31;
	s1 =	sadd.s32 s1, s30  }
0xbc: {  	s0 =	sor.u32 s3, s0;
	s1 =	sshll.u32 s1, $0x11  }
0xbd: {  	s0 =	sor.u32 s1, s0  }
0xbe: {  	s0 =	sadd.s32 $0x8F2B, s0  }
0xbf: {  	[sflag:s0] =	ssyncadd.remote.s32 $0x1  }
0xc0: {  	_ =	sfence.sel $0xFFFF  }
0xc1: {  	[dreg:$0x0] =	wrdreg $0xFFFFFFFF;
	(pc) =	sbr.abs _section_cstart, $3  }
0xc2: {  	[dreg:$0x1] =	wrdreg $0xFFFFFFFF  }
0xc3: {  	_ =	task.clear_ibuf [dreg:s7], $0x2FFFF;
	_ =	strace $0x9FFFFFFF  }
0xc4: {  	(tm) =	ssettm $0x7FFFFFFF  }
0xc5: {  	_ =	shalt  }
tec
execute0_lowered:
.L_overlay_start_1:
0x0: {  	(tag) =	ssettag $0x1  }
0x1: {  	s7 =	rddreg [dreg:$0x0]  }
0x2: {  	s6 =	rddreg [dreg:$0x1]  }
0x3: {  	s0 =	srdreg.scid;
	s2 =	rddreg [dreg:$0x2]  }
0x4: {  	s26 =	stileid.u32;
	s3 =	rddreg [dreg:$0x3];
	s4 =	simm.s32 $0x0  }
0x5: {  	s18 =	simm.s32 $0x80;
	s19 =	simm.s32 $0x4E20;
	s20 =	simm.s32 $0x1  }
0x6: {  	s21 =	simm.s32 $0x6E20;
	s22 =	simm.s32 $0x2680;
	s23 =	simm.s32 $0x4D10  }
0x7: {  	s24 =	simm.s32 $0x4D90;
	s25 =	simm.s32 $0x10;
	s28 =	simm.s32 $0x8E20  }
0x8: {  	s29 =	simm.s32 $0x4E10;
	s30 =	simm.s32 $0x0;
	s8 =	smul.u32 $0x9C40, s26  }
0x9: {  	s5 =	sand.u32 $0x1, s0;
	s10 =	smul.u32 $0xA000, s26;
	[smem:$0x7FF] =	sst s4  }
0xa: {  	s31 =	sshll.u32 s26, $0x6;
	s1 =	sshll.u32 s5, $0x4;
	s12 =	smul.u32 $0x140000, s5  }
0xb: {  	_ =	strace $0x8000004D;
	s5 =	ssub.s32 $0x2, s5;
	s1 =	sor.u32 s26, s1  }
0xc: {  	s11 =	sshrl.u32 s8, $0x3;
	s14 =	sshrl.u32 s10, $0x3;
	s15 =	sshrl.u32 s5, $0x1  }
0xd: {  	s16 =	sadd.s32 s8, s2;
	s17 =	sadd.s32 s10, s3;
	s26 =	simm.s32 $0x2700  }
0xe: {  	s9 =	smul.u32 $0x4E2, s1;
	s13 =	sadd.s32 s11, s6;
	s12 =	sadd.s32 s10, s12  }
0xf: {  	s14 =	sadd.s32 s14, s6;
	s15 =	ssub.s32 s5, s15;
	s7 =	sadd.s32 s7, s11  }
0x10: {  	s16 =	sshrl.u32 s16, $0x3;
	s17 =	sshrl.u32 s17, $0x3;
	s12 =	sshrl.u32 s12, $0x3  }
0x11: {  	s8 =	sadd.s32 $0x3CA00, s14;
	s10 =	sadd.s32 $0x29000, s13;
	s13 =	simm.s32 $0x2  }
0x12: {  	s14 =	simm.s32 $0x2710;
	s9 =	sadd.s32 s9, s6;
	s12 =	sadd.s32 s12, s6  }
0x13: {  	s5 =	sadd.s32 $0x1F200, s9;
	s6 =	sadd.s32 $0x15400, s9;
	s9 =	sadd.s32 $0x50A00, s12  }
0x14: {  	s11 =	sadd.s32 $0x64A00, s12;
	s12 =	smax.u32 s15, $0x1;
	s15 =	sor.u32 $0x1C02, s31  }
.LBB2_1:
0x15: {  	[tilespmem:s4], [sflag:$0x2] =	stream.linear.gather [hbm4b:s5+s4], $0x2710, $0x38;
	[tilespmem:$0x1CE60] =	vst v63  }
0x16: {  	_ =	swait.ge [sflag:s13], $0x2710  }
0x17: {  	[sflag:s13] =	ssyncset.done $0x0  }
0x18: {  	[sflag:s13] =	ssyncadd.s32 $0xFFFFD8F0  }
0x19: {  	[tilespmem:s14], [sflag:$0x2] =	stream.linear.gather [hbm4b:s6+s4], $0x2710, $0x38;
	[tilespmem:$0x1CE60] =	vst v63  }
0x1a: {  	_ =	swait.ge [sflag:s13], $0x2710  }
0x1b: {  	[sflag:s13] =	ssyncset.done $0x0  }
0x1c: {  	[sflag:s13] =	ssyncadd.s32 $0xFFFFD8F0  }
0x1d: {  	[spmem:s16], [sflag:s15] =	dma.local [hbm:s7], $0x1388  }
0x1e: {  	_ =	swait.ge [sflag:s13], $0x1388  }
0x1f: {  	[sflag:s13] =	ssyncset.done $0x0  }
0x20: {  	[sflag:s13] =	ssyncadd.s32 $0xFFFFEC78  }
0x21: {  	[spmem:s17], [sflag:s15] =	dma.local [hbm:s8], $0x1400  }
0x22: {  	_ =	swait.ge [sflag:s13], $0x1400  }
0x23: {  	[sflag:s13] =	ssyncset.done $0x0  }
0x24: {  	[sflag:s13] =	ssyncadd.s32 $0xFFFFEC00  }
0x25: {  	[bflag:$0x0] =	sbarrier.arrive $0xFFFF  }
0x26: {  	[tilespmem:s19], [sflag:$0x1] =	stream.indirect.gather [spmem:s2], $0x40, s4, s18, $0xb8;
	[tilespmem:$0x1CE60] =	vst v63  }
0x27: {  	_ =	swait.ge [sflag:s20], $0x2000  }
0x28: {  	[sflag:s20] =	ssyncset.done $0x0  }
0x29: {  	s31 =	simm.s32 $0x80;
	[sflag:s20] =	ssyncadd.s32 $0xFFFFE000  }
0x2a: {  	[tilespmem:s21], [sflag:$0x1] =	stream.indirect.gather [spmem:s2], $0x40, s31, s18, $0xb8;
	[tilespmem:$0x1CE60] =	vst v63  }
0x2b: {  	s31 =	simm.s32 $0x2710  }
0x2c: {  	[spmem:s3] =	stream.indirect.scatter.add.f32 [tilespmem:s19], [sflag:$0x2], $0x40, s31, s18, $0xb8;
	[tilespmem:$0x1CE60] =	vst v63  }
0x2d: {  	_ =	swait.ge [sflag:s13], $0x2000  }
0x2e: {  	[sflag:s13] =	ssyncset.done $0x0  }
0x2f: {  	[sflag:s13] =	ssyncadd.s32 $0xFFFFE000  }
0x30: {  	_ =	swait.ge [sflag:s20], $0x2000  }
0x31: {  	[sflag:s20] =	ssyncset.done $0x0  }
0x32: {  	s31 =	simm.s32 $0x100;
	[sflag:s20] =	ssyncadd.s32 $0xFFFFE000  }
0x33: {  	[tilespmem:s19], [sflag:$0x1] =	stream.indirect.gather [spmem:s2], $0x40, s31, s18, $0xb8;
	[tilespmem:$0x1CE60] =	vst v63  }
0x34: {  	s31 =	simm.s32 $0x2790  }
0x35: {  	[spmem:s3] =	stream.indirect.scatter.add.f32 [tilespmem:s21], [sflag:$0x2], $0x40, s31, s18, $0xb8;
	[tilespmem:$0x1CE60] =	vst v63  }
0x36: {  	_ =	swait.ge [sflag:s13], $0x2000  }
0x37: {  	s31 =	simm.s32 $0x400;
	[sflag:s13] =	ssyncset.done $0x0  }
.LBB2_2:
0x38: {  	p0 =	sne.s32 s31, $0x9400  }
0x39: {  	[sflag:s13] =	ssyncadd.s32 $0xFFFFE000;
	s1 =	smov.u32 s31;
	s31 =	sadd.s32 $0x400, s31  }
0x3a: {  	_ = 	snop  }
0x3b: {  	_ =	swait.ge [sflag:s20], $0x2000  }
0x3c: {  	s1 =	sshra.s32 s1, $0x2;
	[sflag:s20] =	ssyncset.done $0x0  }
0x3d: {  	s0 =	sadd.s32 $0x80, s1;
	[sflag:s20] =	ssyncadd.s32 $0xFFFFE000  }
0x3e: {  	[tilespmem:s21], [sflag:$0x1] =	stream.indirect.gather [spmem:s2], $0x40, s0, s18, $0xb8;
	[tilespmem:$0x1CE60] =	vst v63  }
0x3f: {  	s0 =	sadd.s32 $0x2710, s1  }
0x40: {  	[spmem:s3] =	stream.indirect.scatter.add.f32 [tilespmem:s19], [sflag:$0x2], $0x40, s0, s18, $0xb8;
	[tilespmem:$0x1CE60] =	vst v63  }
0x41: {  	_ =	swait.ge [sflag:s13], $0x2000  }
0x42: {  	[sflag:s13] =	ssyncset.done $0x0  }
0x43: {  	[sflag:s13] =	ssyncadd.s32 $0xFFFFE000  }
0x44: {  	_ =	swait.ge [sflag:s20], $0x2000  }
0x45: {  	[sflag:s20] =	ssyncset.done $0x0  }
0x46: {  	s0 =	sadd.s32 $0x100, s1;
	[sflag:s20] =	ssyncadd.s32 $0xFFFFE000  }
0x47: {  	[tilespmem:s19], [sflag:$0x1] =	stream.indirect.gather [spmem:s2], $0x40, s0, s18, $0xb8;
	[tilespmem:$0x1CE60] =	vst v63  }
.Ltmp0:
0x48: {  	_ = 	snop;
	(pc) =	sbr.rel @p0 .LBB2_2-.Ltmp0, $4  }
0x49: {  	s0 =	sadd.s32 $0x2790, s1  }
0x4a: {  	[spmem:s3] =	stream.indirect.scatter.add.f32 [tilespmem:s21], [sflag:$0x2], $0x40, s0, s18, $0xb8;
	[tilespmem:$0x1CE60] =	vst v63  }
0x4b: {  	_ =	swait.ge [sflag:s13], $0x2000  }
0x4c: {  	[sflag:s13] =	ssyncset.done $0x0  }
0x4d: {  	[sflag:s13] =	ssyncadd.s32 $0xFFFFE000  }
0x4e: {  	_ =	swait.ge [sflag:s20], $0x2000  }
0x4f: {  	[sflag:s20] =	ssyncset.done $0x0  }
0x50: {  	[sflag:s20] =	ssyncadd.s32 $0xFFFFE000  }
0x51: {  	[tilespmem:s21], [sflag:$0x1] =	stream.indirect.gather [spmem:s2], $0x40, s22, s18, $0xb8;
	[tilespmem:$0x1CE60] =	vst v63  }
0x52: {  	_ = 	snop  }
0x53: {  	[spmem:s3] =	stream.indirect.scatter.add.f32 [tilespmem:s19], [sflag:$0x2], $0x40, s23, s18, $0xb8;
	[tilespmem:$0x1CE60] =	vst v63  }
0x54: {  	_ =	swait.ge [sflag:s13], $0x2000  }
0x55: {  	[sflag:s13] =	ssyncset.done $0x0  }
0x56: {  	[sflag:s13] =	ssyncadd.s32 $0xFFFFE000  }
0x57: {  	_ =	swait.ge [sflag:s20], $0x2000  }
0x58: {  	[sflag:s20] =	ssyncset.done $0x0  }
0x59: {  	[sflag:s20] =	ssyncadd.s32 $0xFFFFE000  }
0x5a: {  	[spmem:s3] =	stream.indirect.scatter.add.f32 [tilespmem:s21], [sflag:$0x2], $0x40, s24, s18, $0xb8;
	[tilespmem:$0x1CE60] =	vst v63  }
0x5b: {  	_ =	swait.ge [sflag:s13], $0x2000  }
0x5c: {  	[sflag:s13] =	ssyncset.done $0x0  }
0x5d: {  	[sflag:s13] =	ssyncadd.s32 $0xFFFFE000  }
0x5e: {  	[tilespmem:s28], [sflag:$0x1] =	stream.indirect.gather [spmem:s2], $0x40, s26, s25, $0xb8;
	[tilespmem:$0x1CE60] =	vst v63  }
0x5f: {  	_ =	swait.ge [sflag:s20], $0x400  }
0x60: {  	[sflag:s20] =	ssyncset.done $0x0  }
0x61: {  	[sflag:s20] =	ssyncadd.s32 $0xFFFFFC00  }
0x62: {  	[spmem:s3] =	stream.indirect.scatter.add.f32 [tilespmem:s28], [sflag:$0x2], $0x40, s29, s25, $0xb8;
	[tilespmem:$0x1CE60] =	vst v63  }
0x63: {  	_ =	swait.ge [sflag:s13], $0x400  }
0x64: {  	[sflag:s13] =	ssyncset.done $0x0  }
0x65: {  	[sflag:s13] =	ssyncadd.s32 $0xFFFFFC00  }
0x66: {  	[bflag:$0x0] =	sbarrier.arrive $0xFFFF  }
0x67: {  	[hbm:s9], [sflag:s15] =	dma.local [spmem:s17], $0x1400  }
0x68: {  	_ =	swait.ge [sflag:s13], $0x1400  }
0x69: {  	[sflag:s13] =	ssyncset.done $0x0  }
0x6a: {  	[sflag:s13] =	ssyncadd.s32 $0xFFFFEC00  }
0x6b: {  	[bflag:$0x0] =	sbarrier.arrive $0xFFFF  }
0x6c: {  	[spmem:s16], [sflag:s15] =	dma.local [hbm:s10], $0x1388  }
0x6d: {  	_ =	swait.ge [sflag:s13], $0x1388  }
0x6e: {  	[sflag:s13] =	ssyncset.done $0x0  }
0x6f: {  	[sflag:s13] =	ssyncadd.s32 $0xFFFFEC78  }
0x70: {  	[spmem:s17], [sflag:s15] =	dma.local [hbm:s8], $0x1400  }
0x71: {  	_ =	swait.ge [sflag:s13], $0x1400  }
0x72: {  	[sflag:s13] =	ssyncset.done $0x0  }
0x73: {  	[sflag:s13] =	ssyncadd.s32 $0xFFFFEC00  }
0x74: {  	s0 =	simm.s32 $0x0;
	[bflag:$0x0] =	sbarrier.arrive $0xFFFF  }
0x75: {  	[tilespmem:s19], [sflag:$0x1] =	stream.indirect.gather [spmem:s2], $0x40, s0, s18, $0xb8;
	[tilespmem:$0x1CE60] =	vst v63  }
0x76: {  	_ =	swait.ge [sflag:s20], $0x2000  }
0x77: {  	[sflag:s20] =	ssyncset.done $0x0  }
0x78: {  	s1 =	simm.s32 $0x80;
	[sflag:s20] =	ssyncadd.s32 $0xFFFFE000  }
0x79: {  	[tilespmem:s21], [sflag:$0x1] =	stream.indirect.gather [spmem:s2], $0x40, s1, s18, $0xb8;
	[tilespmem:$0x1CE60] =	vst v63  }
0x7a: {  	s1 =	simm.s32 $0x2710  }
0x7b: {  	[spmem:s3] =	stream.indirect.scatter.add.f32 [tilespmem:s19], [sflag:$0x2], $0x40, s1, s18, $0xb8;
	[tilespmem:$0x1CE60] =	vst v63  }
0x7c: {  	_ =	swait.ge [sflag:s13], $0x2000  }
0x7d: {  	[sflag:s13] =	ssyncset.done $0x0  }
0x7e: {  	[sflag:s13] =	ssyncadd.s32 $0xFFFFE000  }
0x7f: {  	_ =	swait.ge [sflag:s20], $0x2000  }
0x80: {  	[sflag:s20] =	ssyncset.done $0x0  }
0x81: {  	s1 =	simm.s32 $0x100;
	[sflag:s20] =	ssyncadd.s32 $0xFFFFE000  }
0x82: {  	[tilespmem:s19], [sflag:$0x1] =	stream.indirect.gather [spmem:s2], $0x40, s1, s18, $0xb8;
	[tilespmem:$0x1CE60] =	vst v63  }
0x83: {  	s1 =	simm.s32 $0x2790  }
0x84: {  	[spmem:s3] =	stream.indirect.scatter.add.f32 [tilespmem:s21], [sflag:$0x2], $0x40, s1, s18, $0xb8;
	[tilespmem:$0x1CE60] =	vst v63  }
0x85: {  	_ =	swait.ge [sflag:s13], $0x2000  }
0x86: {  	s31 =	simm.s32 $0x400;
	[sflag:s13] =	ssyncset.done $0x0  }
.LBB2_4:
0x87: {  	p0 =	sne.s32 s31, $0x9400  }
0x88: {  	[sflag:s13] =	ssyncadd.s32 $0xFFFFE000;
	s0 =	smov.u32 s31;
	s31 =	sadd.s32 $0x400, s31  }
0x89: {  	_ = 	snop  }
0x8a: {  	_ =	swait.ge [sflag:s20], $0x2000  }
0x8b: {  	s0 =	sshra.s32 s0, $0x2;
	[sflag:s20] =	ssyncset.done $0x0  }
0x8c: {  	s1 =	sadd.s32 $0x80, s0;
	[sflag:s20] =	ssyncadd.s32 $0xFFFFE000  }
0x8d: {  	[tilespmem:s21], [sflag:$0x1] =	stream.indirect.gather [spmem:s2], $0x40, s1, s18, $0xb8;
	[tilespmem:$0x1CE60] =	vst v63  }
0x8e: {  	s1 =	sadd.s32 $0x2710, s0  }
0x8f: {  	[spmem:s3] =	stream.indirect.scatter.add.f32 [tilespmem:s19], [sflag:$0x2], $0x40, s1, s18, $0xb8;
	[tilespmem:$0x1CE60] =	vst v63  }
0x90: {  	_ =	swait.ge [sflag:s13], $0x2000  }
0x91: {  	[sflag:s13] =	ssyncset.done $0x0  }
0x92: {  	[sflag:s13] =	ssyncadd.s32 $0xFFFFE000  }
0x93: {  	_ =	swait.ge [sflag:s20], $0x2000  }
0x94: {  	[sflag:s20] =	ssyncset.done $0x0  }
0x95: {  	s1 =	sadd.s32 $0x100, s0;
	[sflag:s20] =	ssyncadd.s32 $0xFFFFE000  }
0x96: {  	[tilespmem:s19], [sflag:$0x1] =	stream.indirect.gather [spmem:s2], $0x40, s1, s18, $0xb8;
	[tilespmem:$0x1CE60] =	vst v63  }
.Ltmp1:
0x97: {  	_ = 	snop;
	(pc) =	sbr.rel @p0 .LBB2_4-.Ltmp1, $4  }
0x98: {  	s0 =	sadd.s32 $0x2790, s0  }
0x99: {  	[spmem:s3] =	stream.indirect.scatter.add.f32 [tilespmem:s21], [sflag:$0x2], $0x40, s0, s18, $0xb8;
	[tilespmem:$0x1CE60] =	vst v63  }
0x9a: {  	_ =	swait.ge [sflag:s13], $0x2000  }
0x9b: {  	[sflag:s13] =	ssyncset.done $0x0  }
0x9c: {  	[sflag:s13] =	ssyncadd.s32 $0xFFFFE000  }
0x9d: {  	_ =	swait.ge [sflag:s20], $0x2000  }
0x9e: {  	[sflag:s20] =	ssyncset.done $0x0  }
0x9f: {  	[sflag:s20] =	ssyncadd.s32 $0xFFFFE000  }
0xa0: {  	[tilespmem:s21], [sflag:$0x1] =	stream.indirect.gather [spmem:s2], $0x40, s22, s18, $0xb8;
	[tilespmem:$0x1CE60] =	vst v63  }
0xa1: {  	_ = 	snop  }
0xa2: {  	[spmem:s3] =	stream.indirect.scatter.add.f32 [tilespmem:s19], [sflag:$0x2], $0x40, s23, s18, $0xb8;
	[tilespmem:$0x1CE60] =	vst v63  }
0xa3: {  	_ =	swait.ge [sflag:s13], $0x2000  }
0xa4: {  	[sflag:s13] =	ssyncset.done $0x0  }
0xa5: {  	[sflag:s13] =	ssyncadd.s32 $0xFFFFE000  }
0xa6: {  	_ =	swait.ge [sflag:s20], $0x2000  }
0xa7: {  	[sflag:s20] =	ssyncset.done $0x0  }
0xa8: {  	[sflag:s20] =	ssyncadd.s32 $0xFFFFE000  }
0xa9: {  	[spmem:s3] =	stream.indirect.scatter.add.f32 [tilespmem:s21], [sflag:$0x2], $0x40, s24, s18, $0xb8;
	[tilespmem:$0x1CE60] =	vst v63  }
0xaa: {  	_ =	swait.ge [sflag:s13], $0x2000  }
0xab: {  	[sflag:s13] =	ssyncset.done $0x0  }
0xac: {  	[sflag:s13] =	ssyncadd.s32 $0xFFFFE000  }
0xad: {  	[tilespmem:s28], [sflag:$0x1] =	stream.indirect.gather [spmem:s2], $0x40, s26, s25, $0xb8;
	[tilespmem:$0x1CE60] =	vst v63  }
0xae: {  	_ =	swait.ge [sflag:s20], $0x400  }
0xaf: {  	[sflag:s20] =	ssyncset.done $0x0  }
0xb0: {  	[sflag:s20] =	ssyncadd.s32 $0xFFFFFC00  }
0xb1: {  	[spmem:s3] =	stream.indirect.scatter.add.f32 [tilespmem:s28], [sflag:$0x2], $0x40, s29, s25, $0xb8;
	[tilespmem:$0x1CE60] =	vst v63  }
0xb2: {  	_ =	swait.ge [sflag:s13], $0x400  }
0xb3: {  	[sflag:s13] =	ssyncset.done $0x0  }
0xb4: {  	s30 =	sadd.s32 $0x1, s30;
	[sflag:s13] =	ssyncadd.s32 $0xFFFFFC00  }
0xb5: {  	p0 =	sne.s32 s30, s12;
	[bflag:$0x0] =	sbarrier.arrive $0xFFFF  }
0xb6: {  	[hbm:s11], [sflag:s15] =	dma.local [spmem:s17], $0x1400  }
.Ltmp2:
0xb7: {  	_ =	swait.ge [sflag:s13], $0x1400;
	(pc) =	sbr.rel @p0 .LBB2_1-.Ltmp2, $3  }
0xb8: {  	[sflag:s13] =	ssyncset.done $0x0  }
0xb9: {  	[sflag:s13] =	ssyncadd.s32 $0xFFFFEC00  }
0xba: {  	[bflag:$0x0] =	sbarrier.arrive $0xFFFF;
	_ =	sdelay $0x1  }
0xbb: {  	_ =	sfence.sel $0x180000  }
0xbc: {  	[bflag:$0x0] =	sbarrier.arrive $0xFFFF  }
0xbd: {  	_ =	strace $0x9000004D  }
0xbe: {  	s0 =	stileid.u32;
	[bflag:$0x2] =	sbarrier.arrive $0xFFFF  }
0xbf: {  	p0 =	sne.s32 s0, $0x0;
	s0 =	rddreg [dreg:$0x4]  }
0xc0: {  	s0 =	sadd.s32 @!p0 $0x100000, s0  }
0xc1: {  	[sflag:s0] =	ssyncadd.tile.s32 @!p0 $0x1;
	_ =	shalt  }
.Lfunc_end2:
_tile_overlayer_lowered:
.L_overlay_start_2:
0xc2: {  	(tag) =	ssettag $0x2  }
0xc3: {  	s0 =	rddreg [dreg:$0x0];
	s2 =	stileid.u32  }
0xc4: {  	s1 =	rddreg [dreg:$0x1];
	p0 =	sne.s32 s2, $0x0  }
0xc5: {  	s3 =	rddreg [dreg:$0x2];
	[bflag:$0x3] =	sbarrier.arrive $0xFFFF;
	s2 =	simm.s32 @!p0 $0x1C02  }
0xc6: {  	[timem:s3], [sflag:s2] =	dma.local @!p0 [hbm:s0], s1  }
0xc7: {  	s0 =	simm.s32 @!p0 $0x2  }
0xc8: {  	_ =	swait.ge @!p0 [sflag:s0], s1  }
0xc9: {  	s1 =	ssub.s32 @!p0 $0x0, s1;
	[sflag:s0] =	ssyncset.done @!p0 $0x0  }
0xca: {  	[sflag:s0] =	ssyncadd.s32 @!p0 s1  }
0xcb: {  	[bflag:$0x3] =	sbarrier.arrive $0xFFFF  }
0xcc: {  	_ =	shalt  }

// kernel: kernel.9.cloned.1.call-start
scs
__scs_entry_jumppad:
0x0: {  	(pc) =	sbr.rel $0x88, $3  }
0x1: {  	(tag) =	ssettag $0x0;
	lr =	simm.s32 $0x1  }
0x2: {  	[smem:$0x3F98] =	sst lr;
	_ =	strace $0xD0000000  }
0x3: {  	_ = 	snop  }
0x4: {  	_ = 	snop  }
0x5: {  	_ = 	snop  }
0x6: {  	_ = 	snop  }
0x7: {  	_ = 	snop  }
__scs_overlays_trampoline_lowered:
0x8: {  	[smem:$0x3FA7] =	sst s0  }
0x9: {  	[smem:$0x3FA8] =	sst s1  }
0xa: {  	[smem:$0x3FA9] =	sst s2  }
0xb: {  	[smem:$0x3FAA] =	sst s3  }
0xc: {  	[smem:$0x3FAB] =	sst s4  }
0xd: {  	[smem:$0x3FAC] =	sst s5  }
0xe: {  	[smem:$0x3FAD] =	sst s6  }
0xf: {  	[smem:$0x3FAE] =	sst s7  }
0x10: {  	[smem:$0x3FAF] =	sst s8  }
0x11: {  	[smem:$0x3FB0] =	sst s9;
	s0 =	simm.s32 @!p0 $0x0  }
0x12: {  	s1 =	sld [smem:$0x3F96];
	s0 =	simm.s32 @p0 $0x1  }
0x13: {  	[smem:$0x3FB1] =	sst s0;
	s0 =	simm.s32 @!p1 $0x0  }
0x14: {  	s2 =	sld [smem:$0x3F95];
	s0 =	simm.s32 @p1 $0x1  }
0x15: {  	[smem:$0x3FB2] =	sst s0;
	s0 =	simm.s32 @!p2 $0x0  }
0x16: {  	s3 =	sld [smem:$0x3FDB];
	s0 =	simm.s32 @p2 $0x1  }
0x17: {  	s4 =	simm.s32 $0x1BF5;
	[smem:$0x3FB4] =	sst s0  }
0x18: {  	s0 =	sld [smem:$0x3F97];
	_ =	swait.ge [sflag:s4], $0x0  }
0x19: {  	s7 =	sld [smem:$0x3F98]  }
0x1a: {  	s8 =	sadd.s32 $0xFFFFE003, lr  }
0x1b: {  	s9 =	sadd.s32 $0xFFFFFEF7, lr;
	s5 =	simm.s32 $0xFFFFFFFF;
	p2 =	slt.u32 s8, $0xFFFFF086  }
0x1c: {  	p1 =	slt.u32 s9, $0xF7A;
	s5 =	simm.s32 @!p2 $0x0  }
0x1d: {  	s5 =	simm.s32 @p1 $0x1;
	p0 =	seq.s32 s7, s2  }
0x1e: {  	s7 =	smul.u32 @!p0 $0xF7A, s2;
	p2 =	seq.s32 @!p0 s5, $0x0  }
0x1f: {  	s9 =	smul.u32 $0xF7A, s1;
	s8 =	simm.s32 @!p0 $0x1BF5;
	p2 =	por !p2, p0  }
0x20: {  	[sflag:s8] =	ssyncset.s32 @!p0 $0xFFFFF086;
	s6 =	sadd.s32 @!p0 s3, s7;
	s7 =	simm.s32 @!p0 $0x108  }
0x21: {  	s3 =	sadd.s32 s3, s9;
	s6 =	sadd.s32 @!p0 $0x88, s6;
	s7 =	simm.s32 @p2 $0x1082  }
0x22: {  	[simem:s7], [sflag:s8] =	dma.local @!p0 [hbm:s6], $0xF7A  }
0x23: {  	s9 =	sor.u32 $0xD0000000, s2;
	s6 =	simm.s32 $0x108;
	_ =	swait.ge @!p0 [sflag:s8], $0x0  }
0x24: {  	s3 =	sadd.s32 $0x88, s3;
	s6 =	simm.s32 @!p1 $0x1082;
	[sflag:s4] =	ssyncset.s32 $0xFFFFF086  }
0x25: {  	[simem:s6], [sflag:s4] =	dma.local [hbm:s3], $0xF7A  }
0x26: {  	[smem:$0x3F98] =	sst s1;
	(tag) =	ssettag s2;
	_ =	strace s9  }
0x27: {  	s1 =	sld [smem:$0x3FA8]  }
0x28: {  	s2 =	sld [smem:$0x3FA9]  }
0x29: {  	s4 =	sld [smem:$0x3FAB]  }
0x2a: {  	p0 =	seq.s32 s5, $0x0;
	s5 =	sld [smem:$0x3FAC]  }
0x2b: {  	s6 =	sld [smem:$0x3FAD]  }
0x2c: {  	s7 =	sld [smem:$0x3FAE]  }
0x2d: {  	s3 =	simm.s32 $0x108;
	s8 =	sld [smem:$0x3FAF]  }
0x2e: {  	s3 =	simm.s32 @!p0 $0x1082;
	s9 =	sld [smem:$0x3FB0]  }
0x2f: {  	lr =	sadd.s32 s0, s3;
	s0 =	sld [smem:$0x3FA7]  }
0x30: {  	s3 =	sld [smem:$0x3FAA]  }
0x31: {  	[smem:$0x3FB3] =	sst s10  }
0x32: {  	s10 =	sld [smem:$0x3FB1];
	_ =	sdelay $0x3  }
0x33: {  	p0 =	seq.s32 s10, $0x1;
	s10 =	sld [smem:$0x3FB3];
	_ =	sdelay $0x3  }
0x34: {  	[smem:$0x3FB3] =	sst s10  }
0x35: {  	s10 =	sld [smem:$0x3FB2];
	_ =	sdelay $0x3  }
0x36: {  	p1 =	seq.s32 s10, $0x1;
	s10 =	sld [smem:$0x3FB3];
	_ =	sdelay $0x3  }
0x37: {  	[smem:$0x3FB3] =	sst s10  }
0x38: {  	s10 =	sld [smem:$0x3FB4]  }
0x39: {  	_ = 	snop;
	(pc) =	sbr.ind lr, $3  }
0x3a: {  	_ = 	snop  }
0x3b: {  	_ = 	snop  }
0x3c: {  	p2 =	seq.s32 s10, $0x1;
	s10 =	sld [smem:$0x3FB3]  }
0x3d: {  	_ =	shalt  }
0x3e: {  	_ =	shalt  }
0x3f: {  	_ =	shalt  }
0x40: {  	_ =	shalt  }
0x41: {  	_ =	shalt  }
0x42: {  	_ =	shalt  }
0x43: {  	_ =	shalt  }
0x44: {  	_ =	shalt  }
0x45: {  	_ =	shalt  }
0x46: {  	_ =	shalt  }
0x47: {  	_ =	shalt  }
0x48: {  	_ =	shalt  }
0x49: {  	_ =	shalt  }
0x4a: {  	_ =	shalt  }
0x4b: {  	_ =	shalt  }
0x4c: {  	_ =	shalt  }
0x4d: {  	_ =	shalt  }
0x4e: {  	_ =	shalt  }
0x4f: {  	_ =	shalt  }
0x50: {  	_ =	shalt  }
0x51: {  	_ =	shalt  }
0x52: {  	_ =	shalt  }
0x53: {  	_ =	shalt  }
0x54: {  	_ =	shalt  }
0x55: {  	_ =	shalt  }
0x56: {  	_ =	shalt  }
0x57: {  	_ =	shalt  }
0x58: {  	_ =	shalt  }
0x59: {  	_ =	shalt  }
0x5a: {  	_ =	shalt  }
0x5b: {  	_ =	shalt  }
0x5c: {  	_ =	shalt  }
0x5d: {  	_ =	shalt  }
0x5e: {  	_ =	shalt  }
0x5f: {  	_ =	shalt  }
0x60: {  	_ =	shalt  }
0x61: {  	_ =	shalt  }
0x62: {  	_ =	shalt  }
0x63: {  	_ =	shalt  }
0x64: {  	_ =	shalt  }
0x65: {  	_ =	shalt  }
0x66: {  	_ =	shalt  }
0x67: {  	_ =	shalt  }
0x68: {  	_ =	shalt  }
0x69: {  	_ =	shalt  }
0x6a: {  	_ =	shalt  }
0x6b: {  	_ =	shalt  }
0x6c: {  	_ =	shalt  }
0x6d: {  	_ =	shalt  }
0x6e: {  	_ =	shalt  }
0x6f: {  	_ =	shalt  }
0x70: {  	_ =	shalt  }
0x71: {  	_ =	shalt  }
0x72: {  	_ =	shalt  }
0x73: {  	_ =	shalt  }
0x74: {  	_ =	shalt  }
0x75: {  	_ =	shalt  }
0x76: {  	_ =	shalt  }
0x77: {  	_ =	shalt  }
0x78: {  	_ =	shalt  }
0x79: {  	_ =	shalt  }
0x7a: {  	_ =	shalt  }
0x7b: {  	_ =	shalt  }
0x7c: {  	_ =	shalt  }
0x7d: {  	_ =	shalt  }
0x7e: {  	_ =	shalt  }
0x7f: {  	_ =	shalt  }
0x80: {  	_ =	shalt  }
0x81: {  	_ =	shalt  }
0x82: {  	_ =	shalt  }
0x83: {  	_ =	shalt  }
0x84: {  	_ =	shalt  }
0x85: {  	_ =	shalt  }
0x86: {  	_ =	shalt  }
0x87: {  	_ =	shalt  }
.Lfunc_end0:
.L_simem_size_0:
called_computation_lowered:
.L_overlay_start_0:
0x88: {  	s2 =	sld [smem:$0x3FD9]  }
0x89: {  	s3 =	sld [smem:$0x3FFE];
	_ =	sdelay $0x1  }
0x8a: {  	s1 =	srdreg.scid  }
0x8b: {  	s0 =	sand.u32 $0x1, s1  }
0x8c: {  	s17 =	sshll.u32 s0, $0xA;
	s2 =	sadd.s32 s3, s2  }
0x8d: {  	s2 =	sadd.s32 s2, s17  }
0x8e: {  	[smem:$0x3FBF] =	sst s2  }
0x8f: {  	_ = 	snop  }
0x90: {  	s2 =	sld [smem:$0x3FD0];
	(tm) =	ssettm $0x1  }
0x91: {  	s18 =	sld [smem:$0x3FFB];
	_ =	sdelay $0x3  }
0x92: {  	_ =	strace s18  }
0x93: {  	s3 =	sld [smem:$0x3FFC];
	_ =	sdelay $0x3  }
0x94: {  	_ =	strace s3  }
0x95: {  	s3 =	sld [smem:$0x3FFD];
	_ =	sdelay $0x3  }
0x96: {  	_ =	strace s3  }
0x97: {  	_ =	strace $0x8FFFFFFF  }
0x98: {  	s19 =	sld [smem:$0x3FDB];
	_ =	sdelay $0x1  }
0x99: {  	s4 =	simm.s32 $_scs_section_size  }
0x9a: {  	s5 =	simm.s32 $_size__tile_overlayer_lowered;
	s6 =	simm.s32 $_tile_overlayer_lowered  }
0x9b: {  	s22 =	simm.s32 $0x1BFF;
	s21 =	sshll.u32 s6, $0x1;
	s3 =	sadd.s32 s4, s19  }
0x9c: {  	s7 =	simm.s32 $0x0;
	s20 =	sshll.u32 s5, $0x1;
	s5 =	sadd.s32 s21, s3  }
0x9d: {  	[timem:s7], [sflag:s22] =	dma.local [hbm:s5], s20  }
0x9e: {  	_ =	swait.ge [sflag:s22], s20  }
0x9f: {  	s4 =	ssub.s32 $0x0, s20;
	[sflag:s22] =	ssyncset.done $0x0  }
0xa0: {  	[sflag:s22] =	ssyncadd.s32 s4;
	_ =	sdelay $0x1  }
0xa1: {  	s23 =	simm.s32 $0x1B8B  }
0xa2: {  	_ =	swait.ge [sflag:s23], $0x1  }
0xa3: {  	[sflag:s23] =	ssyncset.done $0x0  }
0xa4: {  	s25 =	simm.s32 $0x1B8E;
	s24 =	sld [smem:$0x3FFE];
	[sflag:s23] =	ssyncadd.s32 $0xFFFFFFFF  }
0xa5: {  	s26 =	simm.s32 $execute0_lowered;
	[smem:$0x3FD2] =	sst s25  }
0xa6: {  	s5 =	sshll.u32 s26, $0x1;
	_ =	strace $0x80000046;
	[dreg:$0x1] =	wrdreg $0xFFFFFFFF  }
0xa7: {  	s28 =	simm.s32 $_size_execute0_lowered;
	s3 =	sadd.s32 s3, s5;
	[dreg:$0x0] =	wrdreg $0x0  }
0xa8: {  	s5 =	sshll.u32 s28, $0x1;
	[dreg:$0x2] =	wrdreg s3  }
0xa9: {  	[dreg:$0x3] =	wrdreg s5  }
0xaa: {  	[dreg:$0x4] =	wrdreg $0xC0  }
0xab: {  	_ =	task [dreg:s7], $0x5FFFF  }
0xac: {  	[dreg:$0x1] =	wrdreg $0xFFFFFFFF  }
0xad: {  	[dreg:$0x0] =	wrdreg $0x60  }
0xae: {  	[dreg:$0x2] =	wrdreg s24  }
0xaf: {  	[dreg:$0x3] =	wrdreg s2  }
0xb0: {  	[dreg:$0x4] =	wrdreg $0x9  }
0xb1: {  	_ =	task.clear_ibuf [dreg:s7], $0x5FFFF;
	_ =	strace $0x90000046  }
0xb2: {  	s29 =	simm.s32 $0x9;
	_ =	strace $0x80000048  }
0xb3: {  	_ =	swait.ge [sflag:s29], $0x1  }
0xb4: {  	[sflag:s29] =	ssyncadd.s32 $0xFFFFFFFF  }
0xb5: {  	_ =	strace $0x90000048  }
0xb6: {  	_ =	sfence  }
0xb7: {  	s30 =	sld [smem:$0x0];
	_ =	sdelay $0x2  }
0xb8: {  	s31 =	sshll.u32 s1, $0xD;
	s1 =	sshrl.u32 s1, $0x2  }
0xb9: {  	s3 =	sand.u32 $0x4000, s31;
	s1 =	sadd.s32 s1, s30  }
0xba: {  	s0 =	sor.u32 s3, s0;
	s1 =	sshll.u32 s1, $0x11  }
0xbb: {  	s0 =	sor.u32 s1, s0  }
0xbc: {  	s0 =	sadd.s32 $0x8F2B, s0  }
0xbd: {  	[sflag:s0] =	ssyncadd.remote.s32 $0x1  }
0xbe: {  	_ =	sfence.sel $0xFFFF  }
0xbf: {  	[dreg:$0x0] =	wrdreg $0xFFFFFFFF;
	(pc) =	sbr.abs _section_cstart, $3  }
0xc0: {  	[dreg:$0x1] =	wrdreg $0xFFFFFFFF  }
0xc1: {  	_ =	task.clear_ibuf [dreg:s7], $0x2FFFF;
	_ =	strace $0x9FFFFFFF  }
0xc2: {  	(tm) =	ssettm $0x7FFFFFFF  }
0xc3: {  	_ =	shalt  }
tec
execute0_lowered:
.L_overlay_start_1:
0x0: {  	(tag) =	ssettag $0x1  }
0x1: {  	s5 =	rddreg [dreg:$0x0]  }
0x2: {  	s0 =	srdreg.scid;
	s2 =	rddreg [dreg:$0x1]  }
0x3: {  	s3 =	simm.s32 $0x0;
	s14 =	simm.s32 $0x1;
	s15 =	simm.s32 $0x80  }
0x4: {  	s16 =	simm.s32 $0x400;
	s17 =	simm.s32 $0x0;
	s4 =	sand.u32 $0x1, s0  }
0x5: {  	s0 =	stileid.u32;
	[smem:$0x7FF] =	sst s3;
	s11 =	sadd.s32 $0x29000, s5  }
0x6: {  	s1 =	sshll.u32 s4, $0x4;
	s7 =	sshrl.u32 s0, $0x3;
	s8 =	smul.u32 $0x28000, s4  }
0x7: {  	s4 =	ssub.s32 $0x2, s4;
	s6 =	sor.u32 s0, s1;
	s7 =	smul.u32 $0x14000, s7  }
0x8: {  	s29 =	sshll.u32 s0, $0x7;
	s9 =	sshrl.u32 s4, $0x1;
	s6 =	smul.u32 $0x4E2, s6  }
0x9: {  	s1 =	rddreg [dreg:$0x2];
	_ =	strace $0x80000047;
	s12 =	ssub.s32 s4, s9  }
0xa: {  	s7 =	sadd.s32 s8, s7;
	s10 =	sadd.s32 s6, s5;
	s6 =	sand.u32 $0x380, s29  }
0xb: {  	s12 =	smax.u32 s12, $0x1;
	s8 =	sor.u32 s6, s7;
	s4 =	sadd.s32 $0x1800, s10  }
0xc: {  	s6 =	sadd.s32 $0xB600, s10;
	s30 =	sshrl.u32 s8, $0x3;
	s7 =	sadd.s32 $0x50000, s8  }
0xd: {  	s31 =	sadd.s32 $0xA0000, s8;
	s13 =	sadd.s32 $0xF0000, s8;
	s8 =	sadd.s32 $0x1F200, s10  }
0xe: {  	s10 =	sadd.s32 $0x15400, s10;
	s5 =	sadd.s32 s11, s30;
	s7 =	sshrl.u32 s7, $0x3  }
0xf: {  	s9 =	sshrl.u32 s31, $0x3;
	s13 =	sshrl.u32 s13, $0x3;
	s7 =	sadd.s32 s11, s7  }
0x10: {  	v0 =	vimm.f32 $1.000000000e+00;
	s9 =	sadd.s32 s11, s9;
	s11 =	sadd.s32 s11, s13;
	s13 =	simm.s32 $0x2780  }
.LBB2_1:
0x11: {  	[tilespmem:s13], [sflag:$0x1] =	stream.linear.gather [hbm4b:s2+s3], $0x2800, $0x38;
	[tilespmem:$0x4F80] =	vst v63  }
0x12: {  	_ =	swait.ge [sflag:s14], $0x2800  }
0x13: {  	[sflag:s14] =	ssyncset.done $0x0  }
0x14: {  	[sflag:s14] =	ssyncadd.s32 $0xFFFFD800  }
0x15: {  	[tilespmem:s3], [sflag:$0x1] =	stream.linear.gather [hbm4b:s4+s3], $0x2710, $0x38;
	[tilespmem:$0x4F80] =	vst v63  }
0x16: {  	_ =	swait.ge [sflag:s14], $0x2710  }
0x17: {  	[sflag:s14] =	ssyncset.done $0x0  }
0x18: {  	s19 =	simm.s32 $0x0;
	s18 =	simm.s32 $0x40;
	[sflag:s14] =	ssyncadd.s32 $0xFFFFD8F0  }
.LBB2_2:
0x19: {  	p0 =	sne.s32 s18, $0x9C00;
	v1 =	vld [tilespmem:s19+$0x0];
	_ =	sdelay $0x3  }
.Ltmp0:
0x1a: {  	(pc) =	sbr.rel @p0 .LBB2_2-.Ltmp0, $2  }
0x1b: {  	_ =	sdelay $0x2  }
0x1c: {  	s19 =	sshra.s32 s18, $0x2;
	s18 =	sadd.s32 $0x40, s18;
	[tilespmem:v1+s13+$0x0] =	vst.idx.add.f32.msk $0xffff, v0  }
0x1d: {  	v1 =	vld [tilespmem:s19+$0x0];
	_ =	sdelay $0x7  }
0x1e: {  	[tilespmem:v1+s13+$0x0] =	vst.idx.add.f32.msk $0xffff, v0  }
0x1f: {  	[hbm4b:s5+s15] =	stream.strided.scatter [tilespmem:s13], [sflag:$0x1], $0x2800, s16, s15, $0x38;
	[tilespmem:$0x4F80] =	vst v63  }
0x20: {  	_ =	swait.ge [sflag:s14], $0x2800  }
0x21: {  	[sflag:s14] =	ssyncset.done $0x0  }
0x22: {  	s18 =	simm.s32 $0x0;
	[sflag:s14] =	ssyncadd.s32 $0xFFFFD800  }
0x23: {  	[tilespmem:s13], [sflag:$0x1] =	stream.linear.gather [hbm4b:s2+s18], $0x2800, $0x38;
	[tilespmem:$0x4F80] =	vst v63  }
0x24: {  	_ =	swait.ge [sflag:s14], $0x2800  }
0x25: {  	[sflag:s14] =	ssyncset.done $0x0  }
0x26: {  	[sflag:s14] =	ssyncadd.s32 $0xFFFFD800  }
0x27: {  	[tilespmem:s18], [sflag:$0x1] =	stream.linear.gather [hbm4b:s6+s18], $0x2710, $0x38;
	[tilespmem:$0x4F80] =	vst v63  }
0x28: {  	_ =	swait.ge [sflag:s14], $0x2710  }
0x29: {  	[sflag:s14] =	ssyncset.done $0x0  }
0x2a: {  	s19 =	simm.s32 $0x0;
	s18 =	simm.s32 $0x40;
	[sflag:s14] =	ssyncadd.s32 $0xFFFFD8F0  }
.LBB2_4:
0x2b: {  	p0 =	sne.s32 s18, $0x9C00;
	v1 =	vld [tilespmem:s19+$0x0];
	_ =	sdelay $0x3  }
.Ltmp1:
0x2c: {  	(pc) =	sbr.rel @p0 .LBB2_4-.Ltmp1, $2  }
0x2d: {  	_ =	sdelay $0x2  }
0x2e: {  	s19 =	sshra.s32 s18, $0x2;
	s18 =	sadd.s32 $0x40, s18;
	[tilespmem:v1+s13+$0x0] =	vst.idx.add.f32.msk $0xffff, v0  }
0x2f: {  	v1 =	vld [tilespmem:s19+$0x0];
	_ =	sdelay $0x7  }
0x30: {  	[tilespmem:v1+s13+$0x0] =	vst.idx.add.f32.msk $0xffff, v0  }
0x31: {  	[hbm4b:s7+s15] =	stream.strided.scatter [tilespmem:s13], [sflag:$0x1], $0x2800, s16, s15, $0x38;
	[tilespmem:$0x4F80] =	vst v63  }
0x32: {  	_ =	swait.ge [sflag:s14], $0x2800  }
0x33: {  	[sflag:s14] =	ssyncset.done $0x0  }
0x34: {  	s18 =	simm.s32 $0x0;
	[sflag:s14] =	ssyncadd.s32 $0xFFFFD800  }
0x35: {  	[tilespmem:s13], [sflag:$0x1] =	stream.linear.gather [hbm4b:s2+s18], $0x2800, $0x38;
	[tilespmem:$0x4F80] =	vst v63  }
0x36: {  	_ =	swait.ge [sflag:s14], $0x2800  }
0x37: {  	[sflag:s14] =	ssyncset.done $0x0  }
0x38: {  	[sflag:s14] =	ssyncadd.s32 $0xFFFFD800  }
0x39: {  	[tilespmem:s18], [sflag:$0x1] =	stream.linear.gather [hbm4b:s8+s18], $0x2710, $0x38;
	[tilespmem:$0x4F80] =	vst v63  }
0x3a: {  	_ =	swait.ge [sflag:s14], $0x2710  }
0x3b: {  	[sflag:s14] =	ssyncset.done $0x0  }
0x3c: {  	s19 =	simm.s32 $0x0;
	s18 =	simm.s32 $0x40;
	[sflag:s14] =	ssyncadd.s32 $0xFFFFD8F0  }
.LBB2_6:
0x3d: {  	p0 =	sne.s32 s18, $0x9C00;
	v1 =	vld [tilespmem:s19+$0x0];
	_ =	sdelay $0x3  }
.Ltmp2:
0x3e: {  	(pc) =	sbr.rel @p0 .LBB2_6-.Ltmp2, $2  }
0x3f: {  	_ =	sdelay $0x2  }
0x40: {  	s19 =	sshra.s32 s18, $0x2;
	s18 =	sadd.s32 $0x40, s18;
	[tilespmem:v1+s13+$0x0] =	vst.idx.add.f32.msk $0xffff, v0  }
0x41: {  	v1 =	vld [tilespmem:s19+$0x0];
	_ =	sdelay $0x7  }
0x42: {  	[tilespmem:v1+s13+$0x0] =	vst.idx.add.f32.msk $0xffff, v0  }
0x43: {  	[hbm4b:s9+s15] =	stream.strided.scatter [tilespmem:s13], [sflag:$0x1], $0x2800, s16, s15, $0x38;
	[tilespmem:$0x4F80] =	vst v63  }
0x44: {  	_ =	swait.ge [sflag:s14], $0x2800  }
0x45: {  	[sflag:s14] =	ssyncset.done $0x0  }
0x46: {  	s18 =	simm.s32 $0x0;
	[sflag:s14] =	ssyncadd.s32 $0xFFFFD800  }
0x47: {  	[tilespmem:s13], [sflag:$0x1] =	stream.linear.gather [hbm4b:s2+s18], $0x2800, $0x38;
	[tilespmem:$0x4F80] =	vst v63  }
0x48: {  	_ =	swait.ge [sflag:s14], $0x2800  }
0x49: {  	[sflag:s14] =	ssyncset.done $0x0  }
0x4a: {  	[sflag:s14] =	ssyncadd.s32 $0xFFFFD800  }
0x4b: {  	[tilespmem:s18], [sflag:$0x1] =	stream.linear.gather [hbm4b:s10+s18], $0x2710, $0x38;
	[tilespmem:$0x4F80] =	vst v63  }
0x4c: {  	_ =	swait.ge [sflag:s14], $0x2710  }
0x4d: {  	[sflag:s14] =	ssyncset.done $0x0  }
0x4e: {  	s19 =	simm.s32 $0x0;
	s18 =	simm.s32 $0x40;
	[sflag:s14] =	ssyncadd.s32 $0xFFFFD8F0  }
.LBB2_8:
0x4f: {  	p0 =	sne.s32 s18, $0x9C00;
	v1 =	vld [tilespmem:s19+$0x0];
	_ =	sdelay $0x3  }
.Ltmp3:
0x50: {  	(pc) =	sbr.rel @p0 .LBB2_8-.Ltmp3, $2  }
0x51: {  	_ =	sdelay $0x2  }
0x52: {  	s19 =	sshra.s32 s18, $0x2;
	s18 =	sadd.s32 $0x40, s18;
	[tilespmem:v1+s13+$0x0] =	vst.idx.add.f32.msk $0xffff, v0  }
0x53: {  	v1 =	vld [tilespmem:s19+$0x0];
	_ =	sdelay $0x5  }
0x54: {  	s17 =	sadd.s32 $0x1, s17  }
0x55: {  	p0 =	sne.s32 s17, s12  }
.Ltmp4:
0x56: {  	[tilespmem:v1+s13+$0x0] =	vst.idx.add.f32.msk $0xffff, v0;
	(pc) =	sbr.rel @p0 .LBB2_1-.Ltmp4, $4  }
0x57: {  	[hbm4b:s11+s15] =	stream.strided.scatter [tilespmem:s13], [sflag:$0x1], $0x2800, s16, s15, $0x38;
	[tilespmem:$0x4F80] =	vst v63  }
0x58: {  	_ =	swait.ge [sflag:s14], $0x2800  }
0x59: {  	[sflag:s14] =	ssyncset.done $0x0  }
0x5a: {  	[sflag:s14] =	ssyncadd.s32 $0xFFFFD800  }
0x5b: {  	_ =	sfence.sel $0x180000  }
0x5c: {  	[bflag:$0x0] =	sbarrier.arrive $0xFFFF  }
0x5d: {  	p0 =	sne.s32 s0, $0x0;
	_ =	strace $0x90000047  }
0x5e: {  	s0 =	sadd.s32 @!p0 $0x100000, s1;
	[bflag:$0x2] =	sbarrier.arrive $0xFFFF  }
0x5f: {  	[sflag:s0] =	ssyncadd.tile.s32 @!p0 $0x1;
	_ =	shalt  }
.Lfunc_end2:
_tile_overlayer_lowered:
.L_overlay_start_2:
0x60: {  	(tag) =	ssettag $0x2  }
0x61: {  	s0 =	rddreg [dreg:$0x0];
	s2 =	stileid.u32  }
0x62: {  	s1 =	rddreg [dreg:$0x1];
	p0 =	sne.s32 s2, $0x0  }
0x63: {  	s3 =	rddreg [dreg:$0x2];
	[bflag:$0x3] =	sbarrier.arrive $0xFFFF;
	s2 =	simm.s32 @!p0 $0x1C01  }
0x64: {  	[timem:s3], [sflag:s2] =	dma.local @!p0 [hbm:s0], s1  }
0x65: {  	s0 =	simm.s32 @!p0 $0x1  }
0x66: {  	_ =	swait.ge @!p0 [sflag:s0], s1  }
0x67: {  	s1 =	ssub.s32 @!p0 $0x0, s1;
	[sflag:s0] =	ssyncset.done @!p0 $0x0  }
0x68: {  	[sflag:s0] =	ssyncadd.s32 @!p0 s1  }
0x69: {  	[bflag:$0x3] =	sbarrier.arrive $0xFFFF  }
0x6a: {  	_ =	shalt  }

</sc_bundles>
